<compile_context>
chip_gen: v7x
topology: tpu7x:2x2x1
jax: 0.10.2.dev20260603
libtpu: 0.0.44.dev20260713+nightly
codegen_flags: <defaults>
</compile_context>

<pallas_src>
import functools

import jax
import jax.numpy as jnp
from jax import lax
from jax.experimental import pallas as pl
from jax.experimental.pallas import tpu as pltpu
from jax.experimental.pallas import tpu_sc as plsc

_NC = 2
_NS = 16
_CHUNK = 128
_NBUF = 8
_C0_SHARE_NUM, _C0_SHARE_DEN = 4, 5


def _make_sc_scatter(n_pad, feat, total_chunks):
  mesh = plsc.VectorSubcoreMesh(core_axis_name="c", subcore_axis_name="s")
  rows_per_tile = n_pad // _NS
  t0 = (total_chunks * _C0_SHARE_NUM // (_C0_SHARE_DEN * _NS * _NBUF)) * (
      _NS * _NBUF)
  m0 = t0 // _NS
  m1 = (total_chunks - t0) // _NS
  assert m1 % _NBUF == 0 and m1 > 0

  @functools.partial(
      pl.kernel,
      out_type=jax.ShapeDtypeStruct((_NC, n_pad, feat), jnp.float32),
      mesh=mesh,
      compiler_params=pltpu.CompilerParams(use_tc_tiling_on_sc=False),
      scratch_types=(
          [pltpu.VMEM((max(m0, m1), _CHUNK), jnp.int32)] * 2
          + [pltpu.VMEM((_CHUNK, feat), jnp.float32)] * _NBUF
          + [pltpu.VMEM_SHARED((n_pad, feat), jnp.float32)]
          + [pltpu.SemaphoreType.DMA] * (3 + 2 * _NBUF)
      ),
  )
  def sc_scatter(p_hbm, edges_hbm, zeros_hbm, out_hbm, *scr):
    src_vm, dst_vm = scr[0], scr[1]
    rows = scr[2:2 + _NBUF]
    agg_sh = scr[2 + _NBUF]
    zsem, isem_s, isem_d = scr[3 + _NBUF:6 + _NBUF]
    gsem = scr[6 + _NBUF:6 + 2 * _NBUF]
    ssem = scr[6 + 2 * _NBUF:6 + 3 * _NBUF]

    c = lax.axis_index("c")
    s = lax.axis_index("s")
    r0 = s * rows_per_tile
    m = jnp.where(c == 0, m0, m1)
    chunk0 = jnp.where(c == 0, s * m0, t0 + s * m1)

    zcp = pltpu.async_copy(zeros_hbm.at[pl.ds(r0, rows_per_tile)],
                           agg_sh.at[pl.ds(r0, rows_per_tile)], zsem)

    @pl.when(c == 0)
    def _():
      pltpu.async_copy(edges_hbm.at[0, pl.ds(chunk0, m0)],
                       src_vm.at[pl.ds(0, m0)], isem_s)
      pltpu.async_copy(edges_hbm.at[1, pl.ds(chunk0, m0)],
                       dst_vm.at[pl.ds(0, m0)], isem_d)
      pltpu.make_async_copy(edges_hbm.at[0, pl.ds(chunk0, m0)],
                            src_vm.at[pl.ds(0, m0)], isem_s).wait()
      pltpu.make_async_copy(edges_hbm.at[1, pl.ds(chunk0, m0)],
                            dst_vm.at[pl.ds(0, m0)], isem_d).wait()

    @pl.when(c != 0)
    def _():
      pltpu.async_copy(edges_hbm.at[0, pl.ds(chunk0, m1)],
                       src_vm.at[pl.ds(0, m1)], isem_s)
      pltpu.async_copy(edges_hbm.at[1, pl.ds(chunk0, m1)],
                       dst_vm.at[pl.ds(0, m1)], isem_d)
      pltpu.make_async_copy(edges_hbm.at[0, pl.ds(chunk0, m1)],
                            src_vm.at[pl.ds(0, m1)], isem_s).wait()
      pltpu.make_async_copy(edges_hbm.at[1, pl.ds(chunk0, m1)],
                            dst_vm.at[pl.ds(0, m1)], isem_d).wait()

    for b in range(_NBUF):
      pltpu.async_copy(p_hbm.at[src_vm.at[b]], rows[b], gsem[b])
    zcp.wait()
    plsc.subcore_barrier()

    def outer(jo, carry):
      j0 = jo * _NBUF
      for b in range(_NBUF):
        j = j0 + b
        pltpu.make_async_copy(p_hbm.at[src_vm.at[j]], rows[b], gsem[b]).wait()
        pltpu.async_copy(rows[b], agg_sh.at[dst_vm.at[j]], ssem[b], add=True)
        jn = j + _NBUF

        @pl.when(jn < m)
        def _():
          pltpu.make_async_copy(rows[b], agg_sh.at[dst_vm.at[j]],
                                ssem[b]).wait()
          pltpu.async_copy(p_hbm.at[src_vm.at[jn]], rows[b], gsem[b])

      return carry

    lax.fori_loop(0, m // _NBUF, outer, 0)
    for b in range(_NBUF):
      j = m - _NBUF + b
      pltpu.make_async_copy(rows[b], agg_sh.at[dst_vm.at[j]], ssem[b]).wait()
    plsc.subcore_barrier()
    pltpu.sync_copy(agg_sh.at[pl.ds(r0, rows_per_tile)],
                    out_hbm.at[c, pl.ds(r0, rows_per_tile)])

  return sc_scatter


def _tc_project(x, w_nbr, w_root, b, block_rows):
  n, d = x.shape
  h = w_nbr.shape[1]

  def body(x_ref, wn_ref, wr_ref, b_ref, p_ref, r_ref):
    xb = x_ref[...]
    p_ref[...] = jnp.dot(xb, wn_ref[...], preferred_element_type=jnp.float32)
    r_ref[...] = (jnp.dot(xb, wr_ref[...], preferred_element_type=jnp.float32)
                  + b_ref[...])

  return pl.pallas_call(
      body,
      grid=(n // block_rows,),
      in_specs=[
          pl.BlockSpec((block_rows, d), lambda i: (i, 0)),
          pl.BlockSpec((d, h), lambda i: (0, 0)),
          pl.BlockSpec((d, h), lambda i: (0, 0)),
          pl.BlockSpec((1, h), lambda i: (0, 0)),
      ],
      out_specs=[
          pl.BlockSpec((block_rows, h), lambda i: (i, 0)),
          pl.BlockSpec((block_rows, h), lambda i: (i, 0)),
      ],
      out_shape=[jax.ShapeDtypeStruct((n, h), jnp.float32)] * 2,
  )(x, w_nbr, w_root, b.reshape(1, h))


def _tc_combine_project(agg, r, alpha, w_nbr, w_root, b, block_rows):
  n, h = r.shape
  h2 = w_nbr.shape[1]

  def body(a0_ref, a1_ref, r_ref, al_ref, wn_ref, wr_ref, b_ref,
           p_ref, r2_ref):
    v = a0_ref[0] + a1_ref[0] + r_ref[...]
    v = jnp.where(v >= 0, v, al_ref[...] * v)
    p_ref[...] = jnp.dot(v, wn_ref[...], preferred_element_type=jnp.float32)
    r2_ref[...] = (jnp.dot(v, wr_ref[...], preferred_element_type=jnp.float32)
                   + b_ref[...])

  return pl.pallas_call(
      body,
      grid=(n // block_rows,),
      in_specs=[
          pl.BlockSpec((1, block_rows, h), lambda i: (0, i, 0)),
          pl.BlockSpec((1, block_rows, h), lambda i: (1, i, 0)),
          pl.BlockSpec((block_rows, h), lambda i: (i, 0)),
          pl.BlockSpec((1, h), lambda i: (0, 0)),
          pl.BlockSpec((h, h2), lambda i: (0, 0)),
          pl.BlockSpec((h, h2), lambda i: (0, 0)),
          pl.BlockSpec((1, h2), lambda i: (0, 0)),
      ],
      out_specs=[
          pl.BlockSpec((block_rows, h2), lambda i: (i, 0)),
          pl.BlockSpec((block_rows, h2), lambda i: (i, 0)),
      ],
      out_shape=[jax.ShapeDtypeStruct((n, h2), jnp.float32)] * 2,
  )(agg, agg, r, jnp.broadcast_to(alpha.reshape(1, 1), (1, h)), w_nbr, w_root,
    b.reshape(1, h2))


def _tc_pool_head(agg, r, alpha, batch3d, w_out, b_out, num_graphs,
                  block_rows):
  n, h = r.shape
  out_dim = w_out.shape[1]
  nblk = n // block_rows

  def body(a0_ref, a1_ref, r_ref, al_ref, bt_ref, wo_ref, bo_ref,
           out_ref, accs_ref, accc_ref):
    i = pl.program_id(0)
    v = a0_ref[0] + a1_ref[0] + r_ref[...]
    v = jnp.where(v >= 0, v, al_ref[...] * v)
    bvals = bt_ref[0]
    gids = lax.broadcasted_iota(jnp.int32, (num_graphs, block_rows), 0)
    onehot = (gids == bvals).astype(jnp.float32)
    sums = jnp.dot(onehot, v, preferred_element_type=jnp.float32)
    cnts = jnp.sum(onehot, axis=1, keepdims=True)

    @pl.when(i == 0)
    def _():
      accs_ref[...] = jnp.zeros_like(accs_ref)
      accc_ref[...] = jnp.zeros_like(accc_ref)

    accs_ref[...] += sums
    accc_ref[...] += cnts

    @pl.when(i == nblk - 1)
    def _():
      pooled = accs_ref[...] / jnp.maximum(accc_ref[...], 1.0)
      out_ref[...] = (jnp.dot(pooled, wo_ref[...],
                              preferred_element_type=jnp.float32)
                      + bo_ref[...])

  return pl.pallas_call(
      body,
      grid=(nblk,),
      in_specs=[
          pl.BlockSpec((1, block_rows, h), lambda i: (0, i, 0)),
          pl.BlockSpec((1, block_rows, h), lambda i: (1, i, 0)),
          pl.BlockSpec((block_rows, h), lambda i: (i, 0)),
          pl.BlockSpec((1, h), lambda i: (0, 0)),
          pl.BlockSpec((1, 1, block_rows), lambda i: (i, 0, 0)),
          pl.BlockSpec((h, out_dim), lambda i: (0, 0)),
          pl.BlockSpec((1, out_dim), lambda i: (0, 0)),
      ],
      out_specs=pl.BlockSpec((num_graphs, out_dim), lambda i: (0, 0)),
      out_shape=jax.ShapeDtypeStruct((num_graphs, out_dim), jnp.float32),
      scratch_shapes=[
          pltpu.VMEM((num_graphs, h), jnp.float32),
          pltpu.VMEM((num_graphs, 1), jnp.float32),
      ],
  )(agg, agg, r, jnp.broadcast_to(alpha.reshape(1, 1), (1, h)), batch3d,
    w_out, b_out.reshape(1, out_dim))


def kernel(x, edge_index, batch, W1_nbr, W1_root, b1, a1, W2_nbr, W2_root,
           b2, a2, W_out, b_out):
  n, d = x.shape
  hid = W1_nbr.shape[1]
  e = edge_index.shape[1]
  num_graphs = 64
  block_rows = 2000

  grain = _CHUNK * _NC * _NS * _NBUF
  e_pad = -(-e // grain) * grain
  total_chunks = e_pad // _CHUNK
  ei = edge_index.astype(jnp.int32)
  pad_vals = jnp.stack([jnp.zeros((e_pad - e,), jnp.int32),
                        jnp.full((e_pad - e,), n, jnp.int32)])
  edges = jnp.concatenate([ei, pad_vals], axis=1).reshape(
      2, total_chunks, _CHUNK)

  n_pad = -(-(n + 1) // (_NS * 8)) * (_NS * 8)
  zeros = jnp.zeros((n_pad, hid), jnp.float32)

  sc_scatter = _make_sc_scatter(n_pad, hid, total_chunks)

  batch3d = batch.astype(jnp.int32).reshape(n // block_rows, 1, block_rows)

  p1, r1 = _tc_project(x, W1_nbr, W1_root, b1, block_rows)
  agg1 = sc_scatter(p1, edges, zeros)
  p2, r2 = _tc_combine_project(agg1, r1, a1, W2_nbr, W2_root, b2, block_rows)
  agg2 = sc_scatter(p2, edges, zeros)
  out = _tc_pool_head(agg2, r2, a2, batch3d, W_out, b_out, num_graphs,
                      block_rows)
  return out

# --- scband reference (transcript-rebuilt; emitter-appended) ---
"""Pipeline reference for scband-higher-order-gnn-efg-66219805770298 (READ-ONLY COPY).

The authoritative reference and input builder live on the scoring server;
editing this copy changes nothing except your own understanding.
"""

import jax, jax.numpy as jnp
import numpy as np

N_NODES = 10000
N_EDGES = 320000
D_FEAT = 128
HIDDEN = 48
OUT = 1
NUM_GRAPHS = 64


def setup_inputs(seed: int = 0) -> dict:
    key = jax.random.key(seed)
    ks = jax.random.split(key, 12)
    x = jax.random.normal(ks[0], (N_NODES, D_FEAT), dtype=jnp.float32)
    edge_index = jax.random.randint(ks[1], (2, N_EDGES), 0, N_NODES, dtype=jnp.int64)
    batch = jnp.sort(jax.random.randint(ks[2], (N_NODES,), 0, NUM_GRAPHS, dtype=jnp.int64))
    # GraphConv 1 params: neighbor weight, root weight, bias
    W1_nbr = jax.random.normal(ks[3], (D_FEAT, HIDDEN), dtype=jnp.float32) * (1.0 / np.sqrt(D_FEAT))
    W1_root = jax.random.normal(ks[4], (D_FEAT, HIDDEN), dtype=jnp.float32) * (1.0 / np.sqrt(D_FEAT))
    b1 = jnp.zeros((HIDDEN,), dtype=jnp.float32)
    a1 = jnp.full((1,), 0.25, dtype=jnp.float32)  # PReLU weight
    # GraphConv 2 params
    W2_nbr = jax.random.normal(ks[5], (HIDDEN, HIDDEN), dtype=jnp.float32) * (1.0 / np.sqrt(HIDDEN))
    W2_root = jax.random.normal(ks[6], (HIDDEN, HIDDEN), dtype=jnp.float32) * (1.0 / np.sqrt(HIDDEN))
    b2 = jnp.zeros((HIDDEN,), dtype=jnp.float32)
    a2 = jnp.full((1,), 0.25, dtype=jnp.float32)
    # output linear
    W_out = jax.random.normal(ks[7], (HIDDEN, OUT), dtype=jnp.float32) * (1.0 / np.sqrt(HIDDEN))
    b_out = jnp.zeros((OUT,), dtype=jnp.float32)
    return {
        "x": x, "edge_index": edge_index, "batch": batch,
        "W1_nbr": W1_nbr, "W1_root": W1_root, "b1": b1, "a1": a1,
        "W2_nbr": W2_nbr, "W2_root": W2_root, "b2": b2, "a2": a2,
        "W_out": W_out, "b_out": b_out,
    }


def _graph_conv(x, edge_index, W_nbr, W_root, b):
    # PyG GraphConv: out_i = W_root x_i + W_nbr * sum_{j in N(i)} x_j  (aggr='add')
    src = edge_index[0]
    dst = edge_index[1]
    msgs = jnp.take(x, src, axis=0)
    agg = jnp.zeros_like(x).at[dst].add(msgs)
    return agg @ W_nbr + x @ W_root + b


def _prelu(x, a):
    return jnp.where(x >= 0, x, a * x)


def reference(x, edge_index, batch, W1_nbr, W1_root, b1, a1, W2_nbr, W2_root, b2, a2, W_out, b_out):
    h = _graph_conv(x, edge_index, W1_nbr, W1_root, b1)
    h = _prelu(h, a1)
    h = _graph_conv(h, edge_index, W2_nbr, W2_root, b2)
    h = _prelu(h, a2)
    # global_mean_pool over graph assignment vector `batch`
    sums = jax.ops.segment_sum(h, batch, num_segments=NUM_GRAPHS)
    counts = jax.ops.segment_sum(jnp.ones((h.shape[0],), dtype=h.dtype), batch, num_segments=NUM_GRAPHS)
    pooled = sums / jnp.clip(counts, 1.0)[:, None]
    out = pooled @ W_out + b_out
    return out

if __name__ == "__main__":
    import jax
    _d = setup_inputs()
    print(jax.jit(kernel)(*tuple(_d.values())))

</pallas_src>

<mosaic_0001>
#map = affine_map<(d0, d1) -> (0, 0)>
#map1 = affine_map<(d0, d1) -> (0, 0, 0)>
module attributes {stable_mosaic.version = 14 : i64} {
  func.func @sc_scatter(%arg0: i32, %arg1: i32, %arg2: memref<10000x48xf32, #tpu.memory_space<hbm>>, %arg3: memref<2x2560x128xi32, #tpu.memory_space<hbm>>, %arg4: memref<10112x48xf32, #tpu.memory_space<hbm>>, %arg5: memref<2x10112x48xf32, #tpu.memory_space<hbm>>, %arg6: memref<128x128xi32, #tpu.memory_space<vmem>>, %arg7: memref<128x128xi32, #tpu.memory_space<vmem>>, %arg8: memref<128x48xf32, #tpu.memory_space<vmem>>, %arg9: memref<128x48xf32, #tpu.memory_space<vmem>>, %arg10: memref<128x48xf32, #tpu.memory_space<vmem>>, %arg11: memref<128x48xf32, #tpu.memory_space<vmem>>, %arg12: memref<128x48xf32, #tpu.memory_space<vmem>>, %arg13: memref<128x48xf32, #tpu.memory_space<vmem>>, %arg14: memref<128x48xf32, #tpu.memory_space<vmem>>, %arg15: memref<128x48xf32, #tpu.memory_space<vmem>>, %arg16: memref<10112x48xf32, #tpu.memory_space<vmem_shared>>, %arg17: memref<!tpu.dma_semaphore, #tpu.memory_space<semaphore_mem>>, %arg18: memref<!tpu.dma_semaphore, #tpu.memory_space<semaphore_mem>>, %arg19: memref<!tpu.dma_semaphore, #tpu.memory_space<semaphore_mem>>, %arg20: memref<!tpu.dma_semaphore, #tpu.memory_space<semaphore_mem>>, %arg21: memref<!tpu.dma_semaphore, #tpu.memory_space<semaphore_mem>>, %arg22: memref<!tpu.dma_semaphore, #tpu.memory_space<semaphore_mem>>, %arg23: memref<!tpu.dma_semaphore, #tpu.memory_space<semaphore_mem>>, %arg24: memref<!tpu.dma_semaphore, #tpu.memory_space<semaphore_mem>>, %arg25: memref<!tpu.dma_semaphore, #tpu.memory_space<semaphore_mem>>, %arg26: memref<!tpu.dma_semaphore, #tpu.memory_space<semaphore_mem>>, %arg27: memref<!tpu.dma_semaphore, #tpu.memory_space<semaphore_mem>>, %arg28: memref<!tpu.dma_semaphore, #tpu.memory_space<semaphore_mem>>, %arg29: memref<!tpu.dma_semaphore, #tpu.memory_space<semaphore_mem>>, %arg30: memref<!tpu.dma_semaphore, #tpu.memory_space<semaphore_mem>>, %arg31: memref<!tpu.dma_semaphore, #tpu.memory_space<semaphore_mem>>, %arg32: memref<!tpu.dma_semaphore, #tpu.memory_space<semaphore_mem>>, %arg33: memref<!tpu.dma_semaphore, #tpu.memory_space<semaphore_mem>>, %arg34: memref<!tpu.dma_semaphore, #tpu.memory_space<semaphore_mem>>, %arg35: memref<!tpu.dma_semaphore, #tpu.memory_space<semaphore_mem>>) attributes {dimension_semantics = [#tpu.dimension_semantics<core_parallel>, #tpu.dimension_semantics<subcore_parallel>], iteration_bounds = array<i64: 2, 16>, scalar_prefetch = 0 : i64, scratch_operands = 30 : i64, tpu.core_type = #tpu.core_type<sc_vector_subcore>, window_params = [{transform_indices = #map}, {transform_indices = #map1}, {transform_indices = #map}, {transform_indices = #map1}]} {
    %mul3A = arith.constant 632 : i32
    %mul3A_0 = arith.muli %arg1, %mul3A : i32
    %eq3A = arith.constant 0 : i32
    %eq3A_1 = arith.cmpi eq, %arg0, %eq3A : i32
    %jit3A = arith.constant 128 : i32
    %jit3A_2 = arith.constant 32 : i32
    %select_n3A = arith.select %eq3A_1, %jit3A, %jit3A_2 : i32
    %eq3A_3 = arith.constant 0 : i32
    %eq3A_4 = arith.cmpi eq, %arg0, %eq3A_3 : i32
    %mul3A_5 = arith.constant 128 : i32
    %mul3A_6 = arith.muli %arg1, %mul3A_5 : i32
    %mul3A_7 = arith.constant 32 : i32
    %mul3A_8 = arith.muli %arg1, %mul3A_7 : i32
    %add3A = arith.constant 2048 : i32
    %add3A_9 = arith.addi %add3A, %mul3A_8 : i32
    %select_n3A_10 = arith.select %eq3A_4, %mul3A_6, %add3A_9 : i32
    %dma_start3A = arith.constant 0 : i32
    %dma_start3A_11 = tpu.memref_slice %arg16[%mul3A_0, %dma_start3A] : memref<10112x48xf32, #tpu.memory_space<vmem_shared>> -> memref<632x48xf32, #tpu.memory_space<vmem_shared>>
    %dma_start3A_12 = arith.constant 0 : i32
    %dma_start3A_13 = tpu.memref_slice %arg4[%mul3A_0, %dma_start3A_12] : memref<10112x48xf32, #tpu.memory_space<hbm>> -> memref<632x48xf32, #tpu.memory_space<hbm>>
    tpu.enqueue_dma source(%dma_start3A_13 : memref<632x48xf32, #tpu.memory_space<hbm>>) target(%dma_start3A_11 : memref<632x48xf32, #tpu.memory_space<vmem_shared>>) target_semaphore(%arg17 : memref<!tpu.dma_semaphore, #tpu.memory_space<semaphore_mem>>)
    %eq3A_14 = arith.constant 0 : i32
    %eq3A_15 = arith.cmpi eq, %arg0, %eq3A_14 : i32
    %convert_element_type3A = arith.extui %eq3A_15 : i1 to i32
    %cond3A = arith.constant 0 : i32
    %cond3A_16 = arith.cmpi ne, %convert_element_type3A, %cond3A : i32
    scf.if %cond3A_16 {
      %dma_start3A_189 = arith.constant 0 : i32
      %dma_start3A_190 = arith.constant 0 : i32
      %dma_start3A_191 = arith.constant 0 : i32
      %dma_start3A_192 = tpu.memref_slice %arg6[%dma_start3A_190, %dma_start3A_191] : memref<128x128xi32, #tpu.memory_space<vmem>> -> memref<128x128xi32, #tpu.memory_space<vmem>>
      %dma_start3A_193 = arith.constant 0 : i32
      %dma_start3A_194 = tpu.memref_slice %arg3[%dma_start3A_189, %select_n3A_10, %dma_start3A_193] : memref<2x2560x128xi32, #tpu.memory_space<hbm>> -> memref<1x128x128xi32, #tpu.memory_space<hbm>>
      %dma_start3A_195 = tpu.memref_squeeze %dma_start3A_194 : memref<1x128x128xi32, #tpu.memory_space<hbm>> -> memref<128x128xi32, #tpu.memory_space<hbm>>
      %dma_start3A_196 = arith.constant 0 : i32
      %dma_start3A_197 = arith.constant 0 : i32
      %dma_start3A_198 = tpu.memref_slice %arg6[%dma_start3A_196, %dma_start3A_197] : memref<128x128xi32, #tpu.memory_space<vmem>> -> memref<128x128xi32, #tpu.memory_space<vmem>>
      %dma_start3A_199 = arith.constant 0 : i32
      %dma_start3A_200 = tpu.memref_slice %arg3[%dma_start3A_189, %select_n3A_10, %dma_start3A_199] : memref<2x2560x128xi32, #tpu.memory_space<hbm>> -> memref<1x128x128xi32, #tpu.memory_space<hbm>>
      %dma_start3A_201 = tpu.memref_squeeze %dma_start3A_200 : memref<1x128x128xi32, #tpu.memory_space<hbm>> -> memref<128x128xi32, #tpu.memory_space<hbm>>
      tpu.enqueue_dma source(%dma_start3A_201 : memref<128x128xi32, #tpu.memory_space<hbm>>) target(%dma_start3A_198 : memref<128x128xi32, #tpu.memory_space<vmem>>) target_semaphore(%arg18 : memref<!tpu.dma_semaphore, #tpu.memory_space<semaphore_mem>>)
      %dma_start3A_202 = arith.constant 1 : i32
      %dma_start3A_203 = arith.constant 0 : i32
      %dma_start3A_204 = arith.constant 0 : i32
      %dma_start3A_205 = tpu.memref_slice %arg7[%dma_start3A_203, %dma_start3A_204] : memref<128x128xi32, #tpu.memory_space<vmem>> -> memref<128x128xi32, #tpu.memory_space<vmem>>
      %dma_start3A_206 = arith.constant 0 : i32
      %dma_start3A_207 = tpu.memref_slice %arg3[%dma_start3A_202, %select_n3A_10, %dma_start3A_206] : memref<2x2560x128xi32, #tpu.memory_space<hbm>> -> memref<1x128x128xi32, #tpu.memory_space<hbm>>
      %dma_start3A_208 = tpu.memref_squeeze %dma_start3A_207 : memref<1x128x128xi32, #tpu.memory_space<hbm>> -> memref<128x128xi32, #tpu.memory_space<hbm>>
      %dma_start3A_209 = arith.constant 0 : i32
      %dma_start3A_210 = arith.constant 0 : i32
      %dma_start3A_211 = tpu.memref_slice %arg7[%dma_start3A_209, %dma_start3A_210] : memref<128x128xi32, #tpu.memory_space<vmem>> -> memref<128x128xi32, #tpu.memory_space<vmem>>
      %dma_start3A_212 = arith.constant 0 : i32
      %dma_start3A_213 = tpu.memref_slice %arg3[%dma_start3A_202, %select_n3A_10, %dma_start3A_212] : memref<2x2560x128xi32, #tpu.memory_space<hbm>> -> memref<1x128x128xi32, #tpu.memory_space<hbm>>
      %dma_start3A_214 = tpu.memref_squeeze %dma_start3A_213 : memref<1x128x128xi32, #tpu.memory_space<hbm>> -> memref<128x128xi32, #tpu.memory_space<hbm>>
      tpu.enqueue_dma source(%dma_start3A_214 : memref<128x128xi32, #tpu.memory_space<hbm>>) target(%dma_start3A_211 : memref<128x128xi32, #tpu.memory_space<vmem>>) target_semaphore(%arg19 : memref<!tpu.dma_semaphore, #tpu.memory_space<semaphore_mem>>)
      %dma_wait3A_215 = arith.constant 0 : i32
      %dma_wait3A_216 = arith.constant 0 : i32
      %dma_wait3A_217 = arith.constant 0 : i32
      %dma_wait3A_218 = tpu.memref_slice %arg6[%dma_wait3A_216, %dma_wait3A_217] : memref<128x128xi32, #tpu.memory_space<vmem>> -> memref<128x128xi32, #tpu.memory_space<vmem>>
      %dma_wait3A_219 = arith.constant 0 : i32
      %dma_wait3A_220 = tpu.memref_slice %arg3[%dma_wait3A_215, %select_n3A_10, %dma_wait3A_219] : memref<2x2560x128xi32, #tpu.memory_space<hbm>> -> memref<1x128x128xi32, #tpu.memory_space<hbm>>
      %dma_wait3A_221 = tpu.memref_squeeze %dma_wait3A_220 : memref<1x128x128xi32, #tpu.memory_space<hbm>> -> memref<128x128xi32, #tpu.memory_space<hbm>>
      %dma_wait3A_222 = arith.constant 0 : i32
      %dma_wait3A_223 = arith.constant 0 : i32
      %dma_wait3A_224 = tpu.memref_slice %arg6[%dma_wait3A_222, %dma_wait3A_223] : memref<128x128xi32, #tpu.memory_space<vmem>> -> memref<128x128xi32, #tpu.memory_space<vmem>>
      %dma_wait3A_225 = arith.constant 0 : i32
      %dma_wait3A_226 = tpu.memref_slice %arg3[%dma_wait3A_215, %select_n3A_10, %dma_wait3A_225] : memref<2x2560x128xi32, #tpu.memory_space<hbm>> -> memref<1x128x128xi32, #tpu.memory_space<hbm>>
      %dma_wait3A_227 = tpu.memref_squeeze %dma_wait3A_226 : memref<1x128x128xi32, #tpu.memory_space<hbm>> -> memref<128x128xi32, #tpu.memory_space<hbm>>
      tpu.wait_dma2 semaphore(%arg18 : memref<!tpu.dma_semaphore, #tpu.memory_space<semaphore_mem>>) src(%dma_wait3A_227 : memref<128x128xi32, #tpu.memory_space<hbm>>) dst(%dma_wait3A_224 : memref<128x128xi32, #tpu.memory_space<vmem>>)
      %dma_wait3A_228 = arith.constant 1 : i32
      %dma_wait3A_229 = arith.constant 0 : i32
      %dma_wait3A_230 = arith.constant 0 : i32
      %dma_wait3A_231 = tpu.memref_slice %arg7[%dma_wait3A_229, %dma_wait3A_230] : memref<128x128xi32, #tpu.memory_space<vmem>> -> memref<128x128xi32, #tpu.memory_space<vmem>>
      %dma_wait3A_232 = arith.constant 0 : i32
      %dma_wait3A_233 = tpu.memref_slice %arg3[%dma_wait3A_228, %select_n3A_10, %dma_wait3A_232] : memref<2x2560x128xi32, #tpu.memory_space<hbm>> -> memref<1x128x128xi32, #tpu.memory_space<hbm>>
      %dma_wait3A_234 = tpu.memref_squeeze %dma_wait3A_233 : memref<1x128x128xi32, #tpu.memory_space<hbm>> -> memref<128x128xi32, #tpu.memory_space<hbm>>
      %dma_wait3A_235 = arith.constant 0 : i32
      %dma_wait3A_236 = arith.constant 0 : i32
      %dma_wait3A_237 = tpu.memref_slice %arg7[%dma_wait3A_235, %dma_wait3A_236] : memref<128x128xi32, #tpu.memory_space<vmem>> -> memref<128x128xi32, #tpu.memory_space<vmem>>
      %dma_wait3A_238 = arith.constant 0 : i32
      %dma_wait3A_239 = tpu.memref_slice %arg3[%dma_wait3A_228, %select_n3A_10, %dma_wait3A_238] : memref<2x2560x128xi32, #tpu.memory_space<hbm>> -> memref<1x128x128xi32, #tpu.memory_space<hbm>>
      %dma_wait3A_240 = tpu.memref_squeeze %dma_wait3A_239 : memref<1x128x128xi32, #tpu.memory_space<hbm>> -> memref<128x128xi32, #tpu.memory_space<hbm>>
      tpu.wait_dma2 semaphore(%arg19 : memref<!tpu.dma_semaphore, #tpu.memory_space<semaphore_mem>>) src(%dma_wait3A_240 : memref<128x128xi32, #tpu.memory_space<hbm>>) dst(%dma_wait3A_237 : memref<128x128xi32, #tpu.memory_space<vmem>>)
    } else {
    }
    %ne3A = arith.constant 0 : i32
    %ne3A_17 = arith.cmpi ne, %arg0, %ne3A : i32
    %convert_element_type3A_18 = arith.extui %ne3A_17 : i1 to i32
    %cond3A_19 = arith.constant 0 : i32
    %cond3A_20 = arith.cmpi ne, %convert_element_type3A_18, %cond3A_19 : i32
    scf.if %cond3A_20 {
      %dma_start3A_189 = arith.constant 0 : i32
      %dma_start3A_190 = arith.constant 0 : i32
      %dma_start3A_191 = arith.constant 0 : i32
      %dma_start3A_192 = tpu.memref_slice %arg6[%dma_start3A_190, %dma_start3A_191] : memref<128x128xi32, #tpu.memory_space<vmem>> -> memref<32x128xi32, #tpu.memory_space<vmem>>
      %dma_start3A_193 = arith.constant 0 : i32
      %dma_start3A_194 = tpu.memref_slice %arg3[%dma_start3A_189, %select_n3A_10, %dma_start3A_193] : memref<2x2560x128xi32, #tpu.memory_space<hbm>> -> memref<1x32x128xi32, #tpu.memory_space<hbm>>
      %dma_start3A_195 = tpu.memref_squeeze %dma_start3A_194 : memref<1x32x128xi32, #tpu.memory_space<hbm>> -> memref<32x128xi32, #tpu.memory_space<hbm>>
      %dma_start3A_196 = arith.constant 0 : i32
      %dma_start3A_197 = arith.constant 0 : i32
      %dma_start3A_198 = tpu.memref_slice %arg6[%dma_start3A_196, %dma_start3A_197] : memref<128x128xi32, #tpu.memory_space<vmem>> -> memref<32x128xi32, #tpu.memory_space<vmem>>
      %dma_start3A_199 = arith.constant 0 : i32
      %dma_start3A_200 = tpu.memref_slice %arg3[%dma_start3A_189, %select_n3A_10, %dma_start3A_199] : memref<2x2560x128xi32, #tpu.memory_space<hbm>> -> memref<1x32x128xi32, #tpu.memory_space<hbm>>
      %dma_start3A_201 = tpu.memref_squeeze %dma_start3A_200 : memref<1x32x128xi32, #tpu.memory_space<hbm>> -> memref<32x128xi32, #tpu.memory_space<hbm>>
      tpu.enqueue_dma source(%dma_start3A_201 : memref<32x128xi32, #tpu.memory_space<hbm>>) target(%dma_start3A_198 : memref<32x128xi32, #tpu.memory_space<vmem>>) target_semaphore(%arg18 : memref<!tpu.dma_semaphore, #tpu.memory_space<semaphore_mem>>)
      %dma_start3A_202 = arith.constant 1 : i32
      %dma_start3A_203 = arith.constant 0 : i32
      %dma_start3A_204 = arith.constant 0 : i32
      %dma_start3A_205 = tpu.memref_slice %arg7[%dma_start3A_203, %dma_start3A_204] : memref<128x128xi32, #tpu.memory_space<vmem>> -> memref<32x128xi32, #tpu.memory_space<vmem>>
      %dma_start3A_206 = arith.constant 0 : i32
      %dma_start3A_207 = tpu.memref_slice %arg3[%dma_start3A_202, %select_n3A_10, %dma_start3A_206] : memref<2x2560x128xi32, #tpu.memory_space<hbm>> -> memref<1x32x128xi32, #tpu.memory_space<hbm>>
      %dma_start3A_208 = tpu.memref_squeeze %dma_start3A_207 : memref<1x32x128xi32, #tpu.memory_space<hbm>> -> memref<32x128xi32, #tpu.memory_space<hbm>>
      %dma_start3A_209 = arith.constant 0 : i32
      %dma_start3A_210 = arith.constant 0 : i32
      %dma_start3A_211 = tpu.memref_slice %arg7[%dma_start3A_209, %dma_start3A_210] : memref<128x128xi32, #tpu.memory_space<vmem>> -> memref<32x128xi32, #tpu.memory_space<vmem>>
      %dma_start3A_212 = arith.constant 0 : i32
      %dma_start3A_213 = tpu.memref_slice %arg3[%dma_start3A_202, %select_n3A_10, %dma_start3A_212] : memref<2x2560x128xi32, #tpu.memory_space<hbm>> -> memref<1x32x128xi32, #tpu.memory_space<hbm>>
      %dma_start3A_214 = tpu.memref_squeeze %dma_start3A_213 : memref<1x32x128xi32, #tpu.memory_space<hbm>> -> memref<32x128xi32, #tpu.memory_space<hbm>>
      tpu.enqueue_dma source(%dma_start3A_214 : memref<32x128xi32, #tpu.memory_space<hbm>>) target(%dma_start3A_211 : memref<32x128xi32, #tpu.memory_space<vmem>>) target_semaphore(%arg19 : memref<!tpu.dma_semaphore, #tpu.memory_space<semaphore_mem>>)
      %dma_wait3A_215 = arith.constant 0 : i32
      %dma_wait3A_216 = arith.constant 0 : i32
      %dma_wait3A_217 = arith.constant 0 : i32
      %dma_wait3A_218 = tpu.memref_slice %arg6[%dma_wait3A_216, %dma_wait3A_217] : memref<128x128xi32, #tpu.memory_space<vmem>> -> memref<32x128xi32, #tpu.memory_space<vmem>>
      %dma_wait3A_219 = arith.constant 0 : i32
      %dma_wait3A_220 = tpu.memref_slice %arg3[%dma_wait3A_215, %select_n3A_10, %dma_wait3A_219] : memref<2x2560x128xi32, #tpu.memory_space<hbm>> -> memref<1x32x128xi32, #tpu.memory_space<hbm>>
      %dma_wait3A_221 = tpu.memref_squeeze %dma_wait3A_220 : memref<1x32x128xi32, #tpu.memory_space<hbm>> -> memref<32x128xi32, #tpu.memory_space<hbm>>
      %dma_wait3A_222 = arith.constant 0 : i32
      %dma_wait3A_223 = arith.constant 0 : i32
      %dma_wait3A_224 = tpu.memref_slice %arg6[%dma_wait3A_222, %dma_wait3A_223] : memref<128x128xi32, #tpu.memory_space<vmem>> -> memref<32x128xi32, #tpu.memory_space<vmem>>
      %dma_wait3A_225 = arith.constant 0 : i32
      %dma_wait3A_226 = tpu.memref_slice %arg3[%dma_wait3A_215, %select_n3A_10, %dma_wait3A_225] : memref<2x2560x128xi32, #tpu.memory_space<hbm>> -> memref<1x32x128xi32, #tpu.memory_space<hbm>>
      %dma_wait3A_227 = tpu.memref_squeeze %dma_wait3A_226 : memref<1x32x128xi32, #tpu.memory_space<hbm>> -> memref<32x128xi32, #tpu.memory_space<hbm>>
      tpu.wait_dma2 semaphore(%arg18 : memref<!tpu.dma_semaphore, #tpu.memory_space<semaphore_mem>>) src(%dma_wait3A_227 : memref<32x128xi32, #tpu.memory_space<hbm>>) dst(%dma_wait3A_224 : memref<32x128xi32, #tpu.memory_space<vmem>>)
      %dma_wait3A_228 = arith.constant 1 : i32
      %dma_wait3A_229 = arith.constant 0 : i32
      %dma_wait3A_230 = arith.constant 0 : i32
      %dma_wait3A_231 = tpu.memref_slice %arg7[%dma_wait3A_229, %dma_wait3A_230] : memref<128x128xi32, #tpu.memory_space<vmem>> -> memref<32x128xi32, #tpu.memory_space<vmem>>
      %dma_wait3A_232 = arith.constant 0 : i32
      %dma_wait3A_233 = tpu.memref_slice %arg3[%dma_wait3A_228, %select_n3A_10, %dma_wait3A_232] : memref<2x2560x128xi32, #tpu.memory_space<hbm>> -> memref<1x32x128xi32, #tpu.memory_space<hbm>>
      %dma_wait3A_234 = tpu.memref_squeeze %dma_wait3A_233 : memref<1x32x128xi32, #tpu.memory_space<hbm>> -> memref<32x128xi32, #tpu.memory_space<hbm>>
      %dma_wait3A_235 = arith.constant 0 : i32
      %dma_wait3A_236 = arith.constant 0 : i32
      %dma_wait3A_237 = tpu.memref_slice %arg7[%dma_wait3A_235, %dma_wait3A_236] : memref<128x128xi32, #tpu.memory_space<vmem>> -> memref<32x128xi32, #tpu.memory_space<vmem>>
      %dma_wait3A_238 = arith.constant 0 : i32
      %dma_wait3A_239 = tpu.memref_slice %arg3[%dma_wait3A_228, %select_n3A_10, %dma_wait3A_238] : memref<2x2560x128xi32, #tpu.memory_space<hbm>> -> memref<1x32x128xi32, #tpu.memory_space<hbm>>
      %dma_wait3A_240 = tpu.memref_squeeze %dma_wait3A_239 : memref<1x32x128xi32, #tpu.memory_space<hbm>> -> memref<32x128xi32, #tpu.memory_space<hbm>>
      tpu.wait_dma2 semaphore(%arg19 : memref<!tpu.dma_semaphore, #tpu.memory_space<semaphore_mem>>) src(%dma_wait3A_240 : memref<32x128xi32, #tpu.memory_space<hbm>>) dst(%dma_wait3A_237 : memref<32x128xi32, #tpu.memory_space<vmem>>)
    } else {
    }
    %dma_start3A_21 = arith.constant 0 : i32
    %dma_start3A_22 = arith.constant 0 : i32
    %dma_start3A_23 = tpu.memref_slice %arg6[%dma_start3A_21, %dma_start3A_22] : memref<128x128xi32, #tpu.memory_space<vmem>> -> memref<1x128xi32, #tpu.memory_space<vmem>>
    %dma_start3A_24 = tpu.memref_squeeze %dma_start3A_23 : memref<1x128xi32, #tpu.memory_space<vmem>> -> memref<128xi32, #tpu.memory_space<vmem>>
    %dma_start3A_25 = arith.constant 0 : i32
    %dma_start3A_26 = arith.constant 0 : i32
    %dma_start3A_27 = tpu.memref_slice %arg2[%dma_start3A_25, %dma_start3A_26] : memref<10000x48xf32, #tpu.memory_space<hbm>> -> memref<10000x48xf32, #tpu.memory_space<hbm>>
    tpu.enqueue_indirect_dma source(%dma_start3A_27 : memref<10000x48xf32, #tpu.memory_space<hbm>>) target(%arg8 : memref<128x48xf32, #tpu.memory_space<vmem>>) offsets(%dma_start3A_24 : memref<128xi32, #tpu.memory_space<vmem>>) semaphore(%arg20 : memref<!tpu.dma_semaphore, #tpu.memory_space<semaphore_mem>>)
    %dma_start3A_28 = arith.constant 1 : i32
    %dma_start3A_29 = arith.constant 0 : i32
    %dma_start3A_30 = tpu.memref_slice %arg6[%dma_start3A_28, %dma_start3A_29] : memref<128x128xi32, #tpu.memory_space<vmem>> -> memref<1x128xi32, #tpu.memory_space<vmem>>
    %dma_start3A_31 = tpu.memref_squeeze %dma_start3A_30 : memref<1x128xi32, #tpu.memory_space<vmem>> -> memref<128xi32, #tpu.memory_space<vmem>>
    %dma_start3A_32 = arith.constant 0 : i32
    %dma_start3A_33 = arith.constant 0 : i32
    %dma_start3A_34 = tpu.memref_slice %arg2[%dma_start3A_32, %dma_start3A_33] : memref<10000x48xf32, #tpu.memory_space<hbm>> -> memref<10000x48xf32, #tpu.memory_space<hbm>>
    tpu.enqueue_indirect_dma source(%dma_start3A_34 : memref<10000x48xf32, #tpu.memory_space<hbm>>) target(%arg9 : memref<128x48xf32, #tpu.memory_space<vmem>>) offsets(%dma_start3A_31 : memref<128xi32, #tpu.memory_space<vmem>>) semaphore(%arg21 : memref<!tpu.dma_semaphore, #tpu.memory_space<semaphore_mem>>)
    %dma_start3A_35 = arith.constant 2 : i32
    %dma_start3A_36 = arith.constant 0 : i32
    %dma_start3A_37 = tpu.memref_slice %arg6[%dma_start3A_35, %dma_start3A_36] : memref<128x128xi32, #tpu.memory_space<vmem>> -> memref<1x128xi32, #tpu.memory_space<vmem>>
    %dma_start3A_38 = tpu.memref_squeeze %dma_start3A_37 : memref<1x128xi32, #tpu.memory_space<vmem>> -> memref<128xi32, #tpu.memory_space<vmem>>
    %dma_start3A_39 = arith.constant 0 : i32
    %dma_start3A_40 = arith.constant 0 : i32
    %dma_start3A_41 = tpu.memref_slice %arg2[%dma_start3A_39, %dma_start3A_40] : memref<10000x48xf32, #tpu.memory_space<hbm>> -> memref<10000x48xf32, #tpu.memory_space<hbm>>
    tpu.enqueue_indirect_dma source(%dma_start3A_41 : memref<10000x48xf32, #tpu.memory_space<hbm>>) target(%arg10 : memref<128x48xf32, #tpu.memory_space<vmem>>) offsets(%dma_start3A_38 : memref<128xi32, #tpu.memory_space<vmem>>) semaphore(%arg22 : memref<!tpu.dma_semaphore, #tpu.memory_space<semaphore_mem>>)
    %dma_start3A_42 = arith.constant 3 : i32
    %dma_start3A_43 = arith.constant 0 : i32
    %dma_start3A_44 = tpu.memref_slice %arg6[%dma_start3A_42, %dma_start3A_43] : memref<128x128xi32, #tpu.memory_space<vmem>> -> memref<1x128xi32, #tpu.memory_space<vmem>>
    %dma_start3A_45 = tpu.memref_squeeze %dma_start3A_44 : memref<1x128xi32, #tpu.memory_space<vmem>> -> memref<128xi32, #tpu.memory_space<vmem>>
    %dma_start3A_46 = arith.constant 0 : i32
    %dma_start3A_47 = arith.constant 0 : i32
    %dma_start3A_48 = tpu.memref_slice %arg2[%dma_start3A_46, %dma_start3A_47] : memref<10000x48xf32, #tpu.memory_space<hbm>> -> memref<10000x48xf32, #tpu.memory_space<hbm>>
    tpu.enqueue_indirect_dma source(%dma_start3A_48 : memref<10000x48xf32, #tpu.memory_space<hbm>>) target(%arg11 : memref<128x48xf32, #tpu.memory_space<vmem>>) offsets(%dma_start3A_45 : memref<128xi32, #tpu.memory_space<vmem>>) semaphore(%arg23 : memref<!tpu.dma_semaphore, #tpu.memory_space<semaphore_mem>>)
    %dma_start3A_49 = arith.constant 4 : i32
    %dma_start3A_50 = arith.constant 0 : i32
    %dma_start3A_51 = tpu.memref_slice %arg6[%dma_start3A_49, %dma_start3A_50] : memref<128x128xi32, #tpu.memory_space<vmem>> -> memref<1x128xi32, #tpu.memory_space<vmem>>
    %dma_start3A_52 = tpu.memref_squeeze %dma_start3A_51 : memref<1x128xi32, #tpu.memory_space<vmem>> -> memref<128xi32, #tpu.memory_space<vmem>>
    %dma_start3A_53 = arith.constant 0 : i32
    %dma_start3A_54 = arith.constant 0 : i32
    %dma_start3A_55 = tpu.memref_slice %arg2[%dma_start3A_53, %dma_start3A_54] : memref<10000x48xf32, #tpu.memory_space<hbm>> -> memref<10000x48xf32, #tpu.memory_space<hbm>>
    tpu.enqueue_indirect_dma source(%dma_start3A_55 : memref<10000x48xf32, #tpu.memory_space<hbm>>) target(%arg12 : memref<128x48xf32, #tpu.memory_space<vmem>>) offsets(%dma_start3A_52 : memref<128xi32, #tpu.memory_space<vmem>>) semaphore(%arg24 : memref<!tpu.dma_semaphore, #tpu.memory_space<semaphore_mem>>)
    %dma_start3A_56 = arith.constant 5 : i32
    %dma_start3A_57 = arith.constant 0 : i32
    %dma_start3A_58 = tpu.memref_slice %arg6[%dma_start3A_56, %dma_start3A_57] : memref<128x128xi32, #tpu.memory_space<vmem>> -> memref<1x128xi32, #tpu.memory_space<vmem>>
    %dma_start3A_59 = tpu.memref_squeeze %dma_start3A_58 : memref<1x128xi32, #tpu.memory_space<vmem>> -> memref<128xi32, #tpu.memory_space<vmem>>
    %dma_start3A_60 = arith.constant 0 : i32
    %dma_start3A_61 = arith.constant 0 : i32
    %dma_start3A_62 = tpu.memref_slice %arg2[%dma_start3A_60, %dma_start3A_61] : memref<10000x48xf32, #tpu.memory_space<hbm>> -> memref<10000x48xf32, #tpu.memory_space<hbm>>
    tpu.enqueue_indirect_dma source(%dma_start3A_62 : memref<10000x48xf32, #tpu.memory_space<hbm>>) target(%arg13 : memref<128x48xf32, #tpu.memory_space<vmem>>) offsets(%dma_start3A_59 : memref<128xi32, #tpu.memory_space<vmem>>) semaphore(%arg25 : memref<!tpu.dma_semaphore, #tpu.memory_space<semaphore_mem>>)
    %dma_start3A_63 = arith.constant 6 : i32
    %dma_start3A_64 = arith.constant 0 : i32
    %dma_start3A_65 = tpu.memref_slice %arg6[%dma_start3A_63, %dma_start3A_64] : memref<128x128xi32, #tpu.memory_space<vmem>> -> memref<1x128xi32, #tpu.memory_space<vmem>>
    %dma_start3A_66 = tpu.memref_squeeze %dma_start3A_65 : memref<1x128xi32, #tpu.memory_space<vmem>> -> memref<128xi32, #tpu.memory_space<vmem>>
    %dma_start3A_67 = arith.constant 0 : i32
    %dma_start3A_68 = arith.constant 0 : i32
    %dma_start3A_69 = tpu.memref_slice %arg2[%dma_start3A_67, %dma_start3A_68] : memref<10000x48xf32, #tpu.memory_space<hbm>> -> memref<10000x48xf32, #tpu.memory_space<hbm>>
    tpu.enqueue_indirect_dma source(%dma_start3A_69 : memref<10000x48xf32, #tpu.memory_space<hbm>>) target(%arg14 : memref<128x48xf32, #tpu.memory_space<vmem>>) offsets(%dma_start3A_66 : memref<128xi32, #tpu.memory_space<vmem>>) semaphore(%arg26 : memref<!tpu.dma_semaphore, #tpu.memory_space<semaphore_mem>>)
    %dma_start3A_70 = arith.constant 7 : i32
    %dma_start3A_71 = arith.constant 0 : i32
    %dma_start3A_72 = tpu.memref_slice %arg6[%dma_start3A_70, %dma_start3A_71] : memref<128x128xi32, #tpu.memory_space<vmem>> -> memref<1x128xi32, #tpu.memory_space<vmem>>
    %dma_start3A_73 = tpu.memref_squeeze %dma_start3A_72 : memref<1x128xi32, #tpu.memory_space<vmem>> -> memref<128xi32, #tpu.memory_space<vmem>>
    %dma_start3A_74 = arith.constant 0 : i32
    %dma_start3A_75 = arith.constant 0 : i32
    %dma_start3A_76 = tpu.memref_slice %arg2[%dma_start3A_74, %dma_start3A_75] : memref<10000x48xf32, #tpu.memory_space<hbm>> -> memref<10000x48xf32, #tpu.memory_space<hbm>>
    tpu.enqueue_indirect_dma source(%dma_start3A_76 : memref<10000x48xf32, #tpu.memory_space<hbm>>) target(%arg15 : memref<128x48xf32, #tpu.memory_space<vmem>>) offsets(%dma_start3A_73 : memref<128xi32, #tpu.memory_space<vmem>>) semaphore(%arg27 : memref<!tpu.dma_semaphore, #tpu.memory_space<semaphore_mem>>)
    %dma_wait3A = arith.constant 0 : i32
    %dma_wait3A_77 = tpu.memref_slice %arg16[%mul3A_0, %dma_wait3A] : memref<10112x48xf32, #tpu.memory_space<vmem_shared>> -> memref<632x48xf32, #tpu.memory_space<vmem_shared>>
    %dma_wait3A_78 = arith.constant 0 : i32
    %dma_wait3A_79 = tpu.memref_slice %arg4[%mul3A_0, %dma_wait3A_78] : memref<10112x48xf32, #tpu.memory_space<hbm>> -> memref<632x48xf32, #tpu.memory_space<hbm>>
    tpu.wait_dma2 semaphore(%arg17 : memref<!tpu.dma_semaphore, #tpu.memory_space<semaphore_mem>>) src(%dma_wait3A_79 : memref<632x48xf32, #tpu.memory_space<hbm>>) dst(%dma_wait3A_77 : memref<632x48xf32, #tpu.memory_space<vmem_shared>>)
    %barrier3A = arith.constant 0 : index
    tpu.barrier barrier_id(%barrier3A)
    %jit3A_80 = arith.constant 8 : i32
    %div3A = arith.divsi %select_n3A, %jit3A_80 : i32
    %sign3A = arith.constant 0 : i32
    %sign3A_81 = arith.cmpi sgt, %select_n3A, %sign3A : i32
    %sign3A_82 = arith.extui %sign3A_81 : i1 to i32
    %sign3A_83 = arith.constant 0 : i32
    %sign3A_84 = arith.cmpi slt, %select_n3A, %sign3A_83 : i32
    %sign3A_85 = arith.extui %sign3A_84 : i1 to i32
    %sign3A_86 = arith.subi %sign3A_82, %sign3A_85 : i32
    %sign3A_87 = arith.constant 0 : i32
    %sign3A_88 = arith.cmpi sgt, %jit3A_80, %sign3A_87 : i32
    %sign3A_89 = arith.extui %sign3A_88 : i1 to i32
    %sign3A_90 = arith.constant 0 : i32
    %sign3A_91 = arith.cmpi slt, %jit3A_80, %sign3A_90 : i32
    %sign3A_92 = arith.extui %sign3A_91 : i1 to i32
    %sign3A_93 = arith.subi %sign3A_89, %sign3A_92 : i32
    %ne3A_94 = arith.cmpi ne, %sign3A_86, %sign3A_93 : i32
    %rem3A = arith.remsi %select_n3A, %jit3A_80 : i32
    %ne3A_95 = arith.constant 0 : i32
    %ne3A_96 = arith.cmpi ne, %rem3A, %ne3A_95 : i32
    %and3A = arith.andi %ne3A_94, %ne3A_96 : i1
    %sub3A = arith.constant 1 : i32
    %sub3A_97 = arith.subi %div3A, %sub3A : i32
    %select_n3A_98 = arith.select %and3A, %sub3A_97, %div3A : i32
    %while3A = arith.constant 0 : i32
    %while3A_99 = arith.constant 0 : i32
    %while3A_100 = arith.subi %select_n3A_98, %while3A_99 : i32
    %while3A_101 = arith.addi %while3A_99, %while3A_100 : i32
    %while3A_102 = arith.constant 1 : i32
    %while3A_103 = arith.divsi %while3A_100, %while3A_102 : i32
    %while3A_104 = arith.muli %while3A_103, %while3A_102 : i32
    %while3A_105 = arith.addi %while3A_99, %while3A_104 : i32
    %while3A_106 = arith.constant 1 : i32
    scf.for %while3A_189 = %while3A_99 to %while3A_105 step %while3A_106  : i32 {
      %mul3A_190 = arith.constant 8 : i32
      %mul3A_191 = arith.muli %while3A_189, %mul3A_190 : i32
      %add3A_192 = arith.constant 0 : i32
      %add3A_193 = arith.addi %mul3A_191, %add3A_192 : i32
      %dma_wait3A_194 = arith.constant 0 : i32
      %dma_wait3A_195 = tpu.memref_slice %arg6[%add3A_193, %dma_wait3A_194] : memref<128x128xi32, #tpu.memory_space<vmem>> -> memref<1x128xi32, #tpu.memory_space<vmem>>
      %dma_wait3A_196 = tpu.memref_squeeze %dma_wait3A_195 : memref<1x128xi32, #tpu.memory_space<vmem>> -> memref<128xi32, #tpu.memory_space<vmem>>
      %dma_wait3A_197 = arith.constant 0 : i32
      %dma_wait3A_198 = arith.constant 0 : i32
      %dma_wait3A_199 = tpu.memref_slice %arg2[%dma_wait3A_197, %dma_wait3A_198] : memref<10000x48xf32, #tpu.memory_space<hbm>> -> memref<10000x48xf32, #tpu.memory_space<hbm>>
      tpu.wait_indirect_dma semaphore(%arg20 : memref<!tpu.dma_semaphore, #tpu.memory_space<semaphore_mem>>) src(%dma_wait3A_199 : memref<10000x48xf32, #tpu.memory_space<hbm>>) dst(%arg8 : memref<128x48xf32, #tpu.memory_space<vmem>>)
      %dma_start3A_200 = arith.constant 0 : i32
      %dma_start3A_201 = tpu.memref_slice %arg7[%add3A_193, %dma_start3A_200] : memref<128x128xi32, #tpu.memory_space<vmem>> -> memref<1x128xi32, #tpu.memory_space<vmem>>
      %dma_start3A_202 = tpu.memref_squeeze %dma_start3A_201 : memref<1x128xi32, #tpu.memory_space<vmem>> -> memref<128xi32, #tpu.memory_space<vmem>>
      %dma_start3A_203 = arith.constant 0 : i32
      %dma_start3A_204 = arith.constant 0 : i32
      %dma_start3A_205 = tpu.memref_slice %arg16[%dma_start3A_203, %dma_start3A_204] : memref<10112x48xf32, #tpu.memory_space<vmem_shared>> -> memref<10112x48xf32, #tpu.memory_space<vmem_shared>>
      tpu.enqueue_indirect_dma source(%arg8 : memref<128x48xf32, #tpu.memory_space<vmem>>) target(%dma_start3A_205 : memref<10112x48xf32, #tpu.memory_space<vmem_shared>>) offsets(%dma_start3A_202 : memref<128xi32, #tpu.memory_space<vmem>>) semaphore(%arg28 : memref<!tpu.dma_semaphore, #tpu.memory_space<semaphore_mem>>) {add = true}
      %add3A_206 = arith.constant 8 : i32
      %add3A_207 = arith.addi %add3A_193, %add3A_206 : i32
      %lt3A = arith.cmpi slt, %add3A_207, %select_n3A : i32
      %convert_element_type3A_208 = arith.extui %lt3A : i1 to i32
      %cond3A_209 = arith.constant 0 : i32
      %cond3A_210 = arith.cmpi ne, %convert_element_type3A_208, %cond3A_209 : i32
      scf.if %cond3A_210 {
        %dma_wait3A_351 = arith.constant 0 : i32
        %dma_wait3A_352 = tpu.memref_slice %arg7[%add3A_193, %dma_wait3A_351] : memref<128x128xi32, #tpu.memory_space<vmem>> -> memref<1x128xi32, #tpu.memory_space<vmem>>
        %dma_wait3A_353 = tpu.memref_squeeze %dma_wait3A_352 : memref<1x128xi32, #tpu.memory_space<vmem>> -> memref<128xi32, #tpu.memory_space<vmem>>
        %dma_wait3A_354 = arith.constant 0 : i32
        %dma_wait3A_355 = arith.constant 0 : i32
        %dma_wait3A_356 = tpu.memref_slice %arg16[%dma_wait3A_354, %dma_wait3A_355] : memref<10112x48xf32, #tpu.memory_space<vmem_shared>> -> memref<10112x48xf32, #tpu.memory_space<vmem_shared>>
        tpu.wait_indirect_dma semaphore(%arg28 : memref<!tpu.dma_semaphore, #tpu.memory_space<semaphore_mem>>) src(%arg8 : memref<128x48xf32, #tpu.memory_space<vmem>>) dst(%dma_wait3A_356 : memref<10112x48xf32, #tpu.memory_space<vmem_shared>>)
        %dma_start3A_357 = arith.constant 0 : i32
        %dma_start3A_358 = tpu.memref_slice %arg6[%add3A_207, %dma_start3A_357] : memref<128x128xi32, #tpu.memory_space<vmem>> -> memref<1x128xi32, #tpu.memory_space<vmem>>
        %dma_start3A_359 = tpu.memref_squeeze %dma_start3A_358 : memref<1x128xi32, #tpu.memory_space<vmem>> -> memref<128xi32, #tpu.memory_space<vmem>>
        %dma_start3A_360 = arith.constant 0 : i32
        %dma_start3A_361 = arith.constant 0 : i32
        %dma_start3A_362 = tpu.memref_slice %arg2[%dma_start3A_360, %dma_start3A_361] : memref<10000x48xf32, #tpu.memory_space<hbm>> -> memref<10000x48xf32, #tpu.memory_space<hbm>>
        tpu.enqueue_indirect_dma source(%dma_start3A_362 : memref<10000x48xf32, #tpu.memory_space<hbm>>) target(%arg8 : memref<128x48xf32, #tpu.memory_space<vmem>>) offsets(%dma_start3A_359 : memref<128xi32, #tpu.memory_space<vmem>>) semaphore(%arg20 : memref<!tpu.dma_semaphore, #tpu.memory_space<semaphore_mem>>)
      } else {
      }
      %add3A_211 = arith.constant 1 : i32
      %add3A_212 = arith.addi %mul3A_191, %add3A_211 : i32
      %dma_wait3A_213 = arith.constant 0 : i32
      %dma_wait3A_214 = tpu.memref_slice %arg6[%add3A_212, %dma_wait3A_213] : memref<128x128xi32, #tpu.memory_space<vmem>> -> memref<1x128xi32, #tpu.memory_space<vmem>>
      %dma_wait3A_215 = tpu.memref_squeeze %dma_wait3A_214 : memref<1x128xi32, #tpu.memory_space<vmem>> -> memref<128xi32, #tpu.memory_space<vmem>>
      %dma_wait3A_216 = arith.constant 0 : i32
      %dma_wait3A_217 = arith.constant 0 : i32
      %dma_wait3A_218 = tpu.memref_slice %arg2[%dma_wait3A_216, %dma_wait3A_217] : memref<10000x48xf32, #tpu.memory_space<hbm>> -> memref<10000x48xf32, #tpu.memory_space<hbm>>
      tpu.wait_indirect_dma semaphore(%arg21 : memref<!tpu.dma_semaphore, #tpu.memory_space<semaphore_mem>>) src(%dma_wait3A_218 : memref<10000x48xf32, #tpu.memory_space<hbm>>) dst(%arg9 : memref<128x48xf32, #tpu.memory_space<vmem>>)
      %dma_start3A_219 = arith.constant 0 : i32
      %dma_start3A_220 = tpu.memref_slice %arg7[%add3A_212, %dma_start3A_219] : memref<128x128xi32, #tpu.memory_space<vmem>> -> memref<1x128xi32, #tpu.memory_space<vmem>>
      %dma_start3A_221 = tpu.memref_squeeze %dma_start3A_220 : memref<1x128xi32, #tpu.memory_space<vmem>> -> memref<128xi32, #tpu.memory_space<vmem>>
      %dma_start3A_222 = arith.constant 0 : i32
      %dma_start3A_223 = arith.constant 0 : i32
      %dma_start3A_224 = tpu.memref_slice %arg16[%dma_start3A_222, %dma_start3A_223] : memref<10112x48xf32, #tpu.memory_space<vmem_shared>> -> memref<10112x48xf32, #tpu.memory_space<vmem_shared>>
      tpu.enqueue_indirect_dma source(%arg9 : memref<128x48xf32, #tpu.memory_space<vmem>>) target(%dma_start3A_224 : memref<10112x48xf32, #tpu.memory_space<vmem_shared>>) offsets(%dma_start3A_221 : memref<128xi32, #tpu.memory_space<vmem>>) semaphore(%arg29 : memref<!tpu.dma_semaphore, #tpu.memory_space<semaphore_mem>>) {add = true}
      %add3A_225 = arith.constant 8 : i32
      %add3A_226 = arith.addi %add3A_212, %add3A_225 : i32
      %lt3A_227 = arith.cmpi slt, %add3A_226, %select_n3A : i32
      %convert_element_type3A_228 = arith.extui %lt3A_227 : i1 to i32
      %cond3A_229 = arith.constant 0 : i32
      %cond3A_230 = arith.cmpi ne, %convert_element_type3A_228, %cond3A_229 : i32
      scf.if %cond3A_230 {
        %dma_wait3A_351 = arith.constant 0 : i32
        %dma_wait3A_352 = tpu.memref_slice %arg7[%add3A_212, %dma_wait3A_351] : memref<128x128xi32, #tpu.memory_space<vmem>> -> memref<1x128xi32, #tpu.memory_space<vmem>>
        %dma_wait3A_353 = tpu.memref_squeeze %dma_wait3A_352 : memref<1x128xi32, #tpu.memory_space<vmem>> -> memref<128xi32, #tpu.memory_space<vmem>>
        %dma_wait3A_354 = arith.constant 0 : i32
        %dma_wait3A_355 = arith.constant 0 : i32
        %dma_wait3A_356 = tpu.memref_slice %arg16[%dma_wait3A_354, %dma_wait3A_355] : memref<10112x48xf32, #tpu.memory_space<vmem_shared>> -> memref<10112x48xf32, #tpu.memory_space<vmem_shared>>
        tpu.wait_indirect_dma semaphore(%arg29 : memref<!tpu.dma_semaphore, #tpu.memory_space<semaphore_mem>>) src(%arg9 : memref<128x48xf32, #tpu.memory_space<vmem>>) dst(%dma_wait3A_356 : memref<10112x48xf32, #tpu.memory_space<vmem_shared>>)
        %dma_start3A_357 = arith.constant 0 : i32
        %dma_start3A_358 = tpu.memref_slice %arg6[%add3A_226, %dma_start3A_357] : memref<128x128xi32, #tpu.memory_space<vmem>> -> memref<1x128xi32, #tpu.memory_space<vmem>>
        %dma_start3A_359 = tpu.memref_squeeze %dma_start3A_358 : memref<1x128xi32, #tpu.memory_space<vmem>> -> memref<128xi32, #tpu.memory_space<vmem>>
        %dma_start3A_360 = arith.constant 0 : i32
        %dma_start3A_361 = arith.constant 0 : i32
        %dma_start3A_362 = tpu.memref_slice %arg2[%dma_start3A_360, %dma_start3A_361] : memref<10000x48xf32, #tpu.memory_space<hbm>> -> memref<10000x48xf32, #tpu.memory_space<hbm>>
        tpu.enqueue_indirect_dma source(%dma_start3A_362 : memref<10000x48xf32, #tpu.memory_space<hbm>>) target(%arg9 : memref<128x48xf32, #tpu.memory_space<vmem>>) offsets(%dma_start3A_359 : memref<128xi32, #tpu.memory_space<vmem>>) semaphore(%arg21 : memref<!tpu.dma_semaphore, #tpu.memory_space<semaphore_mem>>)
      } else {
      }
      %add3A_231 = arith.constant 2 : i32
      %add3A_232 = arith.addi %mul3A_191, %add3A_231 : i32
      %dma_wait3A_233 = arith.constant 0 : i32
      %dma_wait3A_234 = tpu.memref_slice %arg6[%add3A_232, %dma_wait3A_233] : memref<128x128xi32, #tpu.memory_space<vmem>> -> memref<1x128xi32, #tpu.memory_space<vmem>>
      %dma_wait3A_235 = tpu.memref_squeeze %dma_wait3A_234 : memref<1x128xi32, #tpu.memory_space<vmem>> -> memref<128xi32, #tpu.memory_space<vmem>>
      %dma_wait3A_236 = arith.constant 0 : i32
      %dma_wait3A_237 = arith.constant 0 : i32
      %dma_wait3A_238 = tpu.memref_slice %arg2[%dma_wait3A_236, %dma_wait3A_237] : memref<10000x48xf32, #tpu.memory_space<hbm>> -> memref<10000x48xf32, #tpu.memory_space<hbm>>
      tpu.wait_indirect_dma semaphore(%arg22 : memref<!tpu.dma_semaphore, #tpu.memory_space<semaphore_mem>>) src(%dma_wait3A_238 : memref<10000x48xf32, #tpu.memory_space<hbm>>) dst(%arg10 : memref<128x48xf32, #tpu.memory_space<vmem>>)
      %dma_start3A_239 = arith.constant 0 : i32
      %dma_start3A_240 = tpu.memref_slice %arg7[%add3A_232, %dma_start3A_239] : memref<128x128xi32, #tpu.memory_space<vmem>> -> memref<1x128xi32, #tpu.memory_space<vmem>>
      %dma_start3A_241 = tpu.memref_squeeze %dma_start3A_240 : memref<1x128xi32, #tpu.memory_space<vmem>> -> memref<128xi32, #tpu.memory_space<vmem>>
      %dma_start3A_242 = arith.constant 0 : i32
      %dma_start3A_243 = arith.constant 0 : i32
      %dma_start3A_244 = tpu.memref_slice %arg16[%dma_start3A_242, %dma_start3A_243] : memref<10112x48xf32, #tpu.memory_space<vmem_shared>> -> memref<10112x48xf32, #tpu.memory_space<vmem_shared>>
      tpu.enqueue_indirect_dma source(%arg10 : memref<128x48xf32, #tpu.memory_space<vmem>>) target(%dma_start3A_244 : memref<10112x48xf32, #tpu.memory_space<vmem_shared>>) offsets(%dma_start3A_241 : memref<128xi32, #tpu.memory_space<vmem>>) semaphore(%arg30 : memref<!tpu.dma_semaphore, #tpu.memory_space<semaphore_mem>>) {add = true}
      %add3A_245 = arith.constant 8 : i32
      %add3A_246 = arith.addi %add3A_232, %add3A_245 : i32
      %lt3A_247 = arith.cmpi slt, %add3A_246, %select_n3A : i32
      %convert_element_type3A_248 = arith.extui %lt3A_247 : i1 to i32
      %cond3A_249 = arith.constant 0 : i32
      %cond3A_250 = arith.cmpi ne, %convert_element_type3A_248, %cond3A_249 : i32
      scf.if %cond3A_250 {
        %dma_wait3A_351 = arith.constant 0 : i32
        %dma_wait3A_352 = tpu.memref_slice %arg7[%add3A_232, %dma_wait3A_351] : memref<128x128xi32, #tpu.memory_space<vmem>> -> memref<1x128xi32, #tpu.memory_space<vmem>>
        %dma_wait3A_353 = tpu.memref_squeeze %dma_wait3A_352 : memref<1x128xi32, #tpu.memory_space<vmem>> -> memref<128xi32, #tpu.memory_space<vmem>>
        %dma_wait3A_354 = arith.constant 0 : i32
        %dma_wait3A_355 = arith.constant 0 : i32
        %dma_wait3A_356 = tpu.memref_slice %arg16[%dma_wait3A_354, %dma_wait3A_355] : memref<10112x48xf32, #tpu.memory_space<vmem_shared>> -> memref<10112x48xf32, #tpu.memory_space<vmem_shared>>
        tpu.wait_indirect_dma semaphore(%arg30 : memref<!tpu.dma_semaphore, #tpu.memory_space<semaphore_mem>>) src(%arg10 : memref<128x48xf32, #tpu.memory_space<vmem>>) dst(%dma_wait3A_356 : memref<10112x48xf32, #tpu.memory_space<vmem_shared>>)
        %dma_start3A_357 = arith.constant 0 : i32
        %dma_start3A_358 = tpu.memref_slice %arg6[%add3A_246, %dma_start3A_357] : memref<128x128xi32, #tpu.memory_space<vmem>> -> memref<1x128xi32, #tpu.memory_space<vmem>>
        %dma_start3A_359 = tpu.memref_squeeze %dma_start3A_358 : memref<1x128xi32, #tpu.memory_space<vmem>> -> memref<128xi32, #tpu.memory_space<vmem>>
        %dma_start3A_360 = arith.constant 0 : i32
        %dma_start3A_361 = arith.constant 0 : i32
        %dma_start3A_362 = tpu.memref_slice %arg2[%dma_start3A_360, %dma_start3A_361] : memref<10000x48xf32, #tpu.memory_space<hbm>> -> memref<10000x48xf32, #tpu.memory_space<hbm>>
        tpu.enqueue_indirect_dma source(%dma_start3A_362 : memref<10000x48xf32, #tpu.memory_space<hbm>>) target(%arg10 : memref<128x48xf32, #tpu.memory_space<vmem>>) offsets(%dma_start3A_359 : memref<128xi32, #tpu.memory_space<vmem>>) semaphore(%arg22 : memref<!tpu.dma_semaphore, #tpu.memory_space<semaphore_mem>>)
      } else {
      }
      %add3A_251 = arith.constant 3 : i32
      %add3A_252 = arith.addi %mul3A_191, %add3A_251 : i32
      %dma_wait3A_253 = arith.constant 0 : i32
      %dma_wait3A_254 = tpu.memref_slice %arg6[%add3A_252, %dma_wait3A_253] : memref<128x128xi32, #tpu.memory_space<vmem>> -> memref<1x128xi32, #tpu.memory_space<vmem>>
      %dma_wait3A_255 = tpu.memref_squeeze %dma_wait3A_254 : memref<1x128xi32, #tpu.memory_space<vmem>> -> memref<128xi32, #tpu.memory_space<vmem>>
      %dma_wait3A_256 = arith.constant 0 : i32
      %dma_wait3A_257 = arith.constant 0 : i32
      %dma_wait3A_258 = tpu.memref_slice %arg2[%dma_wait3A_256, %dma_wait3A_257] : memref<10000x48xf32, #tpu.memory_space<hbm>> -> memref<10000x48xf32, #tpu.memory_space<hbm>>
      tpu.wait_indirect_dma semaphore(%arg23 : memref<!tpu.dma_semaphore, #tpu.memory_space<semaphore_mem>>) src(%dma_wait3A_258 : memref<10000x48xf32, #tpu.memory_space<hbm>>) dst(%arg11 : memref<128x48xf32, #tpu.memory_space<vmem>>)
      %dma_start3A_259 = arith.constant 0 : i32
      %dma_start3A_260 = tpu.memref_slice %arg7[%add3A_252, %dma_start3A_259] : memref<128x128xi32, #tpu.memory_space<vmem>> -> memref<1x128xi32, #tpu.memory_space<vmem>>
      %dma_start3A_261 = tpu.memref_squeeze %dma_start3A_260 : memref<1x128xi32, #tpu.memory_space<vmem>> -> memref<128xi32, #tpu.memory_space<vmem>>
      %dma_start3A_262 = arith.constant 0 : i32
      %dma_start3A_263 = arith.constant 0 : i32
      %dma_start3A_264 = tpu.memref_slice %arg16[%dma_start3A_262, %dma_start3A_263] : memref<10112x48xf32, #tpu.memory_space<vmem_shared>> -> memref<10112x48xf32, #tpu.memory_space<vmem_shared>>
      tpu.enqueue_indirect_dma source(%arg11 : memref<128x48xf32, #tpu.memory_space<vmem>>) target(%dma_start3A_264 : memref<10112x48xf32, #tpu.memory_space<vmem_shared>>) offsets(%dma_start3A_261 : memref<128xi32, #tpu.memory_space<vmem>>) semaphore(%arg31 : memref<!tpu.dma_semaphore, #tpu.memory_space<semaphore_mem>>) {add = true}
      %add3A_265 = arith.constant 8 : i32
      %add3A_266 = arith.addi %add3A_252, %add3A_265 : i32
      %lt3A_267 = arith.cmpi slt, %add3A_266, %select_n3A : i32
      %convert_element_type3A_268 = arith.extui %lt3A_267 : i1 to i32
      %cond3A_269 = arith.constant 0 : i32
      %cond3A_270 = arith.cmpi ne, %convert_element_type3A_268, %cond3A_269 : i32
      scf.if %cond3A_270 {
        %dma_wait3A_351 = arith.constant 0 : i32
        %dma_wait3A_352 = tpu.memref_slice %arg7[%add3A_252, %dma_wait3A_351] : memref<128x128xi32, #tpu.memory_space<vmem>> -> memref<1x128xi32, #tpu.memory_space<vmem>>
        %dma_wait3A_353 = tpu.memref_squeeze %dma_wait3A_352 : memref<1x128xi32, #tpu.memory_space<vmem>> -> memref<128xi32, #tpu.memory_space<vmem>>
        %dma_wait3A_354 = arith.constant 0 : i32
        %dma_wait3A_355 = arith.constant 0 : i32
        %dma_wait3A_356 = tpu.memref_slice %arg16[%dma_wait3A_354, %dma_wait3A_355] : memref<10112x48xf32, #tpu.memory_space<vmem_shared>> -> memref<10112x48xf32, #tpu.memory_space<vmem_shared>>
        tpu.wait_indirect_dma semaphore(%arg31 : memref<!tpu.dma_semaphore, #tpu.memory_space<semaphore_mem>>) src(%arg11 : memref<128x48xf32, #tpu.memory_space<vmem>>) dst(%dma_wait3A_356 : memref<10112x48xf32, #tpu.memory_space<vmem_shared>>)
        %dma_start3A_357 = arith.constant 0 : i32
        %dma_start3A_358 = tpu.memref_slice %arg6[%add3A_266, %dma_start3A_357] : memref<128x128xi32, #tpu.memory_space<vmem>> -> memref<1x128xi32, #tpu.memory_space<vmem>>
        %dma_start3A_359 = tpu.memref_squeeze %dma_start3A_358 : memref<1x128xi32, #tpu.memory_space<vmem>> -> memref<128xi32, #tpu.memory_space<vmem>>
        %dma_start3A_360 = arith.constant 0 : i32
        %dma_start3A_361 = arith.constant 0 : i32
        %dma_start3A_362 = tpu.memref_slice %arg2[%dma_start3A_360, %dma_start3A_361] : memref<10000x48xf32, #tpu.memory_space<hbm>> -> memref<10000x48xf32, #tpu.memory_space<hbm>>
        tpu.enqueue_indirect_dma source(%dma_start3A_362 : memref<10000x48xf32, #tpu.memory_space<hbm>>) target(%arg11 : memref<128x48xf32, #tpu.memory_space<vmem>>) offsets(%dma_start3A_359 : memref<128xi32, #tpu.memory_space<vmem>>) semaphore(%arg23 : memref<!tpu.dma_semaphore, #tpu.memory_space<semaphore_mem>>)
      } else {
      }
      %add3A_271 = arith.constant 4 : i32
      %add3A_272 = arith.addi %mul3A_191, %add3A_271 : i32
      %dma_wait3A_273 = arith.constant 0 : i32
      %dma_wait3A_274 = tpu.memref_slice %arg6[%add3A_272, %dma_wait3A_273] : memref<128x128xi32, #tpu.memory_space<vmem>> -> memref<1x128xi32, #tpu.memory_space<vmem>>
      %dma_wait3A_275 = tpu.memref_squeeze %dma_wait3A_274 : memref<1x128xi32, #tpu.memory_space<vmem>> -> memref<128xi32, #tpu.memory_space<vmem>>
      %dma_wait3A_276 = arith.constant 0 : i32
      %dma_wait3A_277 = arith.constant 0 : i32
      %dma_wait3A_278 = tpu.memref_slice %arg2[%dma_wait3A_276, %dma_wait3A_277] : memref<10000x48xf32, #tpu.memory_space<hbm>> -> memref<10000x48xf32, #tpu.memory_space<hbm>>
      tpu.wait_indirect_dma semaphore(%arg24 : memref<!tpu.dma_semaphore, #tpu.memory_space<semaphore_mem>>) src(%dma_wait3A_278 : memref<10000x48xf32, #tpu.memory_space<hbm>>) dst(%arg12 : memref<128x48xf32, #tpu.memory_space<vmem>>)
      %dma_start3A_279 = arith.constant 0 : i32
      %dma_start3A_280 = tpu.memref_slice %arg7[%add3A_272, %dma_start3A_279] : memref<128x128xi32, #tpu.memory_space<vmem>> -> memref<1x128xi32, #tpu.memory_space<vmem>>
      %dma_start3A_281 = tpu.memref_squeeze %dma_start3A_280 : memref<1x128xi32, #tpu.memory_space<vmem>> -> memref<128xi32, #tpu.memory_space<vmem>>
      %dma_start3A_282 = arith.constant 0 : i32
      %dma_start3A_283 = arith.constant 0 : i32
      %dma_start3A_284 = tpu.memref_slice %arg16[%dma_start3A_282, %dma_start3A_283] : memref<10112x48xf32, #tpu.memory_space<vmem_shared>> -> memref<10112x48xf32, #tpu.memory_space<vmem_shared>>
      tpu.enqueue_indirect_dma source(%arg12 : memref<128x48xf32, #tpu.memory_space<vmem>>) target(%dma_start3A_284 : memref<10112x48xf32, #tpu.memory_space<vmem_shared>>) offsets(%dma_start3A_281 : memref<128xi32, #tpu.memory_space<vmem>>) semaphore(%arg32 : memref<!tpu.dma_semaphore, #tpu.memory_space<semaphore_mem>>) {add = true}
      %add3A_285 = arith.constant 8 : i32
      %add3A_286 = arith.addi %add3A_272, %add3A_285 : i32
      %lt3A_287 = arith.cmpi slt, %add3A_286, %select_n3A : i32
      %convert_element_type3A_288 = arith.extui %lt3A_287 : i1 to i32
      %cond3A_289 = arith.constant 0 : i32
      %cond3A_290 = arith.cmpi ne, %convert_element_type3A_288, %cond3A_289 : i32
      scf.if %cond3A_290 {
        %dma_wait3A_351 = arith.constant 0 : i32
        %dma_wait3A_352 = tpu.memref_slice %arg7[%add3A_272, %dma_wait3A_351] : memref<128x128xi32, #tpu.memory_space<vmem>> -> memref<1x128xi32, #tpu.memory_space<vmem>>
        %dma_wait3A_353 = tpu.memref_squeeze %dma_wait3A_352 : memref<1x128xi32, #tpu.memory_space<vmem>> -> memref<128xi32, #tpu.memory_space<vmem>>
        %dma_wait3A_354 = arith.constant 0 : i32
        %dma_wait3A_355 = arith.constant 0 : i32
        %dma_wait3A_356 = tpu.memref_slice %arg16[%dma_wait3A_354, %dma_wait3A_355] : memref<10112x48xf32, #tpu.memory_space<vmem_shared>> -> memref<10112x48xf32, #tpu.memory_space<vmem_shared>>
        tpu.wait_indirect_dma semaphore(%arg32 : memref<!tpu.dma_semaphore, #tpu.memory_space<semaphore_mem>>) src(%arg12 : memref<128x48xf32, #tpu.memory_space<vmem>>) dst(%dma_wait3A_356 : memref<10112x48xf32, #tpu.memory_space<vmem_shared>>)
        %dma_start3A_357 = arith.constant 0 : i32
        %dma_start3A_358 = tpu.memref_slice %arg6[%add3A_286, %dma_start3A_357] : memref<128x128xi32, #tpu.memory_space<vmem>> -> memref<1x128xi32, #tpu.memory_space<vmem>>
        %dma_start3A_359 = tpu.memref_squeeze %dma_start3A_358 : memref<1x128xi32, #tpu.memory_space<vmem>> -> memref<128xi32, #tpu.memory_space<vmem>>
        %dma_start3A_360 = arith.constant 0 : i32
        %dma_start3A_361 = arith.constant 0 : i32
        %dma_start3A_362 = tpu.memref_slice %arg2[%dma_start3A_360, %dma_start3A_361] : memref<10000x48xf32, #tpu.memory_space<hbm>> -> memref<10000x48xf32, #tpu.memory_space<hbm>>
        tpu.enqueue_indirect_dma source(%dma_start3A_362 : memref<10000x48xf32, #tpu.memory_space<hbm>>) target(%arg12 : memref<128x48xf32, #tpu.memory_space<vmem>>) offsets(%dma_start3A_359 : memref<128xi32, #tpu.memory_space<vmem>>) semaphore(%arg24 : memref<!tpu.dma_semaphore, #tpu.memory_space<semaphore_mem>>)
      } else {
      }
      %add3A_291 = arith.constant 5 : i32
      %add3A_292 = arith.addi %mul3A_191, %add3A_291 : i32
      %dma_wait3A_293 = arith.constant 0 : i32
      %dma_wait3A_294 = tpu.memref_slice %arg6[%add3A_292, %dma_wait3A_293] : memref<128x128xi32, #tpu.memory_space<vmem>> -> memref<1x128xi32, #tpu.memory_space<vmem>>
      %dma_wait3A_295 = tpu.memref_squeeze %dma_wait3A_294 : memref<1x128xi32, #tpu.memory_space<vmem>> -> memref<128xi32, #tpu.memory_space<vmem>>
      %dma_wait3A_296 = arith.constant 0 : i32
      %dma_wait3A_297 = arith.constant 0 : i32
      %dma_wait3A_298 = tpu.memref_slice %arg2[%dma_wait3A_296, %dma_wait3A_297] : memref<10000x48xf32, #tpu.memory_space<hbm>> -> memref<10000x48xf32, #tpu.memory_space<hbm>>
      tpu.wait_indirect_dma semaphore(%arg25 : memref<!tpu.dma_semaphore, #tpu.memory_space<semaphore_mem>>) src(%dma_wait3A_298 : memref<10000x48xf32, #tpu.memory_space<hbm>>) dst(%arg13 : memref<128x48xf32, #tpu.memory_space<vmem>>)
      %dma_start3A_299 = arith.constant 0 : i32
      %dma_start3A_300 = tpu.memref_slice %arg7[%add3A_292, %dma_start3A_299] : memref<128x128xi32, #tpu.memory_space<vmem>> -> memref<1x128xi32, #tpu.memory_space<vmem>>
      %dma_start3A_301 = tpu.memref_squeeze %dma_start3A_300 : memref<1x128xi32, #tpu.memory_space<vmem>> -> memref<128xi32, #tpu.memory_space<vmem>>
      %dma_start3A_302 = arith.constant 0 : i32
      %dma_start3A_303 = arith.constant 0 : i32
      %dma_start3A_304 = tpu.memref_slice %arg16[%dma_start3A_302, %dma_start3A_303] : memref<10112x48xf32, #tpu.memory_space<vmem_shared>> -> memref<10112x48xf32, #tpu.memory_space<vmem_shared>>
      tpu.enqueue_indirect_dma source(%arg13 : memref<128x48xf32, #tpu.memory_space<vmem>>) target(%dma_start3A_304 : memref<10112x48xf32, #tpu.memory_space<vmem_shared>>) offsets(%dma_start3A_301 : memref<128xi32, #tpu.memory_space<vmem>>) semaphore(%arg33 : memref<!tpu.dma_semaphore, #tpu.memory_space<semaphore_mem>>) {add = true}
      %add3A_305 = arith.constant 8 : i32
      %add3A_306 = arith.addi %add3A_292, %add3A_305 : i32
      %lt3A_307 = arith.cmpi slt, %add3A_306, %select_n3A : i32
      %convert_element_type3A_308 = arith.extui %lt3A_307 : i1 to i32
      %cond3A_309 = arith.constant 0 : i32
      %cond3A_310 = arith.cmpi ne, %convert_element_type3A_308, %cond3A_309 : i32
      scf.if %cond3A_310 {
        %dma_wait3A_351 = arith.constant 0 : i32
        %dma_wait3A_352 = tpu.memref_slice %arg7[%add3A_292, %dma_wait3A_351] : memref<128x128xi32, #tpu.memory_space<vmem>> -> memref<1x128xi32, #tpu.memory_space<vmem>>
        %dma_wait3A_353 = tpu.memref_squeeze %dma_wait3A_352 : memref<1x128xi32, #tpu.memory_space<vmem>> -> memref<128xi32, #tpu.memory_space<vmem>>
        %dma_wait3A_354 = arith.constant 0 : i32
        %dma_wait3A_355 = arith.constant 0 : i32
        %dma_wait3A_356 = tpu.memref_slice %arg16[%dma_wait3A_354, %dma_wait3A_355] : memref<10112x48xf32, #tpu.memory_space<vmem_shared>> -> memref<10112x48xf32, #tpu.memory_space<vmem_shared>>
        tpu.wait_indirect_dma semaphore(%arg33 : memref<!tpu.dma_semaphore, #tpu.memory_space<semaphore_mem>>) src(%arg13 : memref<128x48xf32, #tpu.memory_space<vmem>>) dst(%dma_wait3A_356 : memref<10112x48xf32, #tpu.memory_space<vmem_shared>>)
        %dma_start3A_357 = arith.constant 0 : i32
        %dma_start3A_358 = tpu.memref_slice %arg6[%add3A_306, %dma_start3A_357] : memref<128x128xi32, #tpu.memory_space<vmem>> -> memref<1x128xi32, #tpu.memory_space<vmem>>
        %dma_start3A_359 = tpu.memref_squeeze %dma_start3A_358 : memref<1x128xi32, #tpu.memory_space<vmem>> -> memref<128xi32, #tpu.memory_space<vmem>>
        %dma_start3A_360 = arith.constant 0 : i32
        %dma_start3A_361 = arith.constant 0 : i32
        %dma_start3A_362 = tpu.memref_slice %arg2[%dma_start3A_360, %dma_start3A_361] : memref<10000x48xf32, #tpu.memory_space<hbm>> -> memref<10000x48xf32, #tpu.memory_space<hbm>>
        tpu.enqueue_indirect_dma source(%dma_start3A_362 : memref<10000x48xf32, #tpu.memory_space<hbm>>) target(%arg13 : memref<128x48xf32, #tpu.memory_space<vmem>>) offsets(%dma_start3A_359 : memref<128xi32, #tpu.memory_space<vmem>>) semaphore(%arg25 : memref<!tpu.dma_semaphore, #tpu.memory_space<semaphore_mem>>)
      } else {
      }
      %add3A_311 = arith.constant 6 : i32
      %add3A_312 = arith.addi %mul3A_191, %add3A_311 : i32
      %dma_wait3A_313 = arith.constant 0 : i32
      %dma_wait3A_314 = tpu.memref_slice %arg6[%add3A_312, %dma_wait3A_313] : memref<128x128xi32, #tpu.memory_space<vmem>> -> memref<1x128xi32, #tpu.memory_space<vmem>>
      %dma_wait3A_315 = tpu.memref_squeeze %dma_wait3A_314 : memref<1x128xi32, #tpu.memory_space<vmem>> -> memref<128xi32, #tpu.memory_space<vmem>>
      %dma_wait3A_316 = arith.constant 0 : i32
      %dma_wait3A_317 = arith.constant 0 : i32
      %dma_wait3A_318 = tpu.memref_slice %arg2[%dma_wait3A_316, %dma_wait3A_317] : memref<10000x48xf32, #tpu.memory_space<hbm>> -> memref<10000x48xf32, #tpu.memory_space<hbm>>
      tpu.wait_indirect_dma semaphore(%arg26 : memref<!tpu.dma_semaphore, #tpu.memory_space<semaphore_mem>>) src(%dma_wait3A_318 : memref<10000x48xf32, #tpu.memory_space<hbm>>) dst(%arg14 : memref<128x48xf32, #tpu.memory_space<vmem>>)
      %dma_start3A_319 = arith.constant 0 : i32
      %dma_start3A_320 = tpu.memref_slice %arg7[%add3A_312, %dma_start3A_319] : memref<128x128xi32, #tpu.memory_space<vmem>> -> memref<1x128xi32, #tpu.memory_space<vmem>>
      %dma_start3A_321 = tpu.memref_squeeze %dma_start3A_320 : memref<1x128xi32, #tpu.memory_space<vmem>> -> memref<128xi32, #tpu.memory_space<vmem>>
      %dma_start3A_322 = arith.constant 0 : i32
      %dma_start3A_323 = arith.constant 0 : i32
      %dma_start3A_324 = tpu.memref_slice %arg16[%dma_start3A_322, %dma_start3A_323] : memref<10112x48xf32, #tpu.memory_space<vmem_shared>> -> memref<10112x48xf32, #tpu.memory_space<vmem_shared>>
      tpu.enqueue_indirect_dma source(%arg14 : memref<128x48xf32, #tpu.memory_space<vmem>>) target(%dma_start3A_324 : memref<10112x48xf32, #tpu.memory_space<vmem_shared>>) offsets(%dma_start3A_321 : memref<128xi32, #tpu.memory_space<vmem>>) semaphore(%arg34 : memref<!tpu.dma_semaphore, #tpu.memory_space<semaphore_mem>>) {add = true}
      %add3A_325 = arith.constant 8 : i32
      %add3A_326 = arith.addi %add3A_312, %add3A_325 : i32
      %lt3A_327 = arith.cmpi slt, %add3A_326, %select_n3A : i32
      %convert_element_type3A_328 = arith.extui %lt3A_327 : i1 to i32
      %cond3A_329 = arith.constant 0 : i32
      %cond3A_330 = arith.cmpi ne, %convert_element_type3A_328, %cond3A_329 : i32
      scf.if %cond3A_330 {
        %dma_wait3A_351 = arith.constant 0 : i32
        %dma_wait3A_352 = tpu.memref_slice %arg7[%add3A_312, %dma_wait3A_351] : memref<128x128xi32, #tpu.memory_space<vmem>> -> memref<1x128xi32, #tpu.memory_space<vmem>>
        %dma_wait3A_353 = tpu.memref_squeeze %dma_wait3A_352 : memref<1x128xi32, #tpu.memory_space<vmem>> -> memref<128xi32, #tpu.memory_space<vmem>>
        %dma_wait3A_354 = arith.constant 0 : i32
        %dma_wait3A_355 = arith.constant 0 : i32
        %dma_wait3A_356 = tpu.memref_slice %arg16[%dma_wait3A_354, %dma_wait3A_355] : memref<10112x48xf32, #tpu.memory_space<vmem_shared>> -> memref<10112x48xf32, #tpu.memory_space<vmem_shared>>
        tpu.wait_indirect_dma semaphore(%arg34 : memref<!tpu.dma_semaphore, #tpu.memory_space<semaphore_mem>>) src(%arg14 : memref<128x48xf32, #tpu.memory_space<vmem>>) dst(%dma_wait3A_356 : memref<10112x48xf32, #tpu.memory_space<vmem_shared>>)
        %dma_start3A_357 = arith.constant 0 : i32
        %dma_start3A_358 = tpu.memref_slice %arg6[%add3A_326, %dma_start3A_357] : memref<128x128xi32, #tpu.memory_space<vmem>> -> memref<1x128xi32, #tpu.memory_space<vmem>>
        %dma_start3A_359 = tpu.memref_squeeze %dma_start3A_358 : memref<1x128xi32, #tpu.memory_space<vmem>> -> memref<128xi32, #tpu.memory_space<vmem>>
        %dma_start3A_360 = arith.constant 0 : i32
        %dma_start3A_361 = arith.constant 0 : i32
        %dma_start3A_362 = tpu.memref_slice %arg2[%dma_start3A_360, %dma_start3A_361] : memref<10000x48xf32, #tpu.memory_space<hbm>> -> memref<10000x48xf32, #tpu.memory_space<hbm>>
        tpu.enqueue_indirect_dma source(%dma_start3A_362 : memref<10000x48xf32, #tpu.memory_space<hbm>>) target(%arg14 : memref<128x48xf32, #tpu.memory_space<vmem>>) offsets(%dma_start3A_359 : memref<128xi32, #tpu.memory_space<vmem>>) semaphore(%arg26 : memref<!tpu.dma_semaphore, #tpu.memory_space<semaphore_mem>>)
      } else {
      }
      %add3A_331 = arith.constant 7 : i32
      %add3A_332 = arith.addi %mul3A_191, %add3A_331 : i32
      %dma_wait3A_333 = arith.constant 0 : i32
      %dma_wait3A_334 = tpu.memref_slice %arg6[%add3A_332, %dma_wait3A_333] : memref<128x128xi32, #tpu.memory_space<vmem>> -> memref<1x128xi32, #tpu.memory_space<vmem>>
      %dma_wait3A_335 = tpu.memref_squeeze %dma_wait3A_334 : memref<1x128xi32, #tpu.memory_space<vmem>> -> memref<128xi32, #tpu.memory_space<vmem>>
      %dma_wait3A_336 = arith.constant 0 : i32
      %dma_wait3A_337 = arith.constant 0 : i32
      %dma_wait3A_338 = tpu.memref_slice %arg2[%dma_wait3A_336, %dma_wait3A_337] : memref<10000x48xf32, #tpu.memory_space<hbm>> -> memref<10000x48xf32, #tpu.memory_space<hbm>>
      tpu.wait_indirect_dma semaphore(%arg27 : memref<!tpu.dma_semaphore, #tpu.memory_space<semaphore_mem>>) src(%dma_wait3A_338 : memref<10000x48xf32, #tpu.memory_space<hbm>>) dst(%arg15 : memref<128x48xf32, #tpu.memory_space<vmem>>)
      %dma_start3A_339 = arith.constant 0 : i32
      %dma_start3A_340 = tpu.memref_slice %arg7[%add3A_332, %dma_start3A_339] : memref<128x128xi32, #tpu.memory_space<vmem>> -> memref<1x128xi32, #tpu.memory_space<vmem>>
      %dma_start3A_341 = tpu.memref_squeeze %dma_start3A_340 : memref<1x128xi32, #tpu.memory_space<vmem>> -> memref<128xi32, #tpu.memory_space<vmem>>
      %dma_start3A_342 = arith.constant 0 : i32
      %dma_start3A_343 = arith.constant 0 : i32
      %dma_start3A_344 = tpu.memref_slice %arg16[%dma_start3A_342, %dma_start3A_343] : memref<10112x48xf32, #tpu.memory_space<vmem_shared>> -> memref<10112x48xf32, #tpu.memory_space<vmem_shared>>
      tpu.enqueue_indirect_dma source(%arg15 : memref<128x48xf32, #tpu.memory_space<vmem>>) target(%dma_start3A_344 : memref<10112x48xf32, #tpu.memory_space<vmem_shared>>) offsets(%dma_start3A_341 : memref<128xi32, #tpu.memory_space<vmem>>) semaphore(%arg35 : memref<!tpu.dma_semaphore, #tpu.memory_space<semaphore_mem>>) {add = true}
      %add3A_345 = arith.constant 8 : i32
      %add3A_346 = arith.addi %add3A_332, %add3A_345 : i32
      %lt3A_347 = arith.cmpi slt, %add3A_346, %select_n3A : i32
      %convert_element_type3A_348 = arith.extui %lt3A_347 : i1 to i32
      %cond3A_349 = arith.constant 0 : i32
      %cond3A_350 = arith.cmpi ne, %convert_element_type3A_348, %cond3A_349 : i32
      scf.if %cond3A_350 {
        %dma_wait3A_351 = arith.constant 0 : i32
        %dma_wait3A_352 = tpu.memref_slice %arg7[%add3A_332, %dma_wait3A_351] : memref<128x128xi32, #tpu.memory_space<vmem>> -> memref<1x128xi32, #tpu.memory_space<vmem>>
        %dma_wait3A_353 = tpu.memref_squeeze %dma_wait3A_352 : memref<1x128xi32, #tpu.memory_space<vmem>> -> memref<128xi32, #tpu.memory_space<vmem>>
        %dma_wait3A_354 = arith.constant 0 : i32
        %dma_wait3A_355 = arith.constant 0 : i32
        %dma_wait3A_356 = tpu.memref_slice %arg16[%dma_wait3A_354, %dma_wait3A_355] : memref<10112x48xf32, #tpu.memory_space<vmem_shared>> -> memref<10112x48xf32, #tpu.memory_space<vmem_shared>>
        tpu.wait_indirect_dma semaphore(%arg35 : memref<!tpu.dma_semaphore, #tpu.memory_space<semaphore_mem>>) src(%arg15 : memref<128x48xf32, #tpu.memory_space<vmem>>) dst(%dma_wait3A_356 : memref<10112x48xf32, #tpu.memory_space<vmem_shared>>)
        %dma_start3A_357 = arith.constant 0 : i32
        %dma_start3A_358 = tpu.memref_slice %arg6[%add3A_346, %dma_start3A_357] : memref<128x128xi32, #tpu.memory_space<vmem>> -> memref<1x128xi32, #tpu.memory_space<vmem>>
        %dma_start3A_359 = tpu.memref_squeeze %dma_start3A_358 : memref<1x128xi32, #tpu.memory_space<vmem>> -> memref<128xi32, #tpu.memory_space<vmem>>
        %dma_start3A_360 = arith.constant 0 : i32
        %dma_start3A_361 = arith.constant 0 : i32
        %dma_start3A_362 = tpu.memref_slice %arg2[%dma_start3A_360, %dma_start3A_361] : memref<10000x48xf32, #tpu.memory_space<hbm>> -> memref<10000x48xf32, #tpu.memory_space<hbm>>
        tpu.enqueue_indirect_dma source(%dma_start3A_362 : memref<10000x48xf32, #tpu.memory_space<hbm>>) target(%arg15 : memref<128x48xf32, #tpu.memory_space<vmem>>) offsets(%dma_start3A_359 : memref<128xi32, #tpu.memory_space<vmem>>) semaphore(%arg27 : memref<!tpu.dma_semaphore, #tpu.memory_space<semaphore_mem>>)
      } else {
      }
    }
    %while3A_107 = arith.constant 1 : i32
    scf.for %while3A_189 = %while3A_105 to %while3A_101 step %while3A_107  : i32 {
      %mul3A_190 = arith.constant 8 : i32
      %mul3A_191 = arith.muli %while3A_189, %mul3A_190 : i32
      %add3A_192 = arith.constant 0 : i32
      %add3A_193 = arith.addi %mul3A_191, %add3A_192 : i32
      %dma_wait3A_194 = arith.constant 0 : i32
      %dma_wait3A_195 = tpu.memref_slice %arg6[%add3A_193, %dma_wait3A_194] : memref<128x128xi32, #tpu.memory_space<vmem>> -> memref<1x128xi32, #tpu.memory_space<vmem>>
      %dma_wait3A_196 = tpu.memref_squeeze %dma_wait3A_195 : memref<1x128xi32, #tpu.memory_space<vmem>> -> memref<128xi32, #tpu.memory_space<vmem>>
      %dma_wait3A_197 = arith.constant 0 : i32
      %dma_wait3A_198 = arith.constant 0 : i32
      %dma_wait3A_199 = tpu.memref_slice %arg2[%dma_wait3A_197, %dma_wait3A_198] : memref<10000x48xf32, #tpu.memory_space<hbm>> -> memref<10000x48xf32, #tpu.memory_space<hbm>>
      tpu.wait_indirect_dma semaphore(%arg20 : memref<!tpu.dma_semaphore, #tpu.memory_space<semaphore_mem>>) src(%dma_wait3A_199 : memref<10000x48xf32, #tpu.memory_space<hbm>>) dst(%arg8 : memref<128x48xf32, #tpu.memory_space<vmem>>)
      %dma_start3A_200 = arith.constant 0 : i32
      %dma_start3A_201 = tpu.memref_slice %arg7[%add3A_193, %dma_start3A_200] : memref<128x128xi32, #tpu.memory_space<vmem>> -> memref<1x128xi32, #tpu.memory_space<vmem>>
      %dma_start3A_202 = tpu.memref_squeeze %dma_start3A_201 : memref<1x128xi32, #tpu.memory_space<vmem>> -> memref<128xi32, #tpu.memory_space<vmem>>
      %dma_start3A_203 = arith.constant 0 : i32
      %dma_start3A_204 = arith.constant 0 : i32
      %dma_start3A_205 = tpu.memref_slice %arg16[%dma_start3A_203, %dma_start3A_204] : memref<10112x48xf32, #tpu.memory_space<vmem_shared>> -> memref<10112x48xf32, #tpu.memory_space<vmem_shared>>
      tpu.enqueue_indirect_dma source(%arg8 : memref<128x48xf32, #tpu.memory_space<vmem>>) target(%dma_start3A_205 : memref<10112x48xf32, #tpu.memory_space<vmem_shared>>) offsets(%dma_start3A_202 : memref<128xi32, #tpu.memory_space<vmem>>) semaphore(%arg28 : memref<!tpu.dma_semaphore, #tpu.memory_space<semaphore_mem>>) {add = true}
      %add3A_206 = arith.constant 8 : i32
      %add3A_207 = arith.addi %add3A_193, %add3A_206 : i32
      %lt3A = arith.cmpi slt, %add3A_207, %select_n3A : i32
      %convert_element_type3A_208 = arith.extui %lt3A : i1 to i32
      %cond3A_209 = arith.constant 0 : i32
      %cond3A_210 = arith.cmpi ne, %convert_element_type3A_208, %cond3A_209 : i32
      scf.if %cond3A_210 {
        %dma_wait3A_351 = arith.constant 0 : i32
        %dma_wait3A_352 = tpu.memref_slice %arg7[%add3A_193, %dma_wait3A_351] : memref<128x128xi32, #tpu.memory_space<vmem>> -> memref<1x128xi32, #tpu.memory_space<vmem>>
        %dma_wait3A_353 = tpu.memref_squeeze %dma_wait3A_352 : memref<1x128xi32, #tpu.memory_space<vmem>> -> memref<128xi32, #tpu.memory_space<vmem>>
        %dma_wait3A_354 = arith.constant 0 : i32
        %dma_wait3A_355 = arith.constant 0 : i32
        %dma_wait3A_356 = tpu.memref_slice %arg16[%dma_wait3A_354, %dma_wait3A_355] : memref<10112x48xf32, #tpu.memory_space<vmem_shared>> -> memref<10112x48xf32, #tpu.memory_space<vmem_shared>>
        tpu.wait_indirect_dma semaphore(%arg28 : memref<!tpu.dma_semaphore, #tpu.memory_space<semaphore_mem>>) src(%arg8 : memref<128x48xf32, #tpu.memory_space<vmem>>) dst(%dma_wait3A_356 : memref<10112x48xf32, #tpu.memory_space<vmem_shared>>)
        %dma_start3A_357 = arith.constant 0 : i32
        %dma_start3A_358 = tpu.memref_slice %arg6[%add3A_207, %dma_start3A_357] : memref<128x128xi32, #tpu.memory_space<vmem>> -> memref<1x128xi32, #tpu.memory_space<vmem>>
        %dma_start3A_359 = tpu.memref_squeeze %dma_start3A_358 : memref<1x128xi32, #tpu.memory_space<vmem>> -> memref<128xi32, #tpu.memory_space<vmem>>
        %dma_start3A_360 = arith.constant 0 : i32
        %dma_start3A_361 = arith.constant 0 : i32
        %dma_start3A_362 = tpu.memref_slice %arg2[%dma_start3A_360, %dma_start3A_361] : memref<10000x48xf32, #tpu.memory_space<hbm>> -> memref<10000x48xf32, #tpu.memory_space<hbm>>
        tpu.enqueue_indirect_dma source(%dma_start3A_362 : memref<10000x48xf32, #tpu.memory_space<hbm>>) target(%arg8 : memref<128x48xf32, #tpu.memory_space<vmem>>) offsets(%dma_start3A_359 : memref<128xi32, #tpu.memory_space<vmem>>) semaphore(%arg20 : memref<!tpu.dma_semaphore, #tpu.memory_space<semaphore_mem>>)
      } else {
      }
      %add3A_211 = arith.constant 1 : i32
      %add3A_212 = arith.addi %mul3A_191, %add3A_211 : i32
      %dma_wait3A_213 = arith.constant 0 : i32
      %dma_wait3A_214 = tpu.memref_slice %arg6[%add3A_212, %dma_wait3A_213] : memref<128x128xi32, #tpu.memory_space<vmem>> -> memref<1x128xi32, #tpu.memory_space<vmem>>
      %dma_wait3A_215 = tpu.memref_squeeze %dma_wait3A_214 : memref<1x128xi32, #tpu.memory_space<vmem>> -> memref<128xi32, #tpu.memory_space<vmem>>
      %dma_wait3A_216 = arith.constant 0 : i32
      %dma_wait3A_217 = arith.constant 0 : i32
      %dma_wait3A_218 = tpu.memref_slice %arg2[%dma_wait3A_216, %dma_wait3A_217] : memref<10000x48xf32, #tpu.memory_space<hbm>> -> memref<10000x48xf32, #tpu.memory_space<hbm>>
      tpu.wait_indirect_dma semaphore(%arg21 : memref<!tpu.dma_semaphore, #tpu.memory_space<semaphore_mem>>) src(%dma_wait3A_218 : memref<10000x48xf32, #tpu.memory_space<hbm>>) dst(%arg9 : memref<128x48xf32, #tpu.memory_space<vmem>>)
      %dma_start3A_219 = arith.constant 0 : i32
      %dma_start3A_220 = tpu.memref_slice %arg7[%add3A_212, %dma_start3A_219] : memref<128x128xi32, #tpu.memory_space<vmem>> -> memref<1x128xi32, #tpu.memory_space<vmem>>
      %dma_start3A_221 = tpu.memref_squeeze %dma_start3A_220 : memref<1x128xi32, #tpu.memory_space<vmem>> -> memref<128xi32, #tpu.memory_space<vmem>>
      %dma_start3A_222 = arith.constant 0 : i32
      %dma_start3A_223 = arith.constant 0 : i32
      %dma_start3A_224 = tpu.memref_slice %arg16[%dma_start3A_222, %dma_start3A_223] : memref<10112x48xf32, #tpu.memory_space<vmem_shared>> -> memref<10112x48xf32, #tpu.memory_space<vmem_shared>>
      tpu.enqueue_indirect_dma source(%arg9 : memref<128x48xf32, #tpu.memory_space<vmem>>) target(%dma_start3A_224 : memref<10112x48xf32, #tpu.memory_space<vmem_shared>>) offsets(%dma_start3A_221 : memref<128xi32, #tpu.memory_space<vmem>>) semaphore(%arg29 : memref<!tpu.dma_semaphore, #tpu.memory_space<semaphore_mem>>) {add = true}
      %add3A_225 = arith.constant 8 : i32
      %add3A_226 = arith.addi %add3A_212, %add3A_225 : i32
      %lt3A_227 = arith.cmpi slt, %add3A_226, %select_n3A : i32
      %convert_element_type3A_228 = arith.extui %lt3A_227 : i1 to i32
      %cond3A_229 = arith.constant 0 : i32
      %cond3A_230 = arith.cmpi ne, %convert_element_type3A_228, %cond3A_229 : i32
      scf.if %cond3A_230 {
        %dma_wait3A_351 = arith.constant 0 : i32
        %dma_wait3A_352 = tpu.memref_slice %arg7[%add3A_212, %dma_wait3A_351] : memref<128x128xi32, #tpu.memory_space<vmem>> -> memref<1x128xi32, #tpu.memory_space<vmem>>
        %dma_wait3A_353 = tpu.memref_squeeze %dma_wait3A_352 : memref<1x128xi32, #tpu.memory_space<vmem>> -> memref<128xi32, #tpu.memory_space<vmem>>
        %dma_wait3A_354 = arith.constant 0 : i32
        %dma_wait3A_355 = arith.constant 0 : i32
        %dma_wait3A_356 = tpu.memref_slice %arg16[%dma_wait3A_354, %dma_wait3A_355] : memref<10112x48xf32, #tpu.memory_space<vmem_shared>> -> memref<10112x48xf32, #tpu.memory_space<vmem_shared>>
        tpu.wait_indirect_dma semaphore(%arg29 : memref<!tpu.dma_semaphore, #tpu.memory_space<semaphore_mem>>) src(%arg9 : memref<128x48xf32, #tpu.memory_space<vmem>>) dst(%dma_wait3A_356 : memref<10112x48xf32, #tpu.memory_space<vmem_shared>>)
        %dma_start3A_357 = arith.constant 0 : i32
        %dma_start3A_358 = tpu.memref_slice %arg6[%add3A_226, %dma_start3A_357] : memref<128x128xi32, #tpu.memory_space<vmem>> -> memref<1x128xi32, #tpu.memory_space<vmem>>
        %dma_start3A_359 = tpu.memref_squeeze %dma_start3A_358 : memref<1x128xi32, #tpu.memory_space<vmem>> -> memref<128xi32, #tpu.memory_space<vmem>>
        %dma_start3A_360 = arith.constant 0 : i32
        %dma_start3A_361 = arith.constant 0 : i32
        %dma_start3A_362 = tpu.memref_slice %arg2[%dma_start3A_360, %dma_start3A_361] : memref<10000x48xf32, #tpu.memory_space<hbm>> -> memref<10000x48xf32, #tpu.memory_space<hbm>>
        tpu.enqueue_indirect_dma source(%dma_start3A_362 : memref<10000x48xf32, #tpu.memory_space<hbm>>) target(%arg9 : memref<128x48xf32, #tpu.memory_space<vmem>>) offsets(%dma_start3A_359 : memref<128xi32, #tpu.memory_space<vmem>>) semaphore(%arg21 : memref<!tpu.dma_semaphore, #tpu.memory_space<semaphore_mem>>)
      } else {
      }
      %add3A_231 = arith.constant 2 : i32
      %add3A_232 = arith.addi %mul3A_191, %add3A_231 : i32
      %dma_wait3A_233 = arith.constant 0 : i32
      %dma_wait3A_234 = tpu.memref_slice %arg6[%add3A_232, %dma_wait3A_233] : memref<128x128xi32, #tpu.memory_space<vmem>> -> memref<1x128xi32, #tpu.memory_space<vmem>>
      %dma_wait3A_235 = tpu.memref_squeeze %dma_wait3A_234 : memref<1x128xi32, #tpu.memory_space<vmem>> -> memref<128xi32, #tpu.memory_space<vmem>>
      %dma_wait3A_236 = arith.constant 0 : i32
      %dma_wait3A_237 = arith.constant 0 : i32
      %dma_wait3A_238 = tpu.memref_slice %arg2[%dma_wait3A_236, %dma_wait3A_237] : memref<10000x48xf32, #tpu.memory_space<hbm>> -> memref<10000x48xf32, #tpu.memory_space<hbm>>
      tpu.wait_indirect_dma semaphore(%arg22 : memref<!tpu.dma_semaphore, #tpu.memory_space<semaphore_mem>>) src(%dma_wait3A_238 : memref<10000x48xf32, #tpu.memory_space<hbm>>) dst(%arg10 : memref<128x48xf32, #tpu.memory_space<vmem>>)
      %dma_start3A_239 = arith.constant 0 : i32
      %dma_start3A_240 = tpu.memref_slice %arg7[%add3A_232, %dma_start3A_239] : memref<128x128xi32, #tpu.memory_space<vmem>> -> memref<1x128xi32, #tpu.memory_space<vmem>>
      %dma_start3A_241 = tpu.memref_squeeze %dma_start3A_240 : memref<1x128xi32, #tpu.memory_space<vmem>> -> memref<128xi32, #tpu.memory_space<vmem>>
      %dma_start3A_242 = arith.constant 0 : i32
      %dma_start3A_243 = arith.constant 0 : i32
      %dma_start3A_244 = tpu.memref_slice %arg16[%dma_start3A_242, %dma_start3A_243] : memref<10112x48xf32, #tpu.memory_space<vmem_shared>> -> memref<10112x48xf32, #tpu.memory_space<vmem_shared>>
      tpu.enqueue_indirect_dma source(%arg10 : memref<128x48xf32, #tpu.memory_space<vmem>>) target(%dma_start3A_244 : memref<10112x48xf32, #tpu.memory_space<vmem_shared>>) offsets(%dma_start3A_241 : memref<128xi32, #tpu.memory_space<vmem>>) semaphore(%arg30 : memref<!tpu.dma_semaphore, #tpu.memory_space<semaphore_mem>>) {add = true}
      %add3A_245 = arith.constant 8 : i32
      %add3A_246 = arith.addi %add3A_232, %add3A_245 : i32
      %lt3A_247 = arith.cmpi slt, %add3A_246, %select_n3A : i32
      %convert_element_type3A_248 = arith.extui %lt3A_247 : i1 to i32
      %cond3A_249 = arith.constant 0 : i32
      %cond3A_250 = arith.cmpi ne, %convert_element_type3A_248, %cond3A_249 : i32
      scf.if %cond3A_250 {
        %dma_wait3A_351 = arith.constant 0 : i32
        %dma_wait3A_352 = tpu.memref_slice %arg7[%add3A_232, %dma_wait3A_351] : memref<128x128xi32, #tpu.memory_space<vmem>> -> memref<1x128xi32, #tpu.memory_space<vmem>>
        %dma_wait3A_353 = tpu.memref_squeeze %dma_wait3A_352 : memref<1x128xi32, #tpu.memory_space<vmem>> -> memref<128xi32, #tpu.memory_space<vmem>>
        %dma_wait3A_354 = arith.constant 0 : i32
        %dma_wait3A_355 = arith.constant 0 : i32
        %dma_wait3A_356 = tpu.memref_slice %arg16[%dma_wait3A_354, %dma_wait3A_355] : memref<10112x48xf32, #tpu.memory_space<vmem_shared>> -> memref<10112x48xf32, #tpu.memory_space<vmem_shared>>
        tpu.wait_indirect_dma semaphore(%arg30 : memref<!tpu.dma_semaphore, #tpu.memory_space<semaphore_mem>>) src(%arg10 : memref<128x48xf32, #tpu.memory_space<vmem>>) dst(%dma_wait3A_356 : memref<10112x48xf32, #tpu.memory_space<vmem_shared>>)
        %dma_start3A_357 = arith.constant 0 : i32
        %dma_start3A_358 = tpu.memref_slice %arg6[%add3A_246, %dma_start3A_357] : memref<128x128xi32, #tpu.memory_space<vmem>> -> memref<1x128xi32, #tpu.memory_space<vmem>>
        %dma_start3A_359 = tpu.memref_squeeze %dma_start3A_358 : memref<1x128xi32, #tpu.memory_space<vmem>> -> memref<128xi32, #tpu.memory_space<vmem>>
        %dma_start3A_360 = arith.constant 0 : i32
        %dma_start3A_361 = arith.constant 0 : i32
        %dma_start3A_362 = tpu.memref_slice %arg2[%dma_start3A_360, %dma_start3A_361] : memref<10000x48xf32, #tpu.memory_space<hbm>> -> memref<10000x48xf32, #tpu.memory_space<hbm>>
        tpu.enqueue_indirect_dma source(%dma_start3A_362 : memref<10000x48xf32, #tpu.memory_space<hbm>>) target(%arg10 : memref<128x48xf32, #tpu.memory_space<vmem>>) offsets(%dma_start3A_359 : memref<128xi32, #tpu.memory_space<vmem>>) semaphore(%arg22 : memref<!tpu.dma_semaphore, #tpu.memory_space<semaphore_mem>>)
      } else {
      }
      %add3A_251 = arith.constant 3 : i32
      %add3A_252 = arith.addi %mul3A_191, %add3A_251 : i32
      %dma_wait3A_253 = arith.constant 0 : i32
      %dma_wait3A_254 = tpu.memref_slice %arg6[%add3A_252, %dma_wait3A_253] : memref<128x128xi32, #tpu.memory_space<vmem>> -> memref<1x128xi32, #tpu.memory_space<vmem>>
      %dma_wait3A_255 = tpu.memref_squeeze %dma_wait3A_254 : memref<1x128xi32, #tpu.memory_space<vmem>> -> memref<128xi32, #tpu.memory_space<vmem>>
      %dma_wait3A_256 = arith.constant 0 : i32
      %dma_wait3A_257 = arith.constant 0 : i32
      %dma_wait3A_258 = tpu.memref_slice %arg2[%dma_wait3A_256, %dma_wait3A_257] : memref<10000x48xf32, #tpu.memory_space<hbm>> -> memref<10000x48xf32, #tpu.memory_space<hbm>>
      tpu.wait_indirect_dma semaphore(%arg23 : memref<!tpu.dma_semaphore, #tpu.memory_space<semaphore_mem>>) src(%dma_wait3A_258 : memref<10000x48xf32, #tpu.memory_space<hbm>>) dst(%arg11 : memref<128x48xf32, #tpu.memory_space<vmem>>)
      %dma_start3A_259 = arith.constant 0 : i32
      %dma_start3A_260 = tpu.memref_slice %arg7[%add3A_252, %dma_start3A_259] : memref<128x128xi32, #tpu.memory_space<vmem>> -> memref<1x128xi32, #tpu.memory_space<vmem>>
      %dma_start3A_261 = tpu.memref_squeeze %dma_start3A_260 : memref<1x128xi32, #tpu.memory_space<vmem>> -> memref<128xi32, #tpu.memory_space<vmem>>
      %dma_start3A_262 = arith.constant 0 : i32
      %dma_start3A_263 = arith.constant 0 : i32
      %dma_start3A_264 = tpu.memref_slice %arg16[%dma_start3A_262, %dma_start3A_263] : memref<10112x48xf32, #tpu.memory_space<vmem_shared>> -> memref<10112x48xf32, #tpu.memory_space<vmem_shared>>
      tpu.enqueue_indirect_dma source(%arg11 : memref<128x48xf32, #tpu.memory_space<vmem>>) target(%dma_start3A_264 : memref<10112x48xf32, #tpu.memory_space<vmem_shared>>) offsets(%dma_start3A_261 : memref<128xi32, #tpu.memory_space<vmem>>) semaphore(%arg31 : memref<!tpu.dma_semaphore, #tpu.memory_space<semaphore_mem>>) {add = true}
      %add3A_265 = arith.constant 8 : i32
      %add3A_266 = arith.addi %add3A_252, %add3A_265 : i32
      %lt3A_267 = arith.cmpi slt, %add3A_266, %select_n3A : i32
      %convert_element_type3A_268 = arith.extui %lt3A_267 : i1 to i32
      %cond3A_269 = arith.constant 0 : i32
      %cond3A_270 = arith.cmpi ne, %convert_element_type3A_268, %cond3A_269 : i32
      scf.if %cond3A_270 {
        %dma_wait3A_351 = arith.constant 0 : i32
        %dma_wait3A_352 = tpu.memref_slice %arg7[%add3A_252, %dma_wait3A_351] : memref<128x128xi32, #tpu.memory_space<vmem>> -> memref<1x128xi32, #tpu.memory_space<vmem>>
        %dma_wait3A_353 = tpu.memref_squeeze %dma_wait3A_352 : memref<1x128xi32, #tpu.memory_space<vmem>> -> memref<128xi32, #tpu.memory_space<vmem>>
        %dma_wait3A_354 = arith.constant 0 : i32
        %dma_wait3A_355 = arith.constant 0 : i32
        %dma_wait3A_356 = tpu.memref_slice %arg16[%dma_wait3A_354, %dma_wait3A_355] : memref<10112x48xf32, #tpu.memory_space<vmem_shared>> -> memref<10112x48xf32, #tpu.memory_space<vmem_shared>>
        tpu.wait_indirect_dma semaphore(%arg31 : memref<!tpu.dma_semaphore, #tpu.memory_space<semaphore_mem>>) src(%arg11 : memref<128x48xf32, #tpu.memory_space<vmem>>) dst(%dma_wait3A_356 : memref<10112x48xf32, #tpu.memory_space<vmem_shared>>)
        %dma_start3A_357 = arith.constant 0 : i32
        %dma_start3A_358 = tpu.memref_slice %arg6[%add3A_266, %dma_start3A_357] : memref<128x128xi32, #tpu.memory_space<vmem>> -> memref<1x128xi32, #tpu.memory_space<vmem>>
        %dma_start3A_359 = tpu.memref_squeeze %dma_start3A_358 : memref<1x128xi32, #tpu.memory_space<vmem>> -> memref<128xi32, #tpu.memory_space<vmem>>
        %dma_start3A_360 = arith.constant 0 : i32
        %dma_start3A_361 = arith.constant 0 : i32
        %dma_start3A_362 = tpu.memref_slice %arg2[%dma_start3A_360, %dma_start3A_361] : memref<10000x48xf32, #tpu.memory_space<hbm>> -> memref<10000x48xf32, #tpu.memory_space<hbm>>
        tpu.enqueue_indirect_dma source(%dma_start3A_362 : memref<10000x48xf32, #tpu.memory_space<hbm>>) target(%arg11 : memref<128x48xf32, #tpu.memory_space<vmem>>) offsets(%dma_start3A_359 : memref<128xi32, #tpu.memory_space<vmem>>) semaphore(%arg23 : memref<!tpu.dma_semaphore, #tpu.memory_space<semaphore_mem>>)
      } else {
      }
      %add3A_271 = arith.constant 4 : i32
      %add3A_272 = arith.addi %mul3A_191, %add3A_271 : i32
      %dma_wait3A_273 = arith.constant 0 : i32
      %dma_wait3A_274 = tpu.memref_slice %arg6[%add3A_272, %dma_wait3A_273] : memref<128x128xi32, #tpu.memory_space<vmem>> -> memref<1x128xi32, #tpu.memory_space<vmem>>
      %dma_wait3A_275 = tpu.memref_squeeze %dma_wait3A_274 : memref<1x128xi32, #tpu.memory_space<vmem>> -> memref<128xi32, #tpu.memory_space<vmem>>
      %dma_wait3A_276 = arith.constant 0 : i32
      %dma_wait3A_277 = arith.constant 0 : i32
      %dma_wait3A_278 = tpu.memref_slice %arg2[%dma_wait3A_276, %dma_wait3A_277] : memref<10000x48xf32, #tpu.memory_space<hbm>> -> memref<10000x48xf32, #tpu.memory_space<hbm>>
      tpu.wait_indirect_dma semaphore(%arg24 : memref<!tpu.dma_semaphore, #tpu.memory_space<semaphore_mem>>) src(%dma_wait3A_278 : memref<10000x48xf32, #tpu.memory_space<hbm>>) dst(%arg12 : memref<128x48xf32, #tpu.memory_space<vmem>>)
      %dma_start3A_279 = arith.constant 0 : i32
      %dma_start3A_280 = tpu.memref_slice %arg7[%add3A_272, %dma_start3A_279] : memref<128x128xi32, #tpu.memory_space<vmem>> -> memref<1x128xi32, #tpu.memory_space<vmem>>
      %dma_start3A_281 = tpu.memref_squeeze %dma_start3A_280 : memref<1x128xi32, #tpu.memory_space<vmem>> -> memref<128xi32, #tpu.memory_space<vmem>>
      %dma_start3A_282 = arith.constant 0 : i32
      %dma_start3A_283 = arith.constant 0 : i32
      %dma_start3A_284 = tpu.memref_slice %arg16[%dma_start3A_282, %dma_start3A_283] : memref<10112x48xf32, #tpu.memory_space<vmem_shared>> -> memref<10112x48xf32, #tpu.memory_space<vmem_shared>>
      tpu.enqueue_indirect_dma source(%arg12 : memref<128x48xf32, #tpu.memory_space<vmem>>) target(%dma_start3A_284 : memref<10112x48xf32, #tpu.memory_space<vmem_shared>>) offsets(%dma_start3A_281 : memref<128xi32, #tpu.memory_space<vmem>>) semaphore(%arg32 : memref<!tpu.dma_semaphore, #tpu.memory_space<semaphore_mem>>) {add = true}
      %add3A_285 = arith.constant 8 : i32
      %add3A_286 = arith.addi %add3A_272, %add3A_285 : i32
      %lt3A_287 = arith.cmpi slt, %add3A_286, %select_n3A : i32
      %convert_element_type3A_288 = arith.extui %lt3A_287 : i1 to i32
      %cond3A_289 = arith.constant 0 : i32
      %cond3A_290 = arith.cmpi ne, %convert_element_type3A_288, %cond3A_289 : i32
      scf.if %cond3A_290 {
        %dma_wait3A_351 = arith.constant 0 : i32
        %dma_wait3A_352 = tpu.memref_slice %arg7[%add3A_272, %dma_wait3A_351] : memref<128x128xi32, #tpu.memory_space<vmem>> -> memref<1x128xi32, #tpu.memory_space<vmem>>
        %dma_wait3A_353 = tpu.memref_squeeze %dma_wait3A_352 : memref<1x128xi32, #tpu.memory_space<vmem>> -> memref<128xi32, #tpu.memory_space<vmem>>
        %dma_wait3A_354 = arith.constant 0 : i32
        %dma_wait3A_355 = arith.constant 0 : i32
        %dma_wait3A_356 = tpu.memref_slice %arg16[%dma_wait3A_354, %dma_wait3A_355] : memref<10112x48xf32, #tpu.memory_space<vmem_shared>> -> memref<10112x48xf32, #tpu.memory_space<vmem_shared>>
        tpu.wait_indirect_dma semaphore(%arg32 : memref<!tpu.dma_semaphore, #tpu.memory_space<semaphore_mem>>) src(%arg12 : memref<128x48xf32, #tpu.memory_space<vmem>>) dst(%dma_wait3A_356 : memref<10112x48xf32, #tpu.memory_space<vmem_shared>>)
        %dma_start3A_357 = arith.constant 0 : i32
        %dma_start3A_358 = tpu.memref_slice %arg6[%add3A_286, %dma_start3A_357] : memref<128x128xi32, #tpu.memory_space<vmem>> -> memref<1x128xi32, #tpu.memory_space<vmem>>
        %dma_start3A_359 = tpu.memref_squeeze %dma_start3A_358 : memref<1x128xi32, #tpu.memory_space<vmem>> -> memref<128xi32, #tpu.memory_space<vmem>>
        %dma_start3A_360 = arith.constant 0 : i32
        %dma_start3A_361 = arith.constant 0 : i32
        %dma_start3A_362 = tpu.memref_slice %arg2[%dma_start3A_360, %dma_start3A_361] : memref<10000x48xf32, #tpu.memory_space<hbm>> -> memref<10000x48xf32, #tpu.memory_space<hbm>>
        tpu.enqueue_indirect_dma source(%dma_start3A_362 : memref<10000x48xf32, #tpu.memory_space<hbm>>) target(%arg12 : memref<128x48xf32, #tpu.memory_space<vmem>>) offsets(%dma_start3A_359 : memref<128xi32, #tpu.memory_space<vmem>>) semaphore(%arg24 : memref<!tpu.dma_semaphore, #tpu.memory_space<semaphore_mem>>)
      } else {
      }
      %add3A_291 = arith.constant 5 : i32
      %add3A_292 = arith.addi %mul3A_191, %add3A_291 : i32
      %dma_wait3A_293 = arith.constant 0 : i32
      %dma_wait3A_294 = tpu.memref_slice %arg6[%add3A_292, %dma_wait3A_293] : memref<128x128xi32, #tpu.memory_space<vmem>> -> memref<1x128xi32, #tpu.memory_space<vmem>>
      %dma_wait3A_295 = tpu.memref_squeeze %dma_wait3A_294 : memref<1x128xi32, #tpu.memory_space<vmem>> -> memref<128xi32, #tpu.memory_space<vmem>>
      %dma_wait3A_296 = arith.constant 0 : i32
      %dma_wait3A_297 = arith.constant 0 : i32
      %dma_wait3A_298 = tpu.memref_slice %arg2[%dma_wait3A_296, %dma_wait3A_297] : memref<10000x48xf32, #tpu.memory_space<hbm>> -> memref<10000x48xf32, #tpu.memory_space<hbm>>
      tpu.wait_indirect_dma semaphore(%arg25 : memref<!tpu.dma_semaphore, #tpu.memory_space<semaphore_mem>>) src(%dma_wait3A_298 : memref<10000x48xf32, #tpu.memory_space<hbm>>) dst(%arg13 : memref<128x48xf32, #tpu.memory_space<vmem>>)
      %dma_start3A_299 = arith.constant 0 : i32
      %dma_start3A_300 = tpu.memref_slice %arg7[%add3A_292, %dma_start3A_299] : memref<128x128xi32, #tpu.memory_space<vmem>> -> memref<1x128xi32, #tpu.memory_space<vmem>>
      %dma_start3A_301 = tpu.memref_squeeze %dma_start3A_300 : memref<1x128xi32, #tpu.memory_space<vmem>> -> memref<128xi32, #tpu.memory_space<vmem>>
      %dma_start3A_302 = arith.constant 0 : i32
      %dma_start3A_303 = arith.constant 0 : i32
      %dma_start3A_304 = tpu.memref_slice %arg16[%dma_start3A_302, %dma_start3A_303] : memref<10112x48xf32, #tpu.memory_space<vmem_shared>> -> memref<10112x48xf32, #tpu.memory_space<vmem_shared>>
      tpu.enqueue_indirect_dma source(%arg13 : memref<128x48xf32, #tpu.memory_space<vmem>>) target(%dma_start3A_304 : memref<10112x48xf32, #tpu.memory_space<vmem_shared>>) offsets(%dma_start3A_301 : memref<128xi32, #tpu.memory_space<vmem>>) semaphore(%arg33 : memref<!tpu.dma_semaphore, #tpu.memory_space<semaphore_mem>>) {add = true}
      %add3A_305 = arith.constant 8 : i32
      %add3A_306 = arith.addi %add3A_292, %add3A_305 : i32
      %lt3A_307 = arith.cmpi slt, %add3A_306, %select_n3A : i32
      %convert_element_type3A_308 = arith.extui %lt3A_307 : i1 to i32
      %cond3A_309 = arith.constant 0 : i32
      %cond3A_310 = arith.cmpi ne, %convert_element_type3A_308, %cond3A_309 : i32
      scf.if %cond3A_310 {
        %dma_wait3A_351 = arith.constant 0 : i32
        %dma_wait3A_352 = tpu.memref_slice %arg7[%add3A_292, %dma_wait3A_351] : memref<128x128xi32, #tpu.memory_space<vmem>> -> memref<1x128xi32, #tpu.memory_space<vmem>>
        %dma_wait3A_353 = tpu.memref_squeeze %dma_wait3A_352 : memref<1x128xi32, #tpu.memory_space<vmem>> -> memref<128xi32, #tpu.memory_space<vmem>>
        %dma_wait3A_354 = arith.constant 0 : i32
        %dma_wait3A_355 = arith.constant 0 : i32
        %dma_wait3A_356 = tpu.memref_slice %arg16[%dma_wait3A_354, %dma_wait3A_355] : memref<10112x48xf32, #tpu.memory_space<vmem_shared>> -> memref<10112x48xf32, #tpu.memory_space<vmem_shared>>
        tpu.wait_indirect_dma semaphore(%arg33 : memref<!tpu.dma_semaphore, #tpu.memory_space<semaphore_mem>>) src(%arg13 : memref<128x48xf32, #tpu.memory_space<vmem>>) dst(%dma_wait3A_356 : memref<10112x48xf32, #tpu.memory_space<vmem_shared>>)
        %dma_start3A_357 = arith.constant 0 : i32
        %dma_start3A_358 = tpu.memref_slice %arg6[%add3A_306, %dma_start3A_357] : memref<128x128xi32, #tpu.memory_space<vmem>> -> memref<1x128xi32, #tpu.memory_space<vmem>>
        %dma_start3A_359 = tpu.memref_squeeze %dma_start3A_358 : memref<1x128xi32, #tpu.memory_space<vmem>> -> memref<128xi32, #tpu.memory_space<vmem>>
        %dma_start3A_360 = arith.constant 0 : i32
        %dma_start3A_361 = arith.constant 0 : i32
        %dma_start3A_362 = tpu.memref_slice %arg2[%dma_start3A_360, %dma_start3A_361] : memref<10000x48xf32, #tpu.memory_space<hbm>> -> memref<10000x48xf32, #tpu.memory_space<hbm>>
        tpu.enqueue_indirect_dma source(%dma_start3A_362 : memref<10000x48xf32, #tpu.memory_space<hbm>>) target(%arg13 : memref<128x48xf32, #tpu.memory_space<vmem>>) offsets(%dma_start3A_359 : memref<128xi32, #tpu.memory_space<vmem>>) semaphore(%arg25 : memref<!tpu.dma_semaphore, #tpu.memory_space<semaphore_mem>>)
      } else {
      }
      %add3A_311 = arith.constant 6 : i32
      %add3A_312 = arith.addi %mul3A_191, %add3A_311 : i32
      %dma_wait3A_313 = arith.constant 0 : i32
      %dma_wait3A_314 = tpu.memref_slice %arg6[%add3A_312, %dma_wait3A_313] : memref<128x128xi32, #tpu.memory_space<vmem>> -> memref<1x128xi32, #tpu.memory_space<vmem>>
      %dma_wait3A_315 = tpu.memref_squeeze %dma_wait3A_314 : memref<1x128xi32, #tpu.memory_space<vmem>> -> memref<128xi32, #tpu.memory_space<vmem>>
      %dma_wait3A_316 = arith.constant 0 : i32
      %dma_wait3A_317 = arith.constant 0 : i32
      %dma_wait3A_318 = tpu.memref_slice %arg2[%dma_wait3A_316, %dma_wait3A_317] : memref<10000x48xf32, #tpu.memory_space<hbm>> -> memref<10000x48xf32, #tpu.memory_space<hbm>>
      tpu.wait_indirect_dma semaphore(%arg26 : memref<!tpu.dma_semaphore, #tpu.memory_space<semaphore_mem>>) src(%dma_wait3A_318 : memref<10000x48xf32, #tpu.memory_space<hbm>>) dst(%arg14 : memref<128x48xf32, #tpu.memory_space<vmem>>)
      %dma_start3A_319 = arith.constant 0 : i32
      %dma_start3A_320 = tpu.memref_slice %arg7[%add3A_312, %dma_start3A_319] : memref<128x128xi32, #tpu.memory_space<vmem>> -> memref<1x128xi32, #tpu.memory_space<vmem>>
      %dma_start3A_321 = tpu.memref_squeeze %dma_start3A_320 : memref<1x128xi32, #tpu.memory_space<vmem>> -> memref<128xi32, #tpu.memory_space<vmem>>
      %dma_start3A_322 = arith.constant 0 : i32
      %dma_start3A_323 = arith.constant 0 : i32
      %dma_start3A_324 = tpu.memref_slice %arg16[%dma_start3A_322, %dma_start3A_323] : memref<10112x48xf32, #tpu.memory_space<vmem_shared>> -> memref<10112x48xf32, #tpu.memory_space<vmem_shared>>
      tpu.enqueue_indirect_dma source(%arg14 : memref<128x48xf32, #tpu.memory_space<vmem>>) target(%dma_start3A_324 : memref<10112x48xf32, #tpu.memory_space<vmem_shared>>) offsets(%dma_start3A_321 : memref<128xi32, #tpu.memory_space<vmem>>) semaphore(%arg34 : memref<!tpu.dma_semaphore, #tpu.memory_space<semaphore_mem>>) {add = true}
      %add3A_325 = arith.constant 8 : i32
      %add3A_326 = arith.addi %add3A_312, %add3A_325 : i32
      %lt3A_327 = arith.cmpi slt, %add3A_326, %select_n3A : i32
      %convert_element_type3A_328 = arith.extui %lt3A_327 : i1 to i32
      %cond3A_329 = arith.constant 0 : i32
      %cond3A_330 = arith.cmpi ne, %convert_element_type3A_328, %cond3A_329 : i32
      scf.if %cond3A_330 {
        %dma_wait3A_351 = arith.constant 0 : i32
        %dma_wait3A_352 = tpu.memref_slice %arg7[%add3A_312, %dma_wait3A_351] : memref<128x128xi32, #tpu.memory_space<vmem>> -> memref<1x128xi32, #tpu.memory_space<vmem>>
        %dma_wait3A_353 = tpu.memref_squeeze %dma_wait3A_352 : memref<1x128xi32, #tpu.memory_space<vmem>> -> memref<128xi32, #tpu.memory_space<vmem>>
        %dma_wait3A_354 = arith.constant 0 : i32
        %dma_wait3A_355 = arith.constant 0 : i32
        %dma_wait3A_356 = tpu.memref_slice %arg16[%dma_wait3A_354, %dma_wait3A_355] : memref<10112x48xf32, #tpu.memory_space<vmem_shared>> -> memref<10112x48xf32, #tpu.memory_space<vmem_shared>>
        tpu.wait_indirect_dma semaphore(%arg34 : memref<!tpu.dma_semaphore, #tpu.memory_space<semaphore_mem>>) src(%arg14 : memref<128x48xf32, #tpu.memory_space<vmem>>) dst(%dma_wait3A_356 : memref<10112x48xf32, #tpu.memory_space<vmem_shared>>)
        %dma_start3A_357 = arith.constant 0 : i32
        %dma_start3A_358 = tpu.memref_slice %arg6[%add3A_326, %dma_start3A_357] : memref<128x128xi32, #tpu.memory_space<vmem>> -> memref<1x128xi32, #tpu.memory_space<vmem>>
        %dma_start3A_359 = tpu.memref_squeeze %dma_start3A_358 : memref<1x128xi32, #tpu.memory_space<vmem>> -> memref<128xi32, #tpu.memory_space<vmem>>
        %dma_start3A_360 = arith.constant 0 : i32
        %dma_start3A_361 = arith.constant 0 : i32
        %dma_start3A_362 = tpu.memref_slice %arg2[%dma_start3A_360, %dma_start3A_361] : memref<10000x48xf32, #tpu.memory_space<hbm>> -> memref<10000x48xf32, #tpu.memory_space<hbm>>
        tpu.enqueue_indirect_dma source(%dma_start3A_362 : memref<10000x48xf32, #tpu.memory_space<hbm>>) target(%arg14 : memref<128x48xf32, #tpu.memory_space<vmem>>) offsets(%dma_start3A_359 : memref<128xi32, #tpu.memory_space<vmem>>) semaphore(%arg26 : memref<!tpu.dma_semaphore, #tpu.memory_space<semaphore_mem>>)
      } else {
      }
      %add3A_331 = arith.constant 7 : i32
      %add3A_332 = arith.addi %mul3A_191, %add3A_331 : i32
      %dma_wait3A_333 = arith.constant 0 : i32
      %dma_wait3A_334 = tpu.memref_slice %arg6[%add3A_332, %dma_wait3A_333] : memref<128x128xi32, #tpu.memory_space<vmem>> -> memref<1x128xi32, #tpu.memory_space<vmem>>
      %dma_wait3A_335 = tpu.memref_squeeze %dma_wait3A_334 : memref<1x128xi32, #tpu.memory_space<vmem>> -> memref<128xi32, #tpu.memory_space<vmem>>
      %dma_wait3A_336 = arith.constant 0 : i32
      %dma_wait3A_337 = arith.constant 0 : i32
      %dma_wait3A_338 = tpu.memref_slice %arg2[%dma_wait3A_336, %dma_wait3A_337] : memref<10000x48xf32, #tpu.memory_space<hbm>> -> memref<10000x48xf32, #tpu.memory_space<hbm>>
      tpu.wait_indirect_dma semaphore(%arg27 : memref<!tpu.dma_semaphore, #tpu.memory_space<semaphore_mem>>) src(%dma_wait3A_338 : memref<10000x48xf32, #tpu.memory_space<hbm>>) dst(%arg15 : memref<128x48xf32, #tpu.memory_space<vmem>>)
      %dma_start3A_339 = arith.constant 0 : i32
      %dma_start3A_340 = tpu.memref_slice %arg7[%add3A_332, %dma_start3A_339] : memref<128x128xi32, #tpu.memory_space<vmem>> -> memref<1x128xi32, #tpu.memory_space<vmem>>
      %dma_start3A_341 = tpu.memref_squeeze %dma_start3A_340 : memref<1x128xi32, #tpu.memory_space<vmem>> -> memref<128xi32, #tpu.memory_space<vmem>>
      %dma_start3A_342 = arith.constant 0 : i32
      %dma_start3A_343 = arith.constant 0 : i32
      %dma_start3A_344 = tpu.memref_slice %arg16[%dma_start3A_342, %dma_start3A_343] : memref<10112x48xf32, #tpu.memory_space<vmem_shared>> -> memref<10112x48xf32, #tpu.memory_space<vmem_shared>>
      tpu.enqueue_indirect_dma source(%arg15 : memref<128x48xf32, #tpu.memory_space<vmem>>) target(%dma_start3A_344 : memref<10112x48xf32, #tpu.memory_space<vmem_shared>>) offsets(%dma_start3A_341 : memref<128xi32, #tpu.memory_space<vmem>>) semaphore(%arg35 : memref<!tpu.dma_semaphore, #tpu.memory_space<semaphore_mem>>) {add = true}
      %add3A_345 = arith.constant 8 : i32
      %add3A_346 = arith.addi %add3A_332, %add3A_345 : i32
      %lt3A_347 = arith.cmpi slt, %add3A_346, %select_n3A : i32
      %convert_element_type3A_348 = arith.extui %lt3A_347 : i1 to i32
      %cond3A_349 = arith.constant 0 : i32
      %cond3A_350 = arith.cmpi ne, %convert_element_type3A_348, %cond3A_349 : i32
      scf.if %cond3A_350 {
        %dma_wait3A_351 = arith.constant 0 : i32
        %dma_wait3A_352 = tpu.memref_slice %arg7[%add3A_332, %dma_wait3A_351] : memref<128x128xi32, #tpu.memory_space<vmem>> -> memref<1x128xi32, #tpu.memory_space<vmem>>
        %dma_wait3A_353 = tpu.memref_squeeze %dma_wait3A_352 : memref<1x128xi32, #tpu.memory_space<vmem>> -> memref<128xi32, #tpu.memory_space<vmem>>
        %dma_wait3A_354 = arith.constant 0 : i32
        %dma_wait3A_355 = arith.constant 0 : i32
        %dma_wait3A_356 = tpu.memref_slice %arg16[%dma_wait3A_354, %dma_wait3A_355] : memref<10112x48xf32, #tpu.memory_space<vmem_shared>> -> memref<10112x48xf32, #tpu.memory_space<vmem_shared>>
        tpu.wait_indirect_dma semaphore(%arg35 : memref<!tpu.dma_semaphore, #tpu.memory_space<semaphore_mem>>) src(%arg15 : memref<128x48xf32, #tpu.memory_space<vmem>>) dst(%dma_wait3A_356 : memref<10112x48xf32, #tpu.memory_space<vmem_shared>>)
        %dma_start3A_357 = arith.constant 0 : i32
        %dma_start3A_358 = tpu.memref_slice %arg6[%add3A_346, %dma_start3A_357] : memref<128x128xi32, #tpu.memory_space<vmem>> -> memref<1x128xi32, #tpu.memory_space<vmem>>
        %dma_start3A_359 = tpu.memref_squeeze %dma_start3A_358 : memref<1x128xi32, #tpu.memory_space<vmem>> -> memref<128xi32, #tpu.memory_space<vmem>>
        %dma_start3A_360 = arith.constant 0 : i32
        %dma_start3A_361 = arith.constant 0 : i32
        %dma_start3A_362 = tpu.memref_slice %arg2[%dma_start3A_360, %dma_start3A_361] : memref<10000x48xf32, #tpu.memory_space<hbm>> -> memref<10000x48xf32, #tpu.memory_space<hbm>>
        tpu.enqueue_indirect_dma source(%dma_start3A_362 : memref<10000x48xf32, #tpu.memory_space<hbm>>) target(%arg15 : memref<128x48xf32, #tpu.memory_space<vmem>>) offsets(%dma_start3A_359 : memref<128xi32, #tpu.memory_space<vmem>>) semaphore(%arg27 : memref<!tpu.dma_semaphore, #tpu.memory_space<semaphore_mem>>)
      } else {
      }
    }
    %sub3A_108 = arith.constant 8 : i32
    %sub3A_109 = arith.subi %select_n3A, %sub3A_108 : i32
    %add3A_110 = arith.constant 0 : i32
    %add3A_111 = arith.addi %sub3A_109, %add3A_110 : i32
    %dma_wait3A_112 = arith.constant 0 : i32
    %dma_wait3A_113 = tpu.memref_slice %arg7[%add3A_111, %dma_wait3A_112] : memref<128x128xi32, #tpu.memory_space<vmem>> -> memref<1x128xi32, #tpu.memory_space<vmem>>
    %dma_wait3A_114 = tpu.memref_squeeze %dma_wait3A_113 : memref<1x128xi32, #tpu.memory_space<vmem>> -> memref<128xi32, #tpu.memory_space<vmem>>
    %dma_wait3A_115 = arith.constant 0 : i32
    %dma_wait3A_116 = arith.constant 0 : i32
    %dma_wait3A_117 = tpu.memref_slice %arg16[%dma_wait3A_115, %dma_wait3A_116] : memref<10112x48xf32, #tpu.memory_space<vmem_shared>> -> memref<10112x48xf32, #tpu.memory_space<vmem_shared>>
    tpu.wait_indirect_dma semaphore(%arg28 : memref<!tpu.dma_semaphore, #tpu.memory_space<semaphore_mem>>) src(%arg8 : memref<128x48xf32, #tpu.memory_space<vmem>>) dst(%dma_wait3A_117 : memref<10112x48xf32, #tpu.memory_space<vmem_shared>>)
    %sub3A_118 = arith.constant 8 : i32
    %sub3A_119 = arith.subi %select_n3A, %sub3A_118 : i32
    %add3A_120 = arith.constant 1 : i32
    %add3A_121 = arith.addi %sub3A_119, %add3A_120 : i32
    %dma_wait3A_122 = arith.constant 0 : i32
    %dma_wait3A_123 = tpu.memref_slice %arg7[%add3A_121, %dma_wait3A_122] : memref<128x128xi32, #tpu.memory_space<vmem>> -> memref<1x128xi32, #tpu.memory_space<vmem>>
    %dma_wait3A_124 = tpu.memref_squeeze %dma_wait3A_123 : memref<1x128xi32, #tpu.memory_space<vmem>> -> memref<128xi32, #tpu.memory_space<vmem>>
    %dma_wait3A_125 = arith.constant 0 : i32
    %dma_wait3A_126 = arith.constant 0 : i32
    %dma_wait3A_127 = tpu.memref_slice %arg16[%dma_wait3A_125, %dma_wait3A_126] : memref<10112x48xf32, #tpu.memory_space<vmem_shared>> -> memref<10112x48xf32, #tpu.memory_space<vmem_shared>>
    tpu.wait_indirect_dma semaphore(%arg29 : memref<!tpu.dma_semaphore, #tpu.memory_space<semaphore_mem>>) src(%arg9 : memref<128x48xf32, #tpu.memory_space<vmem>>) dst(%dma_wait3A_127 : memref<10112x48xf32, #tpu.memory_space<vmem_shared>>)
    %sub3A_128 = arith.constant 8 : i32
    %sub3A_129 = arith.subi %select_n3A, %sub3A_128 : i32
    %add3A_130 = arith.constant 2 : i32
    %add3A_131 = arith.addi %sub3A_129, %add3A_130 : i32
    %dma_wait3A_132 = arith.constant 0 : i32
    %dma_wait3A_133 = tpu.memref_slice %arg7[%add3A_131, %dma_wait3A_132] : memref<128x128xi32, #tpu.memory_space<vmem>> -> memref<1x128xi32, #tpu.memory_space<vmem>>
    %dma_wait3A_134 = tpu.memref_squeeze %dma_wait3A_133 : memref<1x128xi32, #tpu.memory_space<vmem>> -> memref<128xi32, #tpu.memory_space<vmem>>
    %dma_wait3A_135 = arith.constant 0 : i32
    %dma_wait3A_136 = arith.constant 0 : i32
    %dma_wait3A_137 = tpu.memref_slice %arg16[%dma_wait3A_135, %dma_wait3A_136] : memref<10112x48xf32, #tpu.memory_space<vmem_shared>> -> memref<10112x48xf32, #tpu.memory_space<vmem_shared>>
    tpu.wait_indirect_dma semaphore(%arg30 : memref<!tpu.dma_semaphore, #tpu.memory_space<semaphore_mem>>) src(%arg10 : memref<128x48xf32, #tpu.memory_space<vmem>>) dst(%dma_wait3A_137 : memref<10112x48xf32, #tpu.memory_space<vmem_shared>>)
    %sub3A_138 = arith.constant 8 : i32
    %sub3A_139 = arith.subi %select_n3A, %sub3A_138 : i32
    %add3A_140 = arith.constant 3 : i32
    %add3A_141 = arith.addi %sub3A_139, %add3A_140 : i32
    %dma_wait3A_142 = arith.constant 0 : i32
    %dma_wait3A_143 = tpu.memref_slice %arg7[%add3A_141, %dma_wait3A_142] : memref<128x128xi32, #tpu.memory_space<vmem>> -> memref<1x128xi32, #tpu.memory_space<vmem>>
    %dma_wait3A_144 = tpu.memref_squeeze %dma_wait3A_143 : memref<1x128xi32, #tpu.memory_space<vmem>> -> memref<128xi32, #tpu.memory_space<vmem>>
    %dma_wait3A_145 = arith.constant 0 : i32
    %dma_wait3A_146 = arith.constant 0 : i32
    %dma_wait3A_147 = tpu.memref_slice %arg16[%dma_wait3A_145, %dma_wait3A_146] : memref<10112x48xf32, #tpu.memory_space<vmem_shared>> -> memref<10112x48xf32, #tpu.memory_space<vmem_shared>>
    tpu.wait_indirect_dma semaphore(%arg31 : memref<!tpu.dma_semaphore, #tpu.memory_space<semaphore_mem>>) src(%arg11 : memref<128x48xf32, #tpu.memory_space<vmem>>) dst(%dma_wait3A_147 : memref<10112x48xf32, #tpu.memory_space<vmem_shared>>)
    %sub3A_148 = arith.constant 8 : i32
    %sub3A_149 = arith.subi %select_n3A, %sub3A_148 : i32
    %add3A_150 = arith.constant 4 : i32
    %add3A_151 = arith.addi %sub3A_149, %add3A_150 : i32
    %dma_wait3A_152 = arith.constant 0 : i32
    %dma_wait3A_153 = tpu.memref_slice %arg7[%add3A_151, %dma_wait3A_152] : memref<128x128xi32, #tpu.memory_space<vmem>> -> memref<1x128xi32, #tpu.memory_space<vmem>>
    %dma_wait3A_154 = tpu.memref_squeeze %dma_wait3A_153 : memref<1x128xi32, #tpu.memory_space<vmem>> -> memref<128xi32, #tpu.memory_space<vmem>>
    %dma_wait3A_155 = arith.constant 0 : i32
    %dma_wait3A_156 = arith.constant 0 : i32
    %dma_wait3A_157 = tpu.memref_slice %arg16[%dma_wait3A_155, %dma_wait3A_156] : memref<10112x48xf32, #tpu.memory_space<vmem_shared>> -> memref<10112x48xf32, #tpu.memory_space<vmem_shared>>
    tpu.wait_indirect_dma semaphore(%arg32 : memref<!tpu.dma_semaphore, #tpu.memory_space<semaphore_mem>>) src(%arg12 : memref<128x48xf32, #tpu.memory_space<vmem>>) dst(%dma_wait3A_157 : memref<10112x48xf32, #tpu.memory_space<vmem_shared>>)
    %sub3A_158 = arith.constant 8 : i32
    %sub3A_159 = arith.subi %select_n3A, %sub3A_158 : i32
    %add3A_160 = arith.constant 5 : i32
    %add3A_161 = arith.addi %sub3A_159, %add3A_160 : i32
    %dma_wait3A_162 = arith.constant 0 : i32
    %dma_wait3A_163 = tpu.memref_slice %arg7[%add3A_161, %dma_wait3A_162] : memref<128x128xi32, #tpu.memory_space<vmem>> -> memref<1x128xi32, #tpu.memory_space<vmem>>
    %dma_wait3A_164 = tpu.memref_squeeze %dma_wait3A_163 : memref<1x128xi32, #tpu.memory_space<vmem>> -> memref<128xi32, #tpu.memory_space<vmem>>
    %dma_wait3A_165 = arith.constant 0 : i32
    %dma_wait3A_166 = arith.constant 0 : i32
    %dma_wait3A_167 = tpu.memref_slice %arg16[%dma_wait3A_165, %dma_wait3A_166] : memref<10112x48xf32, #tpu.memory_space<vmem_shared>> -> memref<10112x48xf32, #tpu.memory_space<vmem_shared>>
    tpu.wait_indirect_dma semaphore(%arg33 : memref<!tpu.dma_semaphore, #tpu.memory_space<semaphore_mem>>) src(%arg13 : memref<128x48xf32, #tpu.memory_space<vmem>>) dst(%dma_wait3A_167 : memref<10112x48xf32, #tpu.memory_space<vmem_shared>>)
    %sub3A_168 = arith.constant 8 : i32
    %sub3A_169 = arith.subi %select_n3A, %sub3A_168 : i32
    %add3A_170 = arith.constant 6 : i32
    %add3A_171 = arith.addi %sub3A_169, %add3A_170 : i32
    %dma_wait3A_172 = arith.constant 0 : i32
    %dma_wait3A_173 = tpu.memref_slice %arg7[%add3A_171, %dma_wait3A_172] : memref<128x128xi32, #tpu.memory_space<vmem>> -> memref<1x128xi32, #tpu.memory_space<vmem>>
    %dma_wait3A_174 = tpu.memref_squeeze %dma_wait3A_173 : memref<1x128xi32, #tpu.memory_space<vmem>> -> memref<128xi32, #tpu.memory_space<vmem>>
    %dma_wait3A_175 = arith.constant 0 : i32
    %dma_wait3A_176 = arith.constant 0 : i32
    %dma_wait3A_177 = tpu.memref_slice %arg16[%dma_wait3A_175, %dma_wait3A_176] : memref<10112x48xf32, #tpu.memory_space<vmem_shared>> -> memref<10112x48xf32, #tpu.memory_space<vmem_shared>>
    tpu.wait_indirect_dma semaphore(%arg34 : memref<!tpu.dma_semaphore, #tpu.memory_space<semaphore_mem>>) src(%arg14 : memref<128x48xf32, #tpu.memory_space<vmem>>) dst(%dma_wait3A_177 : memref<10112x48xf32, #tpu.memory_space<vmem_shared>>)
    %sub3A_178 = arith.constant 8 : i32
    %sub3A_179 = arith.subi %select_n3A, %sub3A_178 : i32
    %add3A_180 = arith.constant 7 : i32
    %add3A_181 = arith.addi %sub3A_179, %add3A_180 : i32
    %dma_wait3A_182 = arith.constant 0 : i32
    %dma_wait3A_183 = tpu.memref_slice %arg7[%add3A_181, %dma_wait3A_182] : memref<128x128xi32, #tpu.memory_space<vmem>> -> memref<1x128xi32, #tpu.memory_space<vmem>>
    %dma_wait3A_184 = tpu.memref_squeeze %dma_wait3A_183 : memref<1x128xi32, #tpu.memory_space<vmem>> -> memref<128xi32, #tpu.memory_space<vmem>>
    %dma_wait3A_185 = arith.constant 0 : i32
    %dma_wait3A_186 = arith.constant 0 : i32
    %dma_wait3A_187 = tpu.memref_slice %arg16[%dma_wait3A_185, %dma_wait3A_186] : memref<10112x48xf32, #tpu.memory_space<vmem_shared>> -> memref<10112x48xf32, #tpu.memory_space<vmem_shared>>
    tpu.wait_indirect_dma semaphore(%arg35 : memref<!tpu.dma_semaphore, #tpu.memory_space<semaphore_mem>>) src(%arg15 : memref<128x48xf32, #tpu.memory_space<vmem>>) dst(%dma_wait3A_187 : memref<10112x48xf32, #tpu.memory_space<vmem_shared>>)
    %barrier3A_188 = arith.constant 0 : index
    tpu.barrier barrier_id(%barrier3A_188)
    "tpu.region"() ({
      %run_scoped3A = tpu.sem_alloc : memref<!tpu.dma_semaphore, #tpu.memory_space<semaphore_mem>>
      %dma_start3A_189 = arith.constant 0 : i32
      %dma_start3A_190 = tpu.memref_slice %arg5[%arg0, %mul3A_0, %dma_start3A_189] : memref<2x10112x48xf32, #tpu.memory_space<hbm>> -> memref<1x632x48xf32, #tpu.memory_space<hbm>>
      %dma_start3A_191 = tpu.memref_squeeze %dma_start3A_190 : memref<1x632x48xf32, #tpu.memory_space<hbm>> -> memref<632x48xf32, #tpu.memory_space<hbm>>
      %dma_start3A_192 = arith.constant 0 : i32
      %dma_start3A_193 = tpu.memref_slice %arg16[%mul3A_0, %dma_start3A_192] : memref<10112x48xf32, #tpu.memory_space<vmem_shared>> -> memref<632x48xf32, #tpu.memory_space<vmem_shared>>
      tpu.enqueue_dma source(%dma_start3A_193 : memref<632x48xf32, #tpu.memory_space<vmem_shared>>) target(%dma_start3A_191 : memref<632x48xf32, #tpu.memory_space<hbm>>) target_semaphore(%run_scoped3A : memref<!tpu.dma_semaphore, #tpu.memory_space<semaphore_mem>>)
      %dma_wait3A_194 = arith.constant 0 : i32
      %dma_wait3A_195 = tpu.memref_slice %arg5[%arg0, %mul3A_0, %dma_wait3A_194] : memref<2x10112x48xf32, #tpu.memory_space<hbm>> -> memref<1x632x48xf32, #tpu.memory_space<hbm>>
      %dma_wait3A_196 = tpu.memref_squeeze %dma_wait3A_195 : memref<1x632x48xf32, #tpu.memory_space<hbm>> -> memref<632x48xf32, #tpu.memory_space<hbm>>
      %dma_wait3A_197 = arith.constant 0 : i32
      %dma_wait3A_198 = tpu.memref_slice %arg16[%mul3A_0, %dma_wait3A_197] : memref<10112x48xf32, #tpu.memory_space<vmem_shared>> -> memref<632x48xf32, #tpu.memory_space<vmem_shared>>
      tpu.wait_dma2 semaphore(%run_scoped3A : memref<!tpu.dma_semaphore, #tpu.memory_space<semaphore_mem>>) src(%dma_wait3A_198 : memref<632x48xf32, #tpu.memory_space<vmem_shared>>) dst(%dma_wait3A_196 : memref<632x48xf32, #tpu.memory_space<hbm>>)
      tpu.yield
    }) : () -> ()
    return
  }
}

#map = affine_map<(d0, d1) -> (0, 0)>
#map1 = affine_map<(d0, d1) -> (0, 0, 0)>
module attributes {stable_mosaic.version = 14 : i64} {
  func.func @sc_scatter(%arg0: i32, %arg1: i32, %arg2: memref<10000x48xf32, #tpu.memory_space<hbm>>, %arg3: memref<2x2560x128xi32, #tpu.memory_space<hbm>>, %arg4: memref<10112x48xf32, #tpu.memory_space<hbm>>, %arg5: memref<2x10112x48xf32, #tpu.memory_space<hbm>>, %arg6: memref<128x128xi32, #tpu.memory_space<vmem>>, %arg7: memref<128x128xi32, #tpu.memory_space<vmem>>, %arg8: memref<128x48xf32, #tpu.memory_space<vmem>>, %arg9: memref<128x48xf32, #tpu.memory_space<vmem>>, %arg10: memref<128x48xf32, #tpu.memory_space<vmem>>, %arg11: memref<128x48xf32, #tpu.memory_space<vmem>>, %arg12: memref<128x48xf32, #tpu.memory_space<vmem>>, %arg13: memref<128x48xf32, #tpu.memory_space<vmem>>, %arg14: memref<128x48xf32, #tpu.memory_space<vmem>>, %arg15: memref<128x48xf32, #tpu.memory_space<vmem>>, %arg16: memref<10112x48xf32, #tpu.memory_space<vmem_shared>>, %arg17: memref<!tpu.dma_semaphore, #tpu.memory_space<semaphore_mem>>, %arg18: memref<!tpu.dma_semaphore, #tpu.memory_space<semaphore_mem>>, %arg19: memref<!tpu.dma_semaphore, #tpu.memory_space<semaphore_mem>>, %arg20: memref<!tpu.dma_semaphore, #tpu.memory_space<semaphore_mem>>, %arg21: memref<!tpu.dma_semaphore, #tpu.memory_space<semaphore_mem>>, %arg22: memref<!tpu.dma_semaphore, #tpu.memory_space<semaphore_mem>>, %arg23: memref<!tpu.dma_semaphore, #tpu.memory_space<semaphore_mem>>, %arg24: memref<!tpu.dma_semaphore, #tpu.memory_space<semaphore_mem>>, %arg25: memref<!tpu.dma_semaphore, #tpu.memory_space<semaphore_mem>>, %arg26: memref<!tpu.dma_semaphore, #tpu.memory_space<semaphore_mem>>, %arg27: memref<!tpu.dma_semaphore, #tpu.memory_space<semaphore_mem>>, %arg28: memref<!tpu.dma_semaphore, #tpu.memory_space<semaphore_mem>>, %arg29: memref<!tpu.dma_semaphore, #tpu.memory_space<semaphore_mem>>, %arg30: memref<!tpu.dma_semaphore, #tpu.memory_space<semaphore_mem>>, %arg31: memref<!tpu.dma_semaphore, #tpu.memory_space<semaphore_mem>>, %arg32: memref<!tpu.dma_semaphore, #tpu.memory_space<semaphore_mem>>, %arg33: memref<!tpu.dma_semaphore, #tpu.memory_space<semaphore_mem>>, %arg34: memref<!tpu.dma_semaphore, #tpu.memory_space<semaphore_mem>>, %arg35: memref<!tpu.dma_semaphore, #tpu.memory_space<semaphore_mem>>) attributes {dimension_semantics = [#tpu.dimension_semantics<core_parallel>, #tpu.dimension_semantics<subcore_parallel>], iteration_bounds = array<i64: 2, 16>, scalar_prefetch = 0 : i64, scratch_operands = 30 : i64, tpu.core_type = #tpu.core_type<sc_vector_subcore>, window_params = [{transform_indices = #map}, {transform_indices = #map1}, {transform_indices = #map}, {transform_indices = #map1}]} {
    %mul3A = arith.constant 632 : i32
    %mul3A_0 = arith.muli %arg1, %mul3A : i32
    %eq3A = arith.constant 0 : i32
    %eq3A_1 = arith.cmpi eq, %arg0, %eq3A : i32
    %jit3A = arith.constant 128 : i32
    %jit3A_2 = arith.constant 32 : i32
    %select_n3A = arith.select %eq3A_1, %jit3A, %jit3A_2 : i32
    %eq3A_3 = arith.constant 0 : i32
    %eq3A_4 = arith.cmpi eq, %arg0, %eq3A_3 : i32
    %mul3A_5 = arith.constant 128 : i32
    %mul3A_6 = arith.muli %arg1, %mul3A_5 : i32
    %mul3A_7 = arith.constant 32 : i32
    %mul3A_8 = arith.muli %arg1, %mul3A_7 : i32
    %add3A = arith.constant 2048 : i32
    %add3A_9 = arith.addi %add3A, %mul3A_8 : i32
    %select_n3A_10 = arith.select %eq3A_4, %mul3A_6, %add3A_9 : i32
    %dma_start3A = arith.constant 0 : i32
    %dma_start3A_11 = tpu.memref_slice %arg16[%mul3A_0, %dma_start3A] : memref<10112x48xf32, #tpu.memory_space<vmem_shared>> -> memref<632x48xf32, #tpu.memory_space<vmem_shared>>
    %dma_start3A_12 = arith.constant 0 : i32
    %dma_start3A_13 = tpu.memref_slice %arg4[%mul3A_0, %dma_start3A_12] : memref<10112x48xf32, #tpu.memory_space<hbm>> -> memref<632x48xf32, #tpu.memory_space<hbm>>
    tpu.enqueue_dma source(%dma_start3A_13 : memref<632x48xf32, #tpu.memory_space<hbm>>) target(%dma_start3A_11 : memref<632x48xf32, #tpu.memory_space<vmem_shared>>) target_semaphore(%arg17 : memref<!tpu.dma_semaphore, #tpu.memory_space<semaphore_mem>>)
    %eq3A_14 = arith.constant 0 : i32
    %eq3A_15 = arith.cmpi eq, %arg0, %eq3A_14 : i32
    %convert_element_type3A = arith.extui %eq3A_15 : i1 to i32
    %cond3A = arith.constant 0 : i32
    %cond3A_16 = arith.cmpi ne, %convert_element_type3A, %cond3A : i32
    scf.if %cond3A_16 {
      %dma_start3A_189 = arith.constant 0 : i32
      %dma_start3A_190 = arith.constant 0 : i32
      %dma_start3A_191 = arith.constant 0 : i32
      %dma_start3A_192 = tpu.memref_slice %arg6[%dma_start3A_190, %dma_start3A_191] : memref<128x128xi32, #tpu.memory_space<vmem>> -> memref<128x128xi32, #tpu.memory_space<vmem>>
      %dma_start3A_193 = arith.constant 0 : i32
      %dma_start3A_194 = tpu.memref_slice %arg3[%dma_start3A_189, %select_n3A_10, %dma_start3A_193] : memref<2x2560x128xi32, #tpu.memory_space<hbm>> -> memref<1x128x128xi32, #tpu.memory_space<hbm>>
      %dma_start3A_195 = tpu.memref_squeeze %dma_start3A_194 : memref<1x128x128xi32, #tpu.memory_space<hbm>> -> memref<128x128xi32, #tpu.memory_space<hbm>>
      %dma_start3A_196 = arith.constant 0 : i32
      %dma_start3A_197 = arith.constant 0 : i32
      %dma_start3A_198 = tpu.memref_slice %arg6[%dma_start3A_196, %dma_start3A_197] : memref<128x128xi32, #tpu.memory_space<vmem>> -> memref<128x128xi32, #tpu.memory_space<vmem>>
      %dma_start3A_199 = arith.constant 0 : i32
      %dma_start3A_200 = tpu.memref_slice %arg3[%dma_start3A_189, %select_n3A_10, %dma_start3A_199] : memref<2x2560x128xi32, #tpu.memory_space<hbm>> -> memref<1x128x128xi32, #tpu.memory_space<hbm>>
      %dma_start3A_201 = tpu.memref_squeeze %dma_start3A_200 : memref<1x128x128xi32, #tpu.memory_space<hbm>> -> memref<128x128xi32, #tpu.memory_space<hbm>>
      tpu.enqueue_dma source(%dma_start3A_201 : memref<128x128xi32, #tpu.memory_space<hbm>>) target(%dma_start3A_198 : memref<128x128xi32, #tpu.memory_space<vmem>>) target_semaphore(%arg18 : memref<!tpu.dma_semaphore, #tpu.memory_space<semaphore_mem>>)
      %dma_start3A_202 = arith.constant 1 : i32
      %dma_start3A_203 = arith.constant 0 : i32
      %dma_start3A_204 = arith.constant 0 : i32
      %dma_start3A_205 = tpu.memref_slice %arg7[%dma_start3A_203, %dma_start3A_204] : memref<128x128xi32, #tpu.memory_space<vmem>> -> memref<128x128xi32, #tpu.memory_space<vmem>>
      %dma_start3A_206 = arith.constant 0 : i32
      %dma_start3A_207 = tpu.memref_slice %arg3[%dma_start3A_202, %select_n3A_10, %dma_start3A_206] : memref<2x2560x128xi32, #tpu.memory_space<hbm>> -> memref<1x128x128xi32, #tpu.memory_space<hbm>>
      %dma_start3A_208 = tpu.memref_squeeze %dma_start3A_207 : memref<1x128x128xi32, #tpu.memory_space<hbm>> -> memref<128x128xi32, #tpu.memory_space<hbm>>
      %dma_start3A_209 = arith.constant 0 : i32
      %dma_start3A_210 = arith.constant 0 : i32
      %dma_start3A_211 = tpu.memref_slice %arg7[%dma_start3A_209, %dma_start3A_210] : memref<128x128xi32, #tpu.memory_space<vmem>> -> memref<128x128xi32, #tpu.memory_space<vmem>>
      %dma_start3A_212 = arith.constant 0 : i32
      %dma_start3A_213 = tpu.memref_slice %arg3[%dma_start3A_202, %select_n3A_10, %dma_start3A_212] : memref<2x2560x128xi32, #tpu.memory_space<hbm>> -> memref<1x128x128xi32, #tpu.memory_space<hbm>>
      %dma_start3A_214 = tpu.memref_squeeze %dma_start3A_213 : memref<1x128x128xi32, #tpu.memory_space<hbm>> -> memref<128x128xi32, #tpu.memory_space<hbm>>
      tpu.enqueue_dma source(%dma_start3A_214 : memref<128x128xi32, #tpu.memory_space<hbm>>) target(%dma_start3A_211 : memref<128x128xi32, #tpu.memory_space<vmem>>) target_semaphore(%arg19 : memref<!tpu.dma_semaphore, #tpu.memory_space<semaphore_mem>>)
      %dma_wait3A_215 = arith.constant 0 : i32
      %dma_wait3A_216 = arith.constant 0 : i32
      %dma_wait3A_217 = arith.constant 0 : i32
      %dma_wait3A_218 = tpu.memref_slice %arg6[%dma_wait3A_216, %dma_wait3A_217] : memref<128x128xi32, #tpu.memory_space<vmem>> -> memref<128x128xi32, #tpu.memory_space<vmem>>
      %dma_wait3A_219 = arith.constant 0 : i32
      %dma_wait3A_220 = tpu.memref_slice %arg3[%dma_wait3A_215, %select_n3A_10, %dma_wait3A_219] : memref<2x2560x128xi32, #tpu.memory_space<hbm>> -> memref<1x128x128xi32, #tpu.memory_space<hbm>>
      %dma_wait3A_221 = tpu.memref_squeeze %dma_wait3A_220 : memref<1x128x128xi32, #tpu.memory_space<hbm>> -> memref<128x128xi32, #tpu.memory_space<hbm>>
      %dma_wait3A_222 = arith.constant 0 : i32
      %dma_wait3A_223 = arith.constant 0 : i32
      %dma_wait3A_224 = tpu.memref_slice %arg6[%dma_wait3A_222, %dma_wait3A_223] : memref<128x128xi32, #tpu.memory_space<vmem>> -> memref<128x128xi32, #tpu.memory_space<vmem>>
      %dma_wait3A_225 = arith.constant 0 : i32
      %dma_wait3A_226 = tpu.memref_slice %arg3[%dma_wait3A_215, %select_n3A_10, %dma_wait3A_225] : memref<2x2560x128xi32, #tpu.memory_space<hbm>> -> memref<1x128x128xi32, #tpu.memory_space<hbm>>
      %dma_wait3A_227 = tpu.memref_squeeze %dma_wait3A_226 : memref<1x128x128xi32, #tpu.memory_space<hbm>> -> memref<128x128xi32, #tpu.memory_space<hbm>>
      tpu.wait_dma2 semaphore(%arg18 : memref<!tpu.dma_semaphore, #tpu.memory_space<semaphore_mem>>) src(%dma_wait3A_227 : memref<128x128xi32, #tpu.memory_space<hbm>>) dst(%dma_wait3A_224 : memref<128x128xi32, #tpu.memory_space<vmem>>)
      %dma_wait3A_228 = arith.constant 1 : i32
      %dma_wait3A_229 = arith.constant 0 : i32
      %dma_wait3A_230 = arith.constant 0 : i32
      %dma_wait3A_231 = tpu.memref_slice %arg7[%dma_wait3A_229, %dma_wait3A_230] : memref<128x128xi32, #tpu.memory_space<vmem>> -> memref<128x128xi32, #tpu.memory_space<vmem>>
      %dma_wait3A_232 = arith.constant 0 : i32
      %dma_wait3A_233 = tpu.memref_slice %arg3[%dma_wait3A_228, %select_n3A_10, %dma_wait3A_232] : memref<2x2560x128xi32, #tpu.memory_space<hbm>> -> memref<1x128x128xi32, #tpu.memory_space<hbm>>
      %dma_wait3A_234 = tpu.memref_squeeze %dma_wait3A_233 : memref<1x128x128xi32, #tpu.memory_space<hbm>> -> memref<128x128xi32, #tpu.memory_space<hbm>>
      %dma_wait3A_235 = arith.constant 0 : i32
      %dma_wait3A_236 = arith.constant 0 : i32
      %dma_wait3A_237 = tpu.memref_slice %arg7[%dma_wait3A_235, %dma_wait3A_236] : memref<128x128xi32, #tpu.memory_space<vmem>> -> memref<128x128xi32, #tpu.memory_space<vmem>>
      %dma_wait3A_238 = arith.constant 0 : i32
      %dma_wait3A_239 = tpu.memref_slice %arg3[%dma_wait3A_228, %select_n3A_10, %dma_wait3A_238] : memref<2x2560x128xi32, #tpu.memory_space<hbm>> -> memref<1x128x128xi32, #tpu.memory_space<hbm>>
      %dma_wait3A_240 = tpu.memref_squeeze %dma_wait3A_239 : memref<1x128x128xi32, #tpu.memory_space<hbm>> -> memref<128x128xi32, #tpu.memory_space<hbm>>
      tpu.wait_dma2 semaphore(%arg19 : memref<!tpu.dma_semaphore, #tpu.memory_space<semaphore_mem>>) src(%dma_wait3A_240 : memref<128x128xi32, #tpu.memory_space<hbm>>) dst(%dma_wait3A_237 : memref<128x128xi32, #tpu.memory_space<vmem>>)
    } else {
    }
    %ne3A = arith.constant 0 : i32
    %ne3A_17 = arith.cmpi ne, %arg0, %ne3A : i32
    %convert_element_type3A_18 = arith.extui %ne3A_17 : i1 to i32
    %cond3A_19 = arith.constant 0 : i32
    %cond3A_20 = arith.cmpi ne, %convert_element_type3A_18, %cond3A_19 : i32
    scf.if %cond3A_20 {
      %dma_start3A_189 = arith.constant 0 : i32
      %dma_start3A_190 = arith.constant 0 : i32
      %dma_start3A_191 = arith.constant 0 : i32
      %dma_start3A_192 = tpu.memref_slice %arg6[%dma_start3A_190, %dma_start3A_191] : memref<128x128xi32, #tpu.memory_space<vmem>> -> memref<32x128xi32, #tpu.memory_space<vmem>>
      %dma_start3A_193 = arith.constant 0 : i32
      %dma_start3A_194 = tpu.memref_slice %arg3[%dma_start3A_189, %select_n3A_10, %dma_start3A_193] : memref<2x2560x128xi32, #tpu.memory_space<hbm>> -> memref<1x32x128xi32, #tpu.memory_space<hbm>>
      %dma_start3A_195 = tpu.memref_squeeze %dma_start3A_194 : memref<1x32x128xi32, #tpu.memory_space<hbm>> -> memref<32x128xi32, #tpu.memory_space<hbm>>
      %dma_start3A_196 = arith.constant 0 : i32
      %dma_start3A_197 = arith.constant 0 : i32
      %dma_start3A_198 = tpu.memref_slice %arg6[%dma_start3A_196, %dma_start3A_197] : memref<128x128xi32, #tpu.memory_space<vmem>> -> memref<32x128xi32, #tpu.memory_space<vmem>>
      %dma_start3A_199 = arith.constant 0 : i32
      %dma_start3A_200 = tpu.memref_slice %arg3[%dma_start3A_189, %select_n3A_10, %dma_start3A_199] : memref<2x2560x128xi32, #tpu.memory_space<hbm>> -> memref<1x32x128xi32, #tpu.memory_space<hbm>>
      %dma_start3A_201 = tpu.memref_squeeze %dma_start3A_200 : memref<1x32x128xi32, #tpu.memory_space<hbm>> -> memref<32x128xi32, #tpu.memory_space<hbm>>
      tpu.enqueue_dma source(%dma_start3A_201 : memref<32x128xi32, #tpu.memory_space<hbm>>) target(%dma_start3A_198 : memref<32x128xi32, #tpu.memory_space<vmem>>) target_semaphore(%arg18 : memref<!tpu.dma_semaphore, #tpu.memory_space<semaphore_mem>>)
      %dma_start3A_202 = arith.constant 1 : i32
      %dma_start3A_203 = arith.constant 0 : i32
      %dma_start3A_204 = arith.constant 0 : i32
      %dma_start3A_205 = tpu.memref_slice %arg7[%dma_start3A_203, %dma_start3A_204] : memref<128x128xi32, #tpu.memory_space<vmem>> -> memref<32x128xi32, #tpu.memory_space<vmem>>
      %dma_start3A_206 = arith.constant 0 : i32
      %dma_start3A_207 = tpu.memref_slice %arg3[%dma_start3A_202, %select_n3A_10, %dma_start3A_206] : memref<2x2560x128xi32, #tpu.memory_space<hbm>> -> memref<1x32x128xi32, #tpu.memory_space<hbm>>
      %dma_start3A_208 = tpu.memref_squeeze %dma_start3A_207 : memref<1x32x128xi32, #tpu.memory_space<hbm>> -> memref<32x128xi32, #tpu.memory_space<hbm>>
      %dma_start3A_209 = arith.constant 0 : i32
      %dma_start3A_210 = arith.constant 0 : i32
      %dma_start3A_211 = tpu.memref_slice %arg7[%dma_start3A_209, %dma_start3A_210] : memref<128x128xi32, #tpu.memory_space<vmem>> -> memref<32x128xi32, #tpu.memory_space<vmem>>
      %dma_start3A_212 = arith.constant 0 : i32
      %dma_start3A_213 = tpu.memref_slice %arg3[%dma_start3A_202, %select_n3A_10, %dma_start3A_212] : memref<2x2560x128xi32, #tpu.memory_space<hbm>> -> memref<1x32x128xi32, #tpu.memory_space<hbm>>
      %dma_start3A_214 = tpu.memref_squeeze %dma_start3A_213 : memref<1x32x128xi32, #tpu.memory_space<hbm>> -> memref<32x128xi32, #tpu.memory_space<hbm>>
      tpu.enqueue_dma source(%dma_start3A_214 : memref<32x128xi32, #tpu.memory_space<hbm>>) target(%dma_start3A_211 : memref<32x128xi32, #tpu.memory_space<vmem>>) target_semaphore(%arg19 : memref<!tpu.dma_semaphore, #tpu.memory_space<semaphore_mem>>)
      %dma_wait3A_215 = arith.constant 0 : i32
      %dma_wait3A_216 = arith.constant 0 : i32
      %dma_wait3A_217 = arith.constant 0 : i32
      %dma_wait3A_218 = tpu.memref_slice %arg6[%dma_wait3A_216, %dma_wait3A_217] : memref<128x128xi32, #tpu.memory_space<vmem>> -> memref<32x128xi32, #tpu.memory_space<vmem>>
      %dma_wait3A_219 = arith.constant 0 : i32
      %dma_wait3A_220 = tpu.memref_slice %arg3[%dma_wait3A_215, %select_n3A_10, %dma_wait3A_219] : memref<2x2560x128xi32, #tpu.memory_space<hbm>> -> memref<1x32x128xi32, #tpu.memory_space<hbm>>
      %dma_wait3A_221 = tpu.memref_squeeze %dma_wait3A_220 : memref<1x32x128xi32, #tpu.memory_space<hbm>> -> memref<32x128xi32, #tpu.memory_space<hbm>>
      %dma_wait3A_222 = arith.constant 0 : i32
      %dma_wait3A_223 = arith.constant 0 : i32
      %dma_wait3A_224 = tpu.memref_slice %arg6[%dma_wait3A_222, %dma_wait3A_223] : memref<128x128xi32, #tpu.memory_space<vmem>> -> memref<32x128xi32, #tpu.memory_space<vmem>>
      %dma_wait3A_225 = arith.constant 0 : i32
      %dma_wait3A_226 = tpu.memref_slice %arg3[%dma_wait3A_215, %select_n3A_10, %dma_wait3A_225] : memref<2x2560x128xi32, #tpu.memory_space<hbm>> -> memref<1x32x128xi32, #tpu.memory_space<hbm>>
      %dma_wait3A_227 = tpu.memref_squeeze %dma_wait3A_226 : memref<1x32x128xi32, #tpu.memory_space<hbm>> -> memref<32x128xi32, #tpu.memory_space<hbm>>
      tpu.wait_dma2 semaphore(%arg18 : memref<!tpu.dma_semaphore, #tpu.memory_space<semaphore_mem>>) src(%dma_wait3A_227 : memref<32x128xi32, #tpu.memory_space<hbm>>) dst(%dma_wait3A_224 : memref<32x128xi32, #tpu.memory_space<vmem>>)
      %dma_wait3A_228 = arith.constant 1 : i32
      %dma_wait3A_229 = arith.constant 0 : i32
      %dma_wait3A_230 = arith.constant 0 : i32
      %dma_wait3A_231 = tpu.memref_slice %arg7[%dma_wait3A_229, %dma_wait3A_230] : memref<128x128xi32, #tpu.memory_space<vmem>> -> memref<32x128xi32, #tpu.memory_space<vmem>>
      %dma_wait3A_232 = arith.constant 0 : i32
      %dma_wait3A_233 = tpu.memref_slice %arg3[%dma_wait3A_228, %select_n3A_10, %dma_wait3A_232] : memref<2x2560x128xi32, #tpu.memory_space<hbm>> -> memref<1x32x128xi32, #tpu.memory_space<hbm>>
      %dma_wait3A_234 = tpu.memref_squeeze %dma_wait3A_233 : memref<1x32x128xi32, #tpu.memory_space<hbm>> -> memref<32x128xi32, #tpu.memory_space<hbm>>
      %dma_wait3A_235 = arith.constant 0 : i32
      %dma_wait3A_236 = arith.constant 0 : i32
      %dma_wait3A_237 = tpu.memref_slice %arg7[%dma_wait3A_235, %dma_wait3A_236] : memref<128x128xi32, #tpu.memory_space<vmem>> -> memref<32x128xi32, #tpu.memory_space<vmem>>
      %dma_wait3A_238 = arith.constant 0 : i32
      %dma_wait3A_239 = tpu.memref_slice %arg3[%dma_wait3A_228, %select_n3A_10, %dma_wait3A_238] : memref<2x2560x128xi32, #tpu.memory_space<hbm>> -> memref<1x32x128xi32, #tpu.memory_space<hbm>>
      %dma_wait3A_240 = tpu.memref_squeeze %dma_wait3A_239 : memref<1x32x128xi32, #tpu.memory_space<hbm>> -> memref<32x128xi32, #tpu.memory_space<hbm>>
      tpu.wait_dma2 semaphore(%arg19 : memref<!tpu.dma_semaphore, #tpu.memory_space<semaphore_mem>>) src(%dma_wait3A_240 : memref<32x128xi32, #tpu.memory_space<hbm>>) dst(%dma_wait3A_237 : memref<32x128xi32, #tpu.memory_space<vmem>>)
    } else {
    }
    %dma_start3A_21 = arith.constant 0 : i32
    %dma_start3A_22 = arith.constant 0 : i32
    %dma_start3A_23 = tpu.memref_slice %arg6[%dma_start3A_21, %dma_start3A_22] : memref<128x128xi32, #tpu.memory_space<vmem>> -> memref<1x128xi32, #tpu.memory_space<vmem>>
    %dma_start3A_24 = tpu.memref_squeeze %dma_start3A_23 : memref<1x128xi32, #tpu.memory_space<vmem>> -> memref<128xi32, #tpu.memory_space<vmem>>
    %dma_start3A_25 = arith.constant 0 : i32
    %dma_start3A_26 = arith.constant 0 : i32
    %dma_start3A_27 = tpu.memref_slice %arg2[%dma_start3A_25, %dma_start3A_26] : memref<10000x48xf32, #tpu.memory_space<hbm>> -> memref<10000x48xf32, #tpu.memory_space<hbm>>
    tpu.enqueue_indirect_dma source(%dma_start3A_27 : memref<10000x48xf32, #tpu.memory_space<hbm>>) target(%arg8 : memref<128x48xf32, #tpu.memory_space<vmem>>) offsets(%dma_start3A_24 : memref<128xi32, #tpu.memory_space<vmem>>) semaphore(%arg20 : memref<!tpu.dma_semaphore, #tpu.memory_space<semaphore_mem>>)
    %dma_start3A_28 = arith.constant 1 : i32
    %dma_start3A_29 = arith.constant 0 : i32
    %dma_start3A_30 = tpu.memref_slice %arg6[%dma_start3A_28, %dma_start3A_29] : memref<128x128xi32, #tpu.memory_space<vmem>> -> memref<1x128xi32, #tpu.memory_space<vmem>>
    %dma_start3A_31 = tpu.memref_squeeze %dma_start3A_30 : memref<1x128xi32, #tpu.memory_space<vmem>> -> memref<128xi32, #tpu.memory_space<vmem>>
    %dma_start3A_32 = arith.constant 0 : i32
    %dma_start3A_33 = arith.constant 0 : i32
    %dma_start3A_34 = tpu.memref_slice %arg2[%dma_start3A_32, %dma_start3A_33] : memref<10000x48xf32, #tpu.memory_space<hbm>> -> memref<10000x48xf32, #tpu.memory_space<hbm>>
    tpu.enqueue_indirect_dma source(%dma_start3A_34 : memref<10000x48xf32, #tpu.memory_space<hbm>>) target(%arg9 : memref<128x48xf32, #tpu.memory_space<vmem>>) offsets(%dma_start3A_31 : memref<128xi32, #tpu.memory_space<vmem>>) semaphore(%arg21 : memref<!tpu.dma_semaphore, #tpu.memory_space<semaphore_mem>>)
    %dma_start3A_35 = arith.constant 2 : i32
    %dma_start3A_36 = arith.constant 0 : i32
    %dma_start3A_37 = tpu.memref_slice %arg6[%dma_start3A_35, %dma_start3A_36] : memref<128x128xi32, #tpu.memory_space<vmem>> -> memref<1x128xi32, #tpu.memory_space<vmem>>
    %dma_start3A_38 = tpu.memref_squeeze %dma_start3A_37 : memref<1x128xi32, #tpu.memory_space<vmem>> -> memref<128xi32, #tpu.memory_space<vmem>>
    %dma_start3A_39 = arith.constant 0 : i32
    %dma_start3A_40 = arith.constant 0 : i32
    %dma_start3A_41 = tpu.memref_slice %arg2[%dma_start3A_39, %dma_start3A_40] : memref<10000x48xf32, #tpu.memory_space<hbm>> -> memref<10000x48xf32, #tpu.memory_space<hbm>>
    tpu.enqueue_indirect_dma source(%dma_start3A_41 : memref<10000x48xf32, #tpu.memory_space<hbm>>) target(%arg10 : memref<128x48xf32, #tpu.memory_space<vmem>>) offsets(%dma_start3A_38 : memref<128xi32, #tpu.memory_space<vmem>>) semaphore(%arg22 : memref<!tpu.dma_semaphore, #tpu.memory_space<semaphore_mem>>)
    %dma_start3A_42 = arith.constant 3 : i32
    %dma_start3A_43 = arith.constant 0 : i32
    %dma_start3A_44 = tpu.memref_slice %arg6[%dma_start3A_42, %dma_start3A_43] : memref<128x128xi32, #tpu.memory_space<vmem>> -> memref<1x128xi32, #tpu.memory_space<vmem>>
    %dma_start3A_45 = tpu.memref_squeeze %dma_start3A_44 : memref<1x128xi32, #tpu.memory_space<vmem>> -> memref<128xi32, #tpu.memory_space<vmem>>
    %dma_start3A_46 = arith.constant 0 : i32
    %dma_start3A_47 = arith.constant 0 : i32
    %dma_start3A_48 = tpu.memref_slice %arg2[%dma_start3A_46, %dma_start3A_47] : memref<10000x48xf32, #tpu.memory_space<hbm>> -> memref<10000x48xf32, #tpu.memory_space<hbm>>
    tpu.enqueue_indirect_dma source(%dma_start3A_48 : memref<10000x48xf32, #tpu.memory_space<hbm>>) target(%arg11 : memref<128x48xf32, #tpu.memory_space<vmem>>) offsets(%dma_start3A_45 : memref<128xi32, #tpu.memory_space<vmem>>) semaphore(%arg23 : memref<!tpu.dma_semaphore, #tpu.memory_space<semaphore_mem>>)
    %dma_start3A_49 = arith.constant 4 : i32
    %dma_start3A_50 = arith.constant 0 : i32
    %dma_start3A_51 = tpu.memref_slice %arg6[%dma_start3A_49, %dma_start3A_50] : memref<128x128xi32, #tpu.memory_space<vmem>> -> memref<1x128xi32, #tpu.memory_space<vmem>>
    %dma_start3A_52 = tpu.memref_squeeze %dma_start3A_51 : memref<1x128xi32, #tpu.memory_space<vmem>> -> memref<128xi32, #tpu.memory_space<vmem>>
    %dma_start3A_53 = arith.constant 0 : i32
    %dma_start3A_54 = arith.constant 0 : i32
    %dma_start3A_55 = tpu.memref_slice %arg2[%dma_start3A_53, %dma_start3A_54] : memref<10000x48xf32, #tpu.memory_space<hbm>> -> memref<10000x48xf32, #tpu.memory_space<hbm>>
    tpu.enqueue_indirect_dma source(%dma_start3A_55 : memref<10000x48xf32, #tpu.memory_space<hbm>>) target(%arg12 : memref<128x48xf32, #tpu.memory_space<vmem>>) offsets(%dma_start3A_52 : memref<128xi32, #tpu.memory_space<vmem>>) semaphore(%arg24 : memref<!tpu.dma_semaphore, #tpu.memory_space<semaphore_mem>>)
    %dma_start3A_56 = arith.constant 5 : i32
    %dma_start3A_57 = arith.constant 0 : i32
    %dma_start3A_58 = tpu.memref_slice %arg6[%dma_start3A_56, %dma_start3A_57] : memref<128x128xi32, #tpu.memory_space<vmem>> -> memref<1x128xi32, #tpu.memory_space<vmem>>
    %dma_start3A_59 = tpu.memref_squeeze %dma_start3A_58 : memref<1x128xi32, #tpu.memory_space<vmem>> -> memref<128xi32, #tpu.memory_space<vmem>>
    %dma_start3A_60 = arith.constant 0 : i32
    %dma_start3A_61 = arith.constant 0 : i32
    %dma_start3A_62 = tpu.memref_slice %arg2[%dma_start3A_60, %dma_start3A_61] : memref<10000x48xf32, #tpu.memory_space<hbm>> -> memref<10000x48xf32, #tpu.memory_space<hbm>>
    tpu.enqueue_indirect_dma source(%dma_start3A_62 : memref<10000x48xf32, #tpu.memory_space<hbm>>) target(%arg13 : memref<128x48xf32, #tpu.memory_space<vmem>>) offsets(%dma_start3A_59 : memref<128xi32, #tpu.memory_space<vmem>>) semaphore(%arg25 : memref<!tpu.dma_semaphore, #tpu.memory_space<semaphore_mem>>)
    %dma_start3A_63 = arith.constant 6 : i32
    %dma_start3A_64 = arith.constant 0 : i32
    %dma_start3A_65 = tpu.memref_slice %arg6[%dma_start3A_63, %dma_start3A_64] : memref<128x128xi32, #tpu.memory_space<vmem>> -> memref<1x128xi32, #tpu.memory_space<vmem>>
    %dma_start3A_66 = tpu.memref_squeeze %dma_start3A_65 : memref<1x128xi32, #tpu.memory_space<vmem>> -> memref<128xi32, #tpu.memory_space<vmem>>
    %dma_start3A_67 = arith.constant 0 : i32
    %dma_start3A_68 = arith.constant 0 : i32
    %dma_start3A_69 = tpu.memref_slice %arg2[%dma_start3A_67, %dma_start3A_68] : memref<10000x48xf32, #tpu.memory_space<hbm>> -> memref<10000x48xf32, #tpu.memory_space<hbm>>
    tpu.enqueue_indirect_dma source(%dma_start3A_69 : memref<10000x48xf32, #tpu.memory_space<hbm>>) target(%arg14 : memref<128x48xf32, #tpu.memory_space<vmem>>) offsets(%dma_start3A_66 : memref<128xi32, #tpu.memory_space<vmem>>) semaphore(%arg26 : memref<!tpu.dma_semaphore, #tpu.memory_space<semaphore_mem>>)
    %dma_start3A_70 = arith.constant 7 : i32
    %dma_start3A_71 = arith.constant 0 : i32
    %dma_start3A_72 = tpu.memref_slice %arg6[%dma_start3A_70, %dma_start3A_71] : memref<128x128xi32, #tpu.memory_space<vmem>> -> memref<1x128xi32, #tpu.memory_space<vmem>>
    %dma_start3A_73 = tpu.memref_squeeze %dma_start3A_72 : memref<1x128xi32, #tpu.memory_space<vmem>> -> memref<128xi32, #tpu.memory_space<vmem>>
    %dma_start3A_74 = arith.constant 0 : i32
    %dma_start3A_75 = arith.constant 0 : i32
    %dma_start3A_76 = tpu.memref_slice %arg2[%dma_start3A_74, %dma_start3A_75] : memref<10000x48xf32, #tpu.memory_space<hbm>> -> memref<10000x48xf32, #tpu.memory_space<hbm>>
    tpu.enqueue_indirect_dma source(%dma_start3A_76 : memref<10000x48xf32, #tpu.memory_space<hbm>>) target(%arg15 : memref<128x48xf32, #tpu.memory_space<vmem>>) offsets(%dma_start3A_73 : memref<128xi32, #tpu.memory_space<vmem>>) semaphore(%arg27 : memref<!tpu.dma_semaphore, #tpu.memory_space<semaphore_mem>>)
    %dma_wait3A = arith.constant 0 : i32
    %dma_wait3A_77 = tpu.memref_slice %arg16[%mul3A_0, %dma_wait3A] : memref<10112x48xf32, #tpu.memory_space<vmem_shared>> -> memref<632x48xf32, #tpu.memory_space<vmem_shared>>
    %dma_wait3A_78 = arith.constant 0 : i32
    %dma_wait3A_79 = tpu.memref_slice %arg4[%mul3A_0, %dma_wait3A_78] : memref<10112x48xf32, #tpu.memory_space<hbm>> -> memref<632x48xf32, #tpu.memory_space<hbm>>
    tpu.wait_dma2 semaphore(%arg17 : memref<!tpu.dma_semaphore, #tpu.memory_space<semaphore_mem>>) src(%dma_wait3A_79 : memref<632x48xf32, #tpu.memory_space<hbm>>) dst(%dma_wait3A_77 : memref<632x48xf32, #tpu.memory_space<vmem_shared>>)
    %barrier3A = arith.constant 0 : index
    tpu.barrier barrier_id(%barrier3A)
    %jit3A_80 = arith.constant 8 : i32
    %div3A = arith.divsi %select_n3A, %jit3A_80 : i32
    %sign3A = arith.constant 0 : i32
    %sign3A_81 = arith.cmpi sgt, %select_n3A, %sign3A : i32
    %sign3A_82 = arith.extui %sign3A_81 : i1 to i32
    %sign3A_83 = arith.constant 0 : i32
    %sign3A_84 = arith.cmpi slt, %select_n3A, %sign3A_83 : i32
    %sign3A_85 = arith.extui %sign3A_84 : i1 to i32
    %sign3A_86 = arith.subi %sign3A_82, %sign3A_85 : i32
    %sign3A_87 = arith.constant 0 : i32
    %sign3A_88 = arith.cmpi sgt, %jit3A_80, %sign3A_87 : i32
    %sign3A_89 = arith.extui %sign3A_88 : i1 to i32
    %sign3A_90 = arith.constant 0 : i32
    %sign3A_91 = arith.cmpi slt, %jit3A_80, %sign3A_90 : i32
    %sign3A_92 = arith.extui %sign3A_91 : i1 to i32
    %sign3A_93 = arith.subi %sign3A_89, %sign3A_92 : i32
    %ne3A_94 = arith.cmpi ne, %sign3A_86, %sign3A_93 : i32
    %rem3A = arith.remsi %select_n3A, %jit3A_80 : i32
    %ne3A_95 = arith.constant 0 : i32
    %ne3A_96 = arith.cmpi ne, %rem3A, %ne3A_95 : i32
    %and3A = arith.andi %ne3A_94, %ne3A_96 : i1
    %sub3A = arith.constant 1 : i32
    %sub3A_97 = arith.subi %div3A, %sub3A : i32
    %select_n3A_98 = arith.select %and3A, %sub3A_97, %div3A : i32
    %while3A = arith.constant 0 : i32
    %while3A_99 = arith.constant 0 : i32
    %while3A_100 = arith.subi %select_n3A_98, %while3A_99 : i32
    %while3A_101 = arith.addi %while3A_99, %while3A_100 : i32
    %while3A_102 = arith.constant 1 : i32
    %while3A_103 = arith.divsi %while3A_100, %while3A_102 : i32
    %while3A_104 = arith.muli %while3A_103, %while3A_102 : i32
    %while3A_105 = arith.addi %while3A_99, %while3A_104 : i32
    %while3A_106 = arith.constant 1 : i32
    scf.for %while3A_189 = %while3A_99 to %while3A_105 step %while3A_106  : i32 {
      %mul3A_190 = arith.constant 8 : i32
      %mul3A_191 = arith.muli %while3A_189, %mul3A_190 : i32
      %add3A_192 = arith.constant 0 : i32
      %add3A_193 = arith.addi %mul3A_191, %add3A_192 : i32
      %dma_wait3A_194 = arith.constant 0 : i32
      %dma_wait3A_195 = tpu.memref_slice %arg6[%add3A_193, %dma_wait3A_194] : memref<128x128xi32, #tpu.memory_space<vmem>> -> memref<1x128xi32, #tpu.memory_space<vmem>>
      %dma_wait3A_196 = tpu.memref_squeeze %dma_wait3A_195 : memref<1x128xi32, #tpu.memory_space<vmem>> -> memref<128xi32, #tpu.memory_space<vmem>>
      %dma_wait3A_197 = arith.constant 0 : i32
      %dma_wait3A_198 = arith.constant 0 : i32
      %dma_wait3A_199 = tpu.memref_slice %arg2[%dma_wait3A_197, %dma_wait3A_198] : memref<10000x48xf32, #tpu.memory_space<hbm>> -> memref<10000x48xf32, #tpu.memory_space<hbm>>
      tpu.wait_indirect_dma semaphore(%arg20 : memref<!tpu.dma_semaphore, #tpu.memory_space<semaphore_mem>>) src(%dma_wait3A_199 : memref<10000x48xf32, #tpu.memory_space<hbm>>) dst(%arg8 : memref<128x48xf32, #tpu.memory_space<vmem>>)
      %dma_start3A_200 = arith.constant 0 : i32
      %dma_start3A_201 = tpu.memref_slice %arg7[%add3A_193, %dma_start3A_200] : memref<128x128xi32, #tpu.memory_space<vmem>> -> memref<1x128xi32, #tpu.memory_space<vmem>>
      %dma_start3A_202 = tpu.memref_squeeze %dma_start3A_201 : memref<1x128xi32, #tpu.memory_space<vmem>> -> memref<128xi32, #tpu.memory_space<vmem>>
      %dma_start3A_203 = arith.constant 0 : i32
      %dma_start3A_204 = arith.constant 0 : i32
      %dma_start3A_205 = tpu.memref_slice %arg16[%dma_start3A_203, %dma_start3A_204] : memref<10112x48xf32, #tpu.memory_space<vmem_shared>> -> memref<10112x48xf32, #tpu.memory_space<vmem_shared>>
      tpu.enqueue_indirect_dma source(%arg8 : memref<128x48xf32, #tpu.memory_space<vmem>>) target(%dma_start3A_205 : memref<10112x48xf32, #tpu.memory_space<vmem_shared>>) offsets(%dma_start3A_202 : memref<128xi32, #tpu.memory_space<vmem>>) semaphore(%arg28 : memref<!tpu.dma_semaphore, #tpu.memory_space<semaphore_mem>>) {add = true}
      %add3A_206 = arith.constant 8 : i32
      %add3A_207 = arith.addi %add3A_193, %add3A_206 : i32
      %lt3A = arith.cmpi slt, %add3A_207, %select_n3A : i32
      %convert_element_type3A_208 = arith.extui %lt3A : i1 to i32
      %cond3A_209 = arith.constant 0 : i32
      %cond3A_210 = arith.cmpi ne, %convert_element_type3A_208, %cond3A_209 : i32
      scf.if %cond3A_210 {
        %dma_wait3A_351 = arith.constant 0 : i32
        %dma_wait3A_352 = tpu.memref_slice %arg7[%add3A_193, %dma_wait3A_351] : memref<128x128xi32, #tpu.memory_space<vmem>> -> memref<1x128xi32, #tpu.memory_space<vmem>>
        %dma_wait3A_353 = tpu.memref_squeeze %dma_wait3A_352 : memref<1x128xi32, #tpu.memory_space<vmem>> -> memref<128xi32, #tpu.memory_space<vmem>>
        %dma_wait3A_354 = arith.constant 0 : i32
        %dma_wait3A_355 = arith.constant 0 : i32
        %dma_wait3A_356 = tpu.memref_slice %arg16[%dma_wait3A_354, %dma_wait3A_355] : memref<10112x48xf32, #tpu.memory_space<vmem_shared>> -> memref<10112x48xf32, #tpu.memory_space<vmem_shared>>
        tpu.wait_indirect_dma semaphore(%arg28 : memref<!tpu.dma_semaphore, #tpu.memory_space<semaphore_mem>>) src(%arg8 : memref<128x48xf32, #tpu.memory_space<vmem>>) dst(%dma_wait3A_356 : memref<10112x48xf32, #tpu.memory_space<vmem_shared>>)
        %dma_start3A_357 = arith.constant 0 : i32
        %dma_start3A_358 = tpu.memref_slice %arg6[%add3A_207, %dma_start3A_357] : memref<128x128xi32, #tpu.memory_space<vmem>> -> memref<1x128xi32, #tpu.memory_space<vmem>>
        %dma_start3A_359 = tpu.memref_squeeze %dma_start3A_358 : memref<1x128xi32, #tpu.memory_space<vmem>> -> memref<128xi32, #tpu.memory_space<vmem>>
        %dma_start3A_360 = arith.constant 0 : i32
        %dma_start3A_361 = arith.constant 0 : i32
        %dma_start3A_362 = tpu.memref_slice %arg2[%dma_start3A_360, %dma_start3A_361] : memref<10000x48xf32, #tpu.memory_space<hbm>> -> memref<10000x48xf32, #tpu.memory_space<hbm>>
        tpu.enqueue_indirect_dma source(%dma_start3A_362 : memref<10000x48xf32, #tpu.memory_space<hbm>>) target(%arg8 : memref<128x48xf32, #tpu.memory_space<vmem>>) offsets(%dma_start3A_359 : memref<128xi32, #tpu.memory_space<vmem>>) semaphore(%arg20 : memref<!tpu.dma_semaphore, #tpu.memory_space<semaphore_mem>>)
      } else {
      }
      %add3A_211 = arith.constant 1 : i32
      %add3A_212 = arith.addi %mul3A_191, %add3A_211 : i32
      %dma_wait3A_213 = arith.constant 0 : i32
      %dma_wait3A_214 = tpu.memref_slice %arg6[%add3A_212, %dma_wait3A_213] : memref<128x128xi32, #tpu.memory_space<vmem>> -> memref<1x128xi32, #tpu.memory_space<vmem>>
      %dma_wait3A_215 = tpu.memref_squeeze %dma_wait3A_214 : memref<1x128xi32, #tpu.memory_space<vmem>> -> memref<128xi32, #tpu.memory_space<vmem>>
      %dma_wait3A_216 = arith.constant 0 : i32
      %dma_wait3A_217 = arith.constant 0 : i32
      %dma_wait3A_218 = tpu.memref_slice %arg2[%dma_wait3A_216, %dma_wait3A_217] : memref<10000x48xf32, #tpu.memory_space<hbm>> -> memref<10000x48xf32, #tpu.memory_space<hbm>>
      tpu.wait_indirect_dma semaphore(%arg21 : memref<!tpu.dma_semaphore, #tpu.memory_space<semaphore_mem>>) src(%dma_wait3A_218 : memref<10000x48xf32, #tpu.memory_space<hbm>>) dst(%arg9 : memref<128x48xf32, #tpu.memory_space<vmem>>)
      %dma_start3A_219 = arith.constant 0 : i32
      %dma_start3A_220 = tpu.memref_slice %arg7[%add3A_212, %dma_start3A_219] : memref<128x128xi32, #tpu.memory_space<vmem>> -> memref<1x128xi32, #tpu.memory_space<vmem>>
      %dma_start3A_221 = tpu.memref_squeeze %dma_start3A_220 : memref<1x128xi32, #tpu.memory_space<vmem>> -> memref<128xi32, #tpu.memory_space<vmem>>
      %dma_start3A_222 = arith.constant 0 : i32
      %dma_start3A_223 = arith.constant 0 : i32
      %dma_start3A_224 = tpu.memref_slice %arg16[%dma_start3A_222, %dma_start3A_223] : memref<10112x48xf32, #tpu.memory_space<vmem_shared>> -> memref<10112x48xf32, #tpu.memory_space<vmem_shared>>
      tpu.enqueue_indirect_dma source(%arg9 : memref<128x48xf32, #tpu.memory_space<vmem>>) target(%dma_start3A_224 : memref<10112x48xf32, #tpu.memory_space<vmem_shared>>) offsets(%dma_start3A_221 : memref<128xi32, #tpu.memory_space<vmem>>) semaphore(%arg29 : memref<!tpu.dma_semaphore, #tpu.memory_space<semaphore_mem>>) {add = true}
      %add3A_225 = arith.constant 8 : i32
      %add3A_226 = arith.addi %add3A_212, %add3A_225 : i32
      %lt3A_227 = arith.cmpi slt, %add3A_226, %select_n3A : i32
      %convert_element_type3A_228 = arith.extui %lt3A_227 : i1 to i32
      %cond3A_229 = arith.constant 0 : i32
      %cond3A_230 = arith.cmpi ne, %convert_element_type3A_228, %cond3A_229 : i32
      scf.if %cond3A_230 {
        %dma_wait3A_351 = arith.constant 0 : i32
        %dma_wait3A_352 = tpu.memref_slice %arg7[%add3A_212, %dma_wait3A_351] : memref<128x128xi32, #tpu.memory_space<vmem>> -> memref<1x128xi32, #tpu.memory_space<vmem>>
        %dma_wait3A_353 = tpu.memref_squeeze %dma_wait3A_352 : memref<1x128xi32, #tpu.memory_space<vmem>> -> memref<128xi32, #tpu.memory_space<vmem>>
        %dma_wait3A_354 = arith.constant 0 : i32
        %dma_wait3A_355 = arith.constant 0 : i32
        %dma_wait3A_356 = tpu.memref_slice %arg16[%dma_wait3A_354, %dma_wait3A_355] : memref<10112x48xf32, #tpu.memory_space<vmem_shared>> -> memref<10112x48xf32, #tpu.memory_space<vmem_shared>>
        tpu.wait_indirect_dma semaphore(%arg29 : memref<!tpu.dma_semaphore, #tpu.memory_space<semaphore_mem>>) src(%arg9 : memref<128x48xf32, #tpu.memory_space<vmem>>) dst(%dma_wait3A_356 : memref<10112x48xf32, #tpu.memory_space<vmem_shared>>)
        %dma_start3A_357 = arith.constant 0 : i32
        %dma_start3A_358 = tpu.memref_slice %arg6[%add3A_226, %dma_start3A_357] : memref<128x128xi32, #tpu.memory_space<vmem>> -> memref<1x128xi32, #tpu.memory_space<vmem>>
        %dma_start3A_359 = tpu.memref_squeeze %dma_start3A_358 : memref<1x128xi32, #tpu.memory_space<vmem>> -> memref<128xi32, #tpu.memory_space<vmem>>
        %dma_start3A_360 = arith.constant 0 : i32
        %dma_start3A_361 = arith.constant 0 : i32
        %dma_start3A_362 = tpu.memref_slice %arg2[%dma_start3A_360, %dma_start3A_361] : memref<10000x48xf32, #tpu.memory_space<hbm>> -> memref<10000x48xf32, #tpu.memory_space<hbm>>
        tpu.enqueue_indirect_dma source(%dma_start3A_362 : memref<10000x48xf32, #tpu.memory_space<hbm>>) target(%arg9 : memref<128x48xf32, #tpu.memory_space<vmem>>) offsets(%dma_start3A_359 : memref<128xi32, #tpu.memory_space<vmem>>) semaphore(%arg21 : memref<!tpu.dma_semaphore, #tpu.memory_space<semaphore_mem>>)
      } else {
      }
      %add3A_231 = arith.constant 2 : i32
      %add3A_232 = arith.addi %mul3A_191, %add3A_231 : i32
      %dma_wait3A_233 = arith.constant 0 : i32
      %dma_wait3A_234 = tpu.memref_slice %arg6[%add3A_232, %dma_wait3A_233] : memref<128x128xi32, #tpu.memory_space<vmem>> -> memref<1x128xi32, #tpu.memory_space<vmem>>
      %dma_wait3A_235 = tpu.memref_squeeze %dma_wait3A_234 : memref<1x128xi32, #tpu.memory_space<vmem>> -> memref<128xi32, #tpu.memory_space<vmem>>
      %dma_wait3A_236 = arith.constant 0 : i32
      %dma_wait3A_237 = arith.constant 0 : i32
      %dma_wait3A_238 = tpu.memref_slice %arg2[%dma_wait3A_236, %dma_wait3A_237] : memref<10000x48xf32, #tpu.memory_space<hbm>> -> memref<10000x48xf32, #tpu.memory_space<hbm>>
      tpu.wait_indirect_dma semaphore(%arg22 : memref<!tpu.dma_semaphore, #tpu.memory_space<semaphore_mem>>) src(%dma_wait3A_238 : memref<10000x48xf32, #tpu.memory_space<hbm>>) dst(%arg10 : memref<128x48xf32, #tpu.memory_space<vmem>>)
      %dma_start3A_239 = arith.constant 0 : i32
      %dma_start3A_240 = tpu.memref_slice %arg7[%add3A_232, %dma_start3A_239] : memref<128x128xi32, #tpu.memory_space<vmem>> -> memref<1x128xi32, #tpu.memory_space<vmem>>
      %dma_start3A_241 = tpu.memref_squeeze %dma_start3A_240 : memref<1x128xi32, #tpu.memory_space<vmem>> -> memref<128xi32, #tpu.memory_space<vmem>>
      %dma_start3A_242 = arith.constant 0 : i32
      %dma_start3A_243 = arith.constant 0 : i32
      %dma_start3A_244 = tpu.memref_slice %arg16[%dma_start3A_242, %dma_start3A_243] : memref<10112x48xf32, #tpu.memory_space<vmem_shared>> -> memref<10112x48xf32, #tpu.memory_space<vmem_shared>>
      tpu.enqueue_indirect_dma source(%arg10 : memref<128x48xf32, #tpu.memory_space<vmem>>) target(%dma_start3A_244 : memref<10112x48xf32, #tpu.memory_space<vmem_shared>>) offsets(%dma_start3A_241 : memref<128xi32, #tpu.memory_space<vmem>>) semaphore(%arg30 : memref<!tpu.dma_semaphore, #tpu.memory_space<semaphore_mem>>) {add = true}
      %add3A_245 = arith.constant 8 : i32
      %add3A_246 = arith.addi %add3A_232, %add3A_245 : i32
      %lt3A_247 = arith.cmpi slt, %add3A_246, %select_n3A : i32
      %convert_element_type3A_248 = arith.extui %lt3A_247 : i1 to i32
      %cond3A_249 = arith.constant 0 : i32
      %cond3A_250 = arith.cmpi ne, %convert_element_type3A_248, %cond3A_249 : i32
      scf.if %cond3A_250 {
        %dma_wait3A_351 = arith.constant 0 : i32
        %dma_wait3A_352 = tpu.memref_slice %arg7[%add3A_232, %dma_wait3A_351] : memref<128x128xi32, #tpu.memory_space<vmem>> -> memref<1x128xi32, #tpu.memory_space<vmem>>
        %dma_wait3A_353 = tpu.memref_squeeze %dma_wait3A_352 : memref<1x128xi32, #tpu.memory_space<vmem>> -> memref<128xi32, #tpu.memory_space<vmem>>
        %dma_wait3A_354 = arith.constant 0 : i32
        %dma_wait3A_355 = arith.constant 0 : i32
        %dma_wait3A_356 = tpu.memref_slice %arg16[%dma_wait3A_354, %dma_wait3A_355] : memref<10112x48xf32, #tpu.memory_space<vmem_shared>> -> memref<10112x48xf32, #tpu.memory_space<vmem_shared>>
        tpu.wait_indirect_dma semaphore(%arg30 : memref<!tpu.dma_semaphore, #tpu.memory_space<semaphore_mem>>) src(%arg10 : memref<128x48xf32, #tpu.memory_space<vmem>>) dst(%dma_wait3A_356 : memref<10112x48xf32, #tpu.memory_space<vmem_shared>>)
        %dma_start3A_357 = arith.constant 0 : i32
        %dma_start3A_358 = tpu.memref_slice %arg6[%add3A_246, %dma_start3A_357] : memref<128x128xi32, #tpu.memory_space<vmem>> -> memref<1x128xi32, #tpu.memory_space<vmem>>
        %dma_start3A_359 = tpu.memref_squeeze %dma_start3A_358 : memref<1x128xi32, #tpu.memory_space<vmem>> -> memref<128xi32, #tpu.memory_space<vmem>>
        %dma_start3A_360 = arith.constant 0 : i32
        %dma_start3A_361 = arith.constant 0 : i32
        %dma_start3A_362 = tpu.memref_slice %arg2[%dma_start3A_360, %dma_start3A_361] : memref<10000x48xf32, #tpu.memory_space<hbm>> -> memref<10000x48xf32, #tpu.memory_space<hbm>>
        tpu.enqueue_indirect_dma source(%dma_start3A_362 : memref<10000x48xf32, #tpu.memory_space<hbm>>) target(%arg10 : memref<128x48xf32, #tpu.memory_space<vmem>>) offsets(%dma_start3A_359 : memref<128xi32, #tpu.memory_space<vmem>>) semaphore(%arg22 : memref<!tpu.dma_semaphore, #tpu.memory_space<semaphore_mem>>)
      } else {
      }
      %add3A_251 = arith.constant 3 : i32
      %add3A_252 = arith.addi %mul3A_191, %add3A_251 : i32
      %dma_wait3A_253 = arith.constant 0 : i32
      %dma_wait3A_254 = tpu.memref_slice %arg6[%add3A_252, %dma_wait3A_253] : memref<128x128xi32, #tpu.memory_space<vmem>> -> memref<1x128xi32, #tpu.memory_space<vmem>>
      %dma_wait3A_255 = tpu.memref_squeeze %dma_wait3A_254 : memref<1x128xi32, #tpu.memory_space<vmem>> -> memref<128xi32, #tpu.memory_space<vmem>>
      %dma_wait3A_256 = arith.constant 0 : i32
      %dma_wait3A_257 = arith.constant 0 : i32
      %dma_wait3A_258 = tpu.memref_slice %arg2[%dma_wait3A_256, %dma_wait3A_257] : memref<10000x48xf32, #tpu.memory_space<hbm>> -> memref<10000x48xf32, #tpu.memory_space<hbm>>
      tpu.wait_indirect_dma semaphore(%arg23 : memref<!tpu.dma_semaphore, #tpu.memory_space<semaphore_mem>>) src(%dma_wait3A_258 : memref<10000x48xf32, #tpu.memory_space<hbm>>) dst(%arg11 : memref<128x48xf32, #tpu.memory_space<vmem>>)
      %dma_start3A_259 = arith.constant 0 : i32
      %dma_start3A_260 = tpu.memref_slice %arg7[%add3A_252, %dma_start3A_259] : memref<128x128xi32, #tpu.memory_space<vmem>> -> memref<1x128xi32, #tpu.memory_space<vmem>>
      %dma_start3A_261 = tpu.memref_squeeze %dma_start3A_260 : memref<1x128xi32, #tpu.memory_space<vmem>> -> memref<128xi32, #tpu.memory_space<vmem>>
      %dma_start3A_262 = arith.constant 0 : i32
      %dma_start3A_263 = arith.constant 0 : i32
      %dma_start3A_264 = tpu.memref_slice %arg16[%dma_start3A_262, %dma_start3A_263] : memref<10112x48xf32, #tpu.memory_space<vmem_shared>> -> memref<10112x48xf32, #tpu.memory_space<vmem_shared>>
      tpu.enqueue_indirect_dma source(%arg11 : memref<128x48xf32, #tpu.memory_space<vmem>>) target(%dma_start3A_264 : memref<10112x48xf32, #tpu.memory_space<vmem_shared>>) offsets(%dma_start3A_261 : memref<128xi32, #tpu.memory_space<vmem>>) semaphore(%arg31 : memref<!tpu.dma_semaphore, #tpu.memory_space<semaphore_mem>>) {add = true}
      %add3A_265 = arith.constant 8 : i32
      %add3A_266 = arith.addi %add3A_252, %add3A_265 : i32
      %lt3A_267 = arith.cmpi slt, %add3A_266, %select_n3A : i32
      %convert_element_type3A_268 = arith.extui %lt3A_267 : i1 to i32
      %cond3A_269 = arith.constant 0 : i32
      %cond3A_270 = arith.cmpi ne, %convert_element_type3A_268, %cond3A_269 : i32
      scf.if %cond3A_270 {
        %dma_wait3A_351 = arith.constant 0 : i32
        %dma_wait3A_352 = tpu.memref_slice %arg7[%add3A_252, %dma_wait3A_351] : memref<128x128xi32, #tpu.memory_space<vmem>> -> memref<1x128xi32, #tpu.memory_space<vmem>>
        %dma_wait3A_353 = tpu.memref_squeeze %dma_wait3A_352 : memref<1x128xi32, #tpu.memory_space<vmem>> -> memref<128xi32, #tpu.memory_space<vmem>>
        %dma_wait3A_354 = arith.constant 0 : i32
        %dma_wait3A_355 = arith.constant 0 : i32
        %dma_wait3A_356 = tpu.memref_slice %arg16[%dma_wait3A_354, %dma_wait3A_355] : memref<10112x48xf32, #tpu.memory_space<vmem_shared>> -> memref<10112x48xf32, #tpu.memory_space<vmem_shared>>
        tpu.wait_indirect_dma semaphore(%arg31 : memref<!tpu.dma_semaphore, #tpu.memory_space<semaphore_mem>>) src(%arg11 : memref<128x48xf32, #tpu.memory_space<vmem>>) dst(%dma_wait3A_356 : memref<10112x48xf32, #tpu.memory_space<vmem_shared>>)
        %dma_start3A_357 = arith.constant 0 : i32
        %dma_start3A_358 = tpu.memref_slice %arg6[%add3A_266, %dma_start3A_357] : memref<128x128xi32, #tpu.memory_space<vmem>> -> memref<1x128xi32, #tpu.memory_space<vmem>>
        %dma_start3A_359 = tpu.memref_squeeze %dma_start3A_358 : memref<1x128xi32, #tpu.memory_space<vmem>> -> memref<128xi32, #tpu.memory_space<vmem>>
        %dma_start3A_360 = arith.constant 0 : i32
        %dma_start3A_361 = arith.constant 0 : i32
        %dma_start3A_362 = tpu.memref_slice %arg2[%dma_start3A_360, %dma_start3A_361] : memref<10000x48xf32, #tpu.memory_space<hbm>> -> memref<10000x48xf32, #tpu.memory_space<hbm>>
        tpu.enqueue_indirect_dma source(%dma_start3A_362 : memref<10000x48xf32, #tpu.memory_space<hbm>>) target(%arg11 : memref<128x48xf32, #tpu.memory_space<vmem>>) offsets(%dma_start3A_359 : memref<128xi32, #tpu.memory_space<vmem>>) semaphore(%arg23 : memref<!tpu.dma_semaphore, #tpu.memory_space<semaphore_mem>>)
      } else {
      }
      %add3A_271 = arith.constant 4 : i32
      %add3A_272 = arith.addi %mul3A_191, %add3A_271 : i32
      %dma_wait3A_273 = arith.constant 0 : i32
      %dma_wait3A_274 = tpu.memref_slice %arg6[%add3A_272, %dma_wait3A_273] : memref<128x128xi32, #tpu.memory_space<vmem>> -> memref<1x128xi32, #tpu.memory_space<vmem>>
      %dma_wait3A_275 = tpu.memref_squeeze %dma_wait3A_274 : memref<1x128xi32, #tpu.memory_space<vmem>> -> memref<128xi32, #tpu.memory_space<vmem>>
      %dma_wait3A_276 = arith.constant 0 : i32
      %dma_wait3A_277 = arith.constant 0 : i32
      %dma_wait3A_278 = tpu.memref_slice %arg2[%dma_wait3A_276, %dma_wait3A_277] : memref<10000x48xf32, #tpu.memory_space<hbm>> -> memref<10000x48xf32, #tpu.memory_space<hbm>>
      tpu.wait_indirect_dma semaphore(%arg24 : memref<!tpu.dma_semaphore, #tpu.memory_space<semaphore_mem>>) src(%dma_wait3A_278 : memref<10000x48xf32, #tpu.memory_space<hbm>>) dst(%arg12 : memref<128x48xf32, #tpu.memory_space<vmem>>)
      %dma_start3A_279 = arith.constant 0 : i32
      %dma_start3A_280 = tpu.memref_slice %arg7[%add3A_272, %dma_start3A_279] : memref<128x128xi32, #tpu.memory_space<vmem>> -> memref<1x128xi32, #tpu.memory_space<vmem>>
      %dma_start3A_281 = tpu.memref_squeeze %dma_start3A_280 : memref<1x128xi32, #tpu.memory_space<vmem>> -> memref<128xi32, #tpu.memory_space<vmem>>
      %dma_start3A_282 = arith.constant 0 : i32
      %dma_start3A_283 = arith.constant 0 : i32
      %dma_start3A_284 = tpu.memref_slice %arg16[%dma_start3A_282, %dma_start3A_283] : memref<10112x48xf32, #tpu.memory_space<vmem_shared>> -> memref<10112x48xf32, #tpu.memory_space<vmem_shared>>
      tpu.enqueue_indirect_dma source(%arg12 : memref<128x48xf32, #tpu.memory_space<vmem>>) target(%dma_start3A_284 : memref<10112x48xf32, #tpu.memory_space<vmem_shared>>) offsets(%dma_start3A_281 : memref<128xi32, #tpu.memory_space<vmem>>) semaphore(%arg32 : memref<!tpu.dma_semaphore, #tpu.memory_space<semaphore_mem>>) {add = true}
      %add3A_285 = arith.constant 8 : i32
      %add3A_286 = arith.addi %add3A_272, %add3A_285 : i32
      %lt3A_287 = arith.cmpi slt, %add3A_286, %select_n3A : i32
      %convert_element_type3A_288 = arith.extui %lt3A_287 : i1 to i32
      %cond3A_289 = arith.constant 0 : i32
      %cond3A_290 = arith.cmpi ne, %convert_element_type3A_288, %cond3A_289 : i32
      scf.if %cond3A_290 {
        %dma_wait3A_351 = arith.constant 0 : i32
        %dma_wait3A_352 = tpu.memref_slice %arg7[%add3A_272, %dma_wait3A_351] : memref<128x128xi32, #tpu.memory_space<vmem>> -> memref<1x128xi32, #tpu.memory_space<vmem>>
        %dma_wait3A_353 = tpu.memref_squeeze %dma_wait3A_352 : memref<1x128xi32, #tpu.memory_space<vmem>> -> memref<128xi32, #tpu.memory_space<vmem>>
        %dma_wait3A_354 = arith.constant 0 : i32
        %dma_wait3A_355 = arith.constant 0 : i32
        %dma_wait3A_356 = tpu.memref_slice %arg16[%dma_wait3A_354, %dma_wait3A_355] : memref<10112x48xf32, #tpu.memory_space<vmem_shared>> -> memref<10112x48xf32, #tpu.memory_space<vmem_shared>>
        tpu.wait_indirect_dma semaphore(%arg32 : memref<!tpu.dma_semaphore, #tpu.memory_space<semaphore_mem>>) src(%arg12 : memref<128x48xf32, #tpu.memory_space<vmem>>) dst(%dma_wait3A_356 : memref<10112x48xf32, #tpu.memory_space<vmem_shared>>)
        %dma_start3A_357 = arith.constant 0 : i32
        %dma_start3A_358 = tpu.memref_slice %arg6[%add3A_286, %dma_start3A_357] : memref<128x128xi32, #tpu.memory_space<vmem>> -> memref<1x128xi32, #tpu.memory_space<vmem>>
        %dma_start3A_359 = tpu.memref_squeeze %dma_start3A_358 : memref<1x128xi32, #tpu.memory_space<vmem>> -> memref<128xi32, #tpu.memory_space<vmem>>
        %dma_start3A_360 = arith.constant 0 : i32
        %dma_start3A_361 = arith.constant 0 : i32
        %dma_start3A_362 = tpu.memref_slice %arg2[%dma_start3A_360, %dma_start3A_361] : memref<10000x48xf32, #tpu.memory_space<hbm>> -> memref<10000x48xf32, #tpu.memory_space<hbm>>
        tpu.enqueue_indirect_dma source(%dma_start3A_362 : memref<10000x48xf32, #tpu.memory_space<hbm>>) target(%arg12 : memref<128x48xf32, #tpu.memory_space<vmem>>) offsets(%dma_start3A_359 : memref<128xi32, #tpu.memory_space<vmem>>) semaphore(%arg24 : memref<!tpu.dma_semaphore, #tpu.memory_space<semaphore_mem>>)
      } else {
      }
      %add3A_291 = arith.constant 5 : i32
      %add3A_292 = arith.addi %mul3A_191, %add3A_291 : i32
      %dma_wait3A_293 = arith.constant 0 : i32
      %dma_wait3A_294 = tpu.memref_slice %arg6[%add3A_292, %dma_wait3A_293] : memref<128x128xi32, #tpu.memory_space<vmem>> -> memref<1x128xi32, #tpu.memory_space<vmem>>
      %dma_wait3A_295 = tpu.memref_squeeze %dma_wait3A_294 : memref<1x128xi32, #tpu.memory_space<vmem>> -> memref<128xi32, #tpu.memory_space<vmem>>
      %dma_wait3A_296 = arith.constant 0 : i32
      %dma_wait3A_297 = arith.constant 0 : i32
      %dma_wait3A_298 = tpu.memref_slice %arg2[%dma_wait3A_296, %dma_wait3A_297] : memref<10000x48xf32, #tpu.memory_space<hbm>> -> memref<10000x48xf32, #tpu.memory_space<hbm>>
      tpu.wait_indirect_dma semaphore(%arg25 : memref<!tpu.dma_semaphore, #tpu.memory_space<semaphore_mem>>) src(%dma_wait3A_298 : memref<10000x48xf32, #tpu.memory_space<hbm>>) dst(%arg13 : memref<128x48xf32, #tpu.memory_space<vmem>>)
      %dma_start3A_299 = arith.constant 0 : i32
      %dma_start3A_300 = tpu.memref_slice %arg7[%add3A_292, %dma_start3A_299] : memref<128x128xi32, #tpu.memory_space<vmem>> -> memref<1x128xi32, #tpu.memory_space<vmem>>
      %dma_start3A_301 = tpu.memref_squeeze %dma_start3A_300 : memref<1x128xi32, #tpu.memory_space<vmem>> -> memref<128xi32, #tpu.memory_space<vmem>>
      %dma_start3A_302 = arith.constant 0 : i32
      %dma_start3A_303 = arith.constant 0 : i32
      %dma_start3A_304 = tpu.memref_slice %arg16[%dma_start3A_302, %dma_start3A_303] : memref<10112x48xf32, #tpu.memory_space<vmem_shared>> -> memref<10112x48xf32, #tpu.memory_space<vmem_shared>>
      tpu.enqueue_indirect_dma source(%arg13 : memref<128x48xf32, #tpu.memory_space<vmem>>) target(%dma_start3A_304 : memref<10112x48xf32, #tpu.memory_space<vmem_shared>>) offsets(%dma_start3A_301 : memref<128xi32, #tpu.memory_space<vmem>>) semaphore(%arg33 : memref<!tpu.dma_semaphore, #tpu.memory_space<semaphore_mem>>) {add = true}
      %add3A_305 = arith.constant 8 : i32
      %add3A_306 = arith.addi %add3A_292, %add3A_305 : i32
      %lt3A_307 = arith.cmpi slt, %add3A_306, %select_n3A : i32
      %convert_element_type3A_308 = arith.extui %lt3A_307 : i1 to i32
      %cond3A_309 = arith.constant 0 : i32
      %cond3A_310 = arith.cmpi ne, %convert_element_type3A_308, %cond3A_309 : i32
      scf.if %cond3A_310 {
        %dma_wait3A_351 = arith.constant 0 : i32
        %dma_wait3A_352 = tpu.memref_slice %arg7[%add3A_292, %dma_wait3A_351] : memref<128x128xi32, #tpu.memory_space<vmem>> -> memref<1x128xi32, #tpu.memory_space<vmem>>
        %dma_wait3A_353 = tpu.memref_squeeze %dma_wait3A_352 : memref<1x128xi32, #tpu.memory_space<vmem>> -> memref<128xi32, #tpu.memory_space<vmem>>
        %dma_wait3A_354 = arith.constant 0 : i32
        %dma_wait3A_355 = arith.constant 0 : i32
        %dma_wait3A_356 = tpu.memref_slice %arg16[%dma_wait3A_354, %dma_wait3A_355] : memref<10112x48xf32, #tpu.memory_space<vmem_shared>> -> memref<10112x48xf32, #tpu.memory_space<vmem_shared>>
        tpu.wait_indirect_dma semaphore(%arg33 : memref<!tpu.dma_semaphore, #tpu.memory_space<semaphore_mem>>) src(%arg13 : memref<128x48xf32, #tpu.memory_space<vmem>>) dst(%dma_wait3A_356 : memref<10112x48xf32, #tpu.memory_space<vmem_shared>>)
        %dma_start3A_357 = arith.constant 0 : i32
        %dma_start3A_358 = tpu.memref_slice %arg6[%add3A_306, %dma_start3A_357] : memref<128x128xi32, #tpu.memory_space<vmem>> -> memref<1x128xi32, #tpu.memory_space<vmem>>
        %dma_start3A_359 = tpu.memref_squeeze %dma_start3A_358 : memref<1x128xi32, #tpu.memory_space<vmem>> -> memref<128xi32, #tpu.memory_space<vmem>>
        %dma_start3A_360 = arith.constant 0 : i32
        %dma_start3A_361 = arith.constant 0 : i32
        %dma_start3A_362 = tpu.memref_slice %arg2[%dma_start3A_360, %dma_start3A_361] : memref<10000x48xf32, #tpu.memory_space<hbm>> -> memref<10000x48xf32, #tpu.memory_space<hbm>>
        tpu.enqueue_indirect_dma source(%dma_start3A_362 : memref<10000x48xf32, #tpu.memory_space<hbm>>) target(%arg13 : memref<128x48xf32, #tpu.memory_space<vmem>>) offsets(%dma_start3A_359 : memref<128xi32, #tpu.memory_space<vmem>>) semaphore(%arg25 : memref<!tpu.dma_semaphore, #tpu.memory_space<semaphore_mem>>)
      } else {
      }
      %add3A_311 = arith.constant 6 : i32
      %add3A_312 = arith.addi %mul3A_191, %add3A_311 : i32
      %dma_wait3A_313 = arith.constant 0 : i32
      %dma_wait3A_314 = tpu.memref_slice %arg6[%add3A_312, %dma_wait3A_313] : memref<128x128xi32, #tpu.memory_space<vmem>> -> memref<1x128xi32, #tpu.memory_space<vmem>>
      %dma_wait3A_315 = tpu.memref_squeeze %dma_wait3A_314 : memref<1x128xi32, #tpu.memory_space<vmem>> -> memref<128xi32, #tpu.memory_space<vmem>>
      %dma_wait3A_316 = arith.constant 0 : i32
      %dma_wait3A_317 = arith.constant 0 : i32
      %dma_wait3A_318 = tpu.memref_slice %arg2[%dma_wait3A_316, %dma_wait3A_317] : memref<10000x48xf32, #tpu.memory_space<hbm>> -> memref<10000x48xf32, #tpu.memory_space<hbm>>
      tpu.wait_indirect_dma semaphore(%arg26 : memref<!tpu.dma_semaphore, #tpu.memory_space<semaphore_mem>>) src(%dma_wait3A_318 : memref<10000x48xf32, #tpu.memory_space<hbm>>) dst(%arg14 : memref<128x48xf32, #tpu.memory_space<vmem>>)
      %dma_start3A_319 = arith.constant 0 : i32
      %dma_start3A_320 = tpu.memref_slice %arg7[%add3A_312, %dma_start3A_319] : memref<128x128xi32, #tpu.memory_space<vmem>> -> memref<1x128xi32, #tpu.memory_space<vmem>>
      %dma_start3A_321 = tpu.memref_squeeze %dma_start3A_320 : memref<1x128xi32, #tpu.memory_space<vmem>> -> memref<128xi32, #tpu.memory_space<vmem>>
      %dma_start3A_322 = arith.constant 0 : i32
      %dma_start3A_323 = arith.constant 0 : i32
      %dma_start3A_324 = tpu.memref_slice %arg16[%dma_start3A_322, %dma_start3A_323] : memref<10112x48xf32, #tpu.memory_space<vmem_shared>> -> memref<10112x48xf32, #tpu.memory_space<vmem_shared>>
      tpu.enqueue_indirect_dma source(%arg14 : memref<128x48xf32, #tpu.memory_space<vmem>>) target(%dma_start3A_324 : memref<10112x48xf32, #tpu.memory_space<vmem_shared>>) offsets(%dma_start3A_321 : memref<128xi32, #tpu.memory_space<vmem>>) semaphore(%arg34 : memref<!tpu.dma_semaphore, #tpu.memory_space<semaphore_mem>>) {add = true}
      %add3A_325 = arith.constant 8 : i32
      %add3A_326 = arith.addi %add3A_312, %add3A_325 : i32
      %lt3A_327 = arith.cmpi slt, %add3A_326, %select_n3A : i32
      %convert_element_type3A_328 = arith.extui %lt3A_327 : i1 to i32
      %cond3A_329 = arith.constant 0 : i32
      %cond3A_330 = arith.cmpi ne, %convert_element_type3A_328, %cond3A_329 : i32
      scf.if %cond3A_330 {
        %dma_wait3A_351 = arith.constant 0 : i32
        %dma_wait3A_352 = tpu.memref_slice %arg7[%add3A_312, %dma_wait3A_351] : memref<128x128xi32, #tpu.memory_space<vmem>> -> memref<1x128xi32, #tpu.memory_space<vmem>>
        %dma_wait3A_353 = tpu.memref_squeeze %dma_wait3A_352 : memref<1x128xi32, #tpu.memory_space<vmem>> -> memref<128xi32, #tpu.memory_space<vmem>>
        %dma_wait3A_354 = arith.constant 0 : i32
        %dma_wait3A_355 = arith.constant 0 : i32
        %dma_wait3A_356 = tpu.memref_slice %arg16[%dma_wait3A_354, %dma_wait3A_355] : memref<10112x48xf32, #tpu.memory_space<vmem_shared>> -> memref<10112x48xf32, #tpu.memory_space<vmem_shared>>
        tpu.wait_indirect_dma semaphore(%arg34 : memref<!tpu.dma_semaphore, #tpu.memory_space<semaphore_mem>>) src(%arg14 : memref<128x48xf32, #tpu.memory_space<vmem>>) dst(%dma_wait3A_356 : memref<10112x48xf32, #tpu.memory_space<vmem_shared>>)
        %dma_start3A_357 = arith.constant 0 : i32
        %dma_start3A_358 = tpu.memref_slice %arg6[%add3A_326, %dma_start3A_357] : memref<128x128xi32, #tpu.memory_space<vmem>> -> memref<1x128xi32, #tpu.memory_space<vmem>>
        %dma_start3A_359 = tpu.memref_squeeze %dma_start3A_358 : memref<1x128xi32, #tpu.memory_space<vmem>> -> memref<128xi32, #tpu.memory_space<vmem>>
        %dma_start3A_360 = arith.constant 0 : i32
        %dma_start3A_361 = arith.constant 0 : i32
        %dma_start3A_362 = tpu.memref_slice %arg2[%dma_start3A_360, %dma_start3A_361] : memref<10000x48xf32, #tpu.memory_space<hbm>> -> memref<10000x48xf32, #tpu.memory_space<hbm>>
        tpu.enqueue_indirect_dma source(%dma_start3A_362 : memref<10000x48xf32, #tpu.memory_space<hbm>>) target(%arg14 : memref<128x48xf32, #tpu.memory_space<vmem>>) offsets(%dma_start3A_359 : memref<128xi32, #tpu.memory_space<vmem>>) semaphore(%arg26 : memref<!tpu.dma_semaphore, #tpu.memory_space<semaphore_mem>>)
      } else {
      }
      %add3A_331 = arith.constant 7 : i32
      %add3A_332 = arith.addi %mul3A_191, %add3A_331 : i32
      %dma_wait3A_333 = arith.constant 0 : i32
      %dma_wait3A_334 = tpu.memref_slice %arg6[%add3A_332, %dma_wait3A_333] : memref<128x128xi32, #tpu.memory_space<vmem>> -> memref<1x128xi32, #tpu.memory_space<vmem>>
      %dma_wait3A_335 = tpu.memref_squeeze %dma_wait3A_334 : memref<1x128xi32, #tpu.memory_space<vmem>> -> memref<128xi32, #tpu.memory_space<vmem>>
      %dma_wait3A_336 = arith.constant 0 : i32
      %dma_wait3A_337 = arith.constant 0 : i32
      %dma_wait3A_338 = tpu.memref_slice %arg2[%dma_wait3A_336, %dma_wait3A_337] : memref<10000x48xf32, #tpu.memory_space<hbm>> -> memref<10000x48xf32, #tpu.memory_space<hbm>>
      tpu.wait_indirect_dma semaphore(%arg27 : memref<!tpu.dma_semaphore, #tpu.memory_space<semaphore_mem>>) src(%dma_wait3A_338 : memref<10000x48xf32, #tpu.memory_space<hbm>>) dst(%arg15 : memref<128x48xf32, #tpu.memory_space<vmem>>)
      %dma_start3A_339 = arith.constant 0 : i32
      %dma_start3A_340 = tpu.memref_slice %arg7[%add3A_332, %dma_start3A_339] : memref<128x128xi32, #tpu.memory_space<vmem>> -> memref<1x128xi32, #tpu.memory_space<vmem>>
      %dma_start3A_341 = tpu.memref_squeeze %dma_start3A_340 : memref<1x128xi32, #tpu.memory_space<vmem>> -> memref<128xi32, #tpu.memory_space<vmem>>
      %dma_start3A_342 = arith.constant 0 : i32
      %dma_start3A_343 = arith.constant 0 : i32
      %dma_start3A_344 = tpu.memref_slice %arg16[%dma_start3A_342, %dma_start3A_343] : memref<10112x48xf32, #tpu.memory_space<vmem_shared>> -> memref<10112x48xf32, #tpu.memory_space<vmem_shared>>
      tpu.enqueue_indirect_dma source(%arg15 : memref<128x48xf32, #tpu.memory_space<vmem>>) target(%dma_start3A_344 : memref<10112x48xf32, #tpu.memory_space<vmem_shared>>) offsets(%dma_start3A_341 : memref<128xi32, #tpu.memory_space<vmem>>) semaphore(%arg35 : memref<!tpu.dma_semaphore, #tpu.memory_space<semaphore_mem>>) {add = true}
      %add3A_345 = arith.constant 8 : i32
      %add3A_346 = arith.addi %add3A_332, %add3A_345 : i32
      %lt3A_347 = arith.cmpi slt, %add3A_346, %select_n3A : i32
      %convert_element_type3A_348 = arith.extui %lt3A_347 : i1 to i32
      %cond3A_349 = arith.constant 0 : i32
      %cond3A_350 = arith.cmpi ne, %convert_element_type3A_348, %cond3A_349 : i32
      scf.if %cond3A_350 {
        %dma_wait3A_351 = arith.constant 0 : i32
        %dma_wait3A_352 = tpu.memref_slice %arg7[%add3A_332, %dma_wait3A_351] : memref<128x128xi32, #tpu.memory_space<vmem>> -> memref<1x128xi32, #tpu.memory_space<vmem>>
        %dma_wait3A_353 = tpu.memref_squeeze %dma_wait3A_352 : memref<1x128xi32, #tpu.memory_space<vmem>> -> memref<128xi32, #tpu.memory_space<vmem>>
        %dma_wait3A_354 = arith.constant 0 : i32
        %dma_wait3A_355 = arith.constant 0 : i32
        %dma_wait3A_356 = tpu.memref_slice %arg16[%dma_wait3A_354, %dma_wait3A_355] : memref<10112x48xf32, #tpu.memory_space<vmem_shared>> -> memref<10112x48xf32, #tpu.memory_space<vmem_shared>>
        tpu.wait_indirect_dma semaphore(%arg35 : memref<!tpu.dma_semaphore, #tpu.memory_space<semaphore_mem>>) src(%arg15 : memref<128x48xf32, #tpu.memory_space<vmem>>) dst(%dma_wait3A_356 : memref<10112x48xf32, #tpu.memory_space<vmem_shared>>)
        %dma_start3A_357 = arith.constant 0 : i32
        %dma_start3A_358 = tpu.memref_slice %arg6[%add3A_346, %dma_start3A_357] : memref<128x128xi32, #tpu.memory_space<vmem>> -> memref<1x128xi32, #tpu.memory_space<vmem>>
        %dma_start3A_359 = tpu.memref_squeeze %dma_start3A_358 : memref<1x128xi32, #tpu.memory_space<vmem>> -> memref<128xi32, #tpu.memory_space<vmem>>
        %dma_start3A_360 = arith.constant 0 : i32
        %dma_start3A_361 = arith.constant 0 : i32
        %dma_start3A_362 = tpu.memref_slice %arg2[%dma_start3A_360, %dma_start3A_361] : memref<10000x48xf32, #tpu.memory_space<hbm>> -> memref<10000x48xf32, #tpu.memory_space<hbm>>
        tpu.enqueue_indirect_dma source(%dma_start3A_362 : memref<10000x48xf32, #tpu.memory_space<hbm>>) target(%arg15 : memref<128x48xf32, #tpu.memory_space<vmem>>) offsets(%dma_start3A_359 : memref<128xi32, #tpu.memory_space<vmem>>) semaphore(%arg27 : memref<!tpu.dma_semaphore, #tpu.memory_space<semaphore_mem>>)
      } else {
      }
    }
    %while3A_107 = arith.constant 1 : i32
    scf.for %while3A_189 = %while3A_105 to %while3A_101 step %while3A_107  : i32 {
      %mul3A_190 = arith.constant 8 : i32
      %mul3A_191 = arith.muli %while3A_189, %mul3A_190 : i32
      %add3A_192 = arith.constant 0 : i32
      %add3A_193 = arith.addi %mul3A_191, %add3A_192 : i32
      %dma_wait3A_194 = arith.constant 0 : i32
      %dma_wait3A_195 = tpu.memref_slice %arg6[%add3A_193, %dma_wait3A_194] : memref<128x128xi32, #tpu.memory_space<vmem>> -> memref<1x128xi32, #tpu.memory_space<vmem>>
      %dma_wait3A_196 = tpu.memref_squeeze %dma_wait3A_195 : memref<1x128xi32, #tpu.memory_space<vmem>> -> memref<128xi32, #tpu.memory_space<vmem>>
      %dma_wait3A_197 = arith.constant 0 : i32
      %dma_wait3A_198 = arith.constant 0 : i32
      %dma_wait3A_199 = tpu.memref_slice %arg2[%dma_wait3A_197, %dma_wait3A_198] : memref<10000x48xf32, #tpu.memory_space<hbm>> -> memref<10000x48xf32, #tpu.memory_space<hbm>>
      tpu.wait_indirect_dma semaphore(%arg20 : memref<!tpu.dma_semaphore, #tpu.memory_space<semaphore_mem>>) src(%dma_wait3A_199 : memref<10000x48xf32, #tpu.memory_space<hbm>>) dst(%arg8 : memref<128x48xf32, #tpu.memory_space<vmem>>)
      %dma_start3A_200 = arith.constant 0 : i32
      %dma_start3A_201 = tpu.memref_slice %arg7[%add3A_193, %dma_start3A_200] : memref<128x128xi32, #tpu.memory_space<vmem>> -> memref<1x128xi32, #tpu.memory_space<vmem>>
      %dma_start3A_202 = tpu.memref_squeeze %dma_start3A_201 : memref<1x128xi32, #tpu.memory_space<vmem>> -> memref<128xi32, #tpu.memory_space<vmem>>
      %dma_start3A_203 = arith.constant 0 : i32
      %dma_start3A_204 = arith.constant 0 : i32
      %dma_start3A_205 = tpu.memref_slice %arg16[%dma_start3A_203, %dma_start3A_204] : memref<10112x48xf32, #tpu.memory_space<vmem_shared>> -> memref<10112x48xf32, #tpu.memory_space<vmem_shared>>
      tpu.enqueue_indirect_dma source(%arg8 : memref<128x48xf32, #tpu.memory_space<vmem>>) target(%dma_start3A_205 : memref<10112x48xf32, #tpu.memory_space<vmem_shared>>) offsets(%dma_start3A_202 : memref<128xi32, #tpu.memory_space<vmem>>) semaphore(%arg28 : memref<!tpu.dma_semaphore, #tpu.memory_space<semaphore_mem>>) {add = true}
      %add3A_206 = arith.constant 8 : i32
      %add3A_207 = arith.addi %add3A_193, %add3A_206 : i32
      %lt3A = arith.cmpi slt, %add3A_207, %select_n3A : i32
      %convert_element_type3A_208 = arith.extui %lt3A : i1 to i32
      %cond3A_209 = arith.constant 0 : i32
      %cond3A_210 = arith.cmpi ne, %convert_element_type3A_208, %cond3A_209 : i32
      scf.if %cond3A_210 {
        %dma_wait3A_351 = arith.constant 0 : i32
        %dma_wait3A_352 = tpu.memref_slice %arg7[%add3A_193, %dma_wait3A_351] : memref<128x128xi32, #tpu.memory_space<vmem>> -> memref<1x128xi32, #tpu.memory_space<vmem>>
        %dma_wait3A_353 = tpu.memref_squeeze %dma_wait3A_352 : memref<1x128xi32, #tpu.memory_space<vmem>> -> memref<128xi32, #tpu.memory_space<vmem>>
        %dma_wait3A_354 = arith.constant 0 : i32
        %dma_wait3A_355 = arith.constant 0 : i32
        %dma_wait3A_356 = tpu.memref_slice %arg16[%dma_wait3A_354, %dma_wait3A_355] : memref<10112x48xf32, #tpu.memory_space<vmem_shared>> -> memref<10112x48xf32, #tpu.memory_space<vmem_shared>>
        tpu.wait_indirect_dma semaphore(%arg28 : memref<!tpu.dma_semaphore, #tpu.memory_space<semaphore_mem>>) src(%arg8 : memref<128x48xf32, #tpu.memory_space<vmem>>) dst(%dma_wait3A_356 : memref<10112x48xf32, #tpu.memory_space<vmem_shared>>)
        %dma_start3A_357 = arith.constant 0 : i32
        %dma_start3A_358 = tpu.memref_slice %arg6[%add3A_207, %dma_start3A_357] : memref<128x128xi32, #tpu.memory_space<vmem>> -> memref<1x128xi32, #tpu.memory_space<vmem>>
        %dma_start3A_359 = tpu.memref_squeeze %dma_start3A_358 : memref<1x128xi32, #tpu.memory_space<vmem>> -> memref<128xi32, #tpu.memory_space<vmem>>
        %dma_start3A_360 = arith.constant 0 : i32
        %dma_start3A_361 = arith.constant 0 : i32
        %dma_start3A_362 = tpu.memref_slice %arg2[%dma_start3A_360, %dma_start3A_361] : memref<10000x48xf32, #tpu.memory_space<hbm>> -> memref<10000x48xf32, #tpu.memory_space<hbm>>
        tpu.enqueue_indirect_dma source(%dma_start3A_362 : memref<10000x48xf32, #tpu.memory_space<hbm>>) target(%arg8 : memref<128x48xf32, #tpu.memory_space<vmem>>) offsets(%dma_start3A_359 : memref<128xi32, #tpu.memory_space<vmem>>) semaphore(%arg20 : memref<!tpu.dma_semaphore, #tpu.memory_space<semaphore_mem>>)
      } else {
      }
      %add3A_211 = arith.constant 1 : i32
      %add3A_212 = arith.addi %mul3A_191, %add3A_211 : i32
      %dma_wait3A_213 = arith.constant 0 : i32
      %dma_wait3A_214 = tpu.memref_slice %arg6[%add3A_212, %dma_wait3A_213] : memref<128x128xi32, #tpu.memory_space<vmem>> -> memref<1x128xi32, #tpu.memory_space<vmem>>
      %dma_wait3A_215 = tpu.memref_squeeze %dma_wait3A_214 : memref<1x128xi32, #tpu.memory_space<vmem>> -> memref<128xi32, #tpu.memory_space<vmem>>
      %dma_wait3A_216 = arith.constant 0 : i32
      %dma_wait3A_217 = arith.constant 0 : i32
      %dma_wait3A_218 = tpu.memref_slice %arg2[%dma_wait3A_216, %dma_wait3A_217] : memref<10000x48xf32, #tpu.memory_space<hbm>> -> memref<10000x48xf32, #tpu.memory_space<hbm>>
      tpu.wait_indirect_dma semaphore(%arg21 : memref<!tpu.dma_semaphore, #tpu.memory_space<semaphore_mem>>) src(%dma_wait3A_218 : memref<10000x48xf32, #tpu.memory_space<hbm>>) dst(%arg9 : memref<128x48xf32, #tpu.memory_space<vmem>>)
      %dma_start3A_219 = arith.constant 0 : i32
      %dma_start3A_220 = tpu.memref_slice %arg7[%add3A_212, %dma_start3A_219] : memref<128x128xi32, #tpu.memory_space<vmem>> -> memref<1x128xi32, #tpu.memory_space<vmem>>
      %dma_start3A_221 = tpu.memref_squeeze %dma_start3A_220 : memref<1x128xi32, #tpu.memory_space<vmem>> -> memref<128xi32, #tpu.memory_space<vmem>>
      %dma_start3A_222 = arith.constant 0 : i32
      %dma_start3A_223 = arith.constant 0 : i32
      %dma_start3A_224 = tpu.memref_slice %arg16[%dma_start3A_222, %dma_start3A_223] : memref<10112x48xf32, #tpu.memory_space<vmem_shared>> -> memref<10112x48xf32, #tpu.memory_space<vmem_shared>>
      tpu.enqueue_indirect_dma source(%arg9 : memref<128x48xf32, #tpu.memory_space<vmem>>) target(%dma_start3A_224 : memref<10112x48xf32, #tpu.memory_space<vmem_shared>>) offsets(%dma_start3A_221 : memref<128xi32, #tpu.memory_space<vmem>>) semaphore(%arg29 : memref<!tpu.dma_semaphore, #tpu.memory_space<semaphore_mem>>) {add = true}
      %add3A_225 = arith.constant 8 : i32
      %add3A_226 = arith.addi %add3A_212, %add3A_225 : i32
      %lt3A_227 = arith.cmpi slt, %add3A_226, %select_n3A : i32
      %convert_element_type3A_228 = arith.extui %lt3A_227 : i1 to i32
      %cond3A_229 = arith.constant 0 : i32
      %cond3A_230 = arith.cmpi ne, %convert_element_type3A_228, %cond3A_229 : i32
      scf.if %cond3A_230 {
        %dma_wait3A_351 = arith.constant 0 : i32
        %dma_wait3A_352 = tpu.memref_slice %arg7[%add3A_212, %dma_wait3A_351] : memref<128x128xi32, #tpu.memory_space<vmem>> -> memref<1x128xi32, #tpu.memory_space<vmem>>
        %dma_wait3A_353 = tpu.memref_squeeze %dma_wait3A_352 : memref<1x128xi32, #tpu.memory_space<vmem>> -> memref<128xi32, #tpu.memory_space<vmem>>
        %dma_wait3A_354 = arith.constant 0 : i32
        %dma_wait3A_355 = arith.constant 0 : i32
        %dma_wait3A_356 = tpu.memref_slice %arg16[%dma_wait3A_354, %dma_wait3A_355] : memref<10112x48xf32, #tpu.memory_space<vmem_shared>> -> memref<10112x48xf32, #tpu.memory_space<vmem_shared>>
        tpu.wait_indirect_dma semaphore(%arg29 : memref<!tpu.dma_semaphore, #tpu.memory_space<semaphore_mem>>) src(%arg9 : memref<128x48xf32, #tpu.memory_space<vmem>>) dst(%dma_wait3A_356 : memref<10112x48xf32, #tpu.memory_space<vmem_shared>>)
        %dma_start3A_357 = arith.constant 0 : i32
        %dma_start3A_358 = tpu.memref_slice %arg6[%add3A_226, %dma_start3A_357] : memref<128x128xi32, #tpu.memory_space<vmem>> -> memref<1x128xi32, #tpu.memory_space<vmem>>
        %dma_start3A_359 = tpu.memref_squeeze %dma_start3A_358 : memref<1x128xi32, #tpu.memory_space<vmem>> -> memref<128xi32, #tpu.memory_space<vmem>>
        %dma_start3A_360 = arith.constant 0 : i32
        %dma_start3A_361 = arith.constant 0 : i32
        %dma_start3A_362 = tpu.memref_slice %arg2[%dma_start3A_360, %dma_start3A_361] : memref<10000x48xf32, #tpu.memory_space<hbm>> -> memref<10000x48xf32, #tpu.memory_space<hbm>>
        tpu.enqueue_indirect_dma source(%dma_start3A_362 : memref<10000x48xf32, #tpu.memory_space<hbm>>) target(%arg9 : memref<128x48xf32, #tpu.memory_space<vmem>>) offsets(%dma_start3A_359 : memref<128xi32, #tpu.memory_space<vmem>>) semaphore(%arg21 : memref<!tpu.dma_semaphore, #tpu.memory_space<semaphore_mem>>)
      } else {
      }
      %add3A_231 = arith.constant 2 : i32
      %add3A_232 = arith.addi %mul3A_191, %add3A_231 : i32
      %dma_wait3A_233 = arith.constant 0 : i32
      %dma_wait3A_234 = tpu.memref_slice %arg6[%add3A_232, %dma_wait3A_233] : memref<128x128xi32, #tpu.memory_space<vmem>> -> memref<1x128xi32, #tpu.memory_space<vmem>>
      %dma_wait3A_235 = tpu.memref_squeeze %dma_wait3A_234 : memref<1x128xi32, #tpu.memory_space<vmem>> -> memref<128xi32, #tpu.memory_space<vmem>>
      %dma_wait3A_236 = arith.constant 0 : i32
      %dma_wait3A_237 = arith.constant 0 : i32
      %dma_wait3A_238 = tpu.memref_slice %arg2[%dma_wait3A_236, %dma_wait3A_237] : memref<10000x48xf32, #tpu.memory_space<hbm>> -> memref<10000x48xf32, #tpu.memory_space<hbm>>
      tpu.wait_indirect_dma semaphore(%arg22 : memref<!tpu.dma_semaphore, #tpu.memory_space<semaphore_mem>>) src(%dma_wait3A_238 : memref<10000x48xf32, #tpu.memory_space<hbm>>) dst(%arg10 : memref<128x48xf32, #tpu.memory_space<vmem>>)
      %dma_start3A_239 = arith.constant 0 : i32
      %dma_start3A_240 = tpu.memref_slice %arg7[%add3A_232, %dma_start3A_239] : memref<128x128xi32, #tpu.memory_space<vmem>> -> memref<1x128xi32, #tpu.memory_space<vmem>>
      %dma_start3A_241 = tpu.memref_squeeze %dma_start3A_240 : memref<1x128xi32, #tpu.memory_space<vmem>> -> memref<128xi32, #tpu.memory_space<vmem>>
      %dma_start3A_242 = arith.constant 0 : i32
      %dma_start3A_243 = arith.constant 0 : i32
      %dma_start3A_244 = tpu.memref_slice %arg16[%dma_start3A_242, %dma_start3A_243] : memref<10112x48xf32, #tpu.memory_space<vmem_shared>> -> memref<10112x48xf32, #tpu.memory_space<vmem_shared>>
      tpu.enqueue_indirect_dma source(%arg10 : memref<128x48xf32, #tpu.memory_space<vmem>>) target(%dma_start3A_244 : memref<10112x48xf32, #tpu.memory_space<vmem_shared>>) offsets(%dma_start3A_241 : memref<128xi32, #tpu.memory_space<vmem>>) semaphore(%arg30 : memref<!tpu.dma_semaphore, #tpu.memory_space<semaphore_mem>>) {add = true}
      %add3A_245 = arith.constant 8 : i32
      %add3A_246 = arith.addi %add3A_232, %add3A_245 : i32
      %lt3A_247 = arith.cmpi slt, %add3A_246, %select_n3A : i32
      %convert_element_type3A_248 = arith.extui %lt3A_247 : i1 to i32
      %cond3A_249 = arith.constant 0 : i32
      %cond3A_250 = arith.cmpi ne, %convert_element_type3A_248, %cond3A_249 : i32
      scf.if %cond3A_250 {
        %dma_wait3A_351 = arith.constant 0 : i32
        %dma_wait3A_352 = tpu.memref_slice %arg7[%add3A_232, %dma_wait3A_351] : memref<128x128xi32, #tpu.memory_space<vmem>> -> memref<1x128xi32, #tpu.memory_space<vmem>>
        %dma_wait3A_353 = tpu.memref_squeeze %dma_wait3A_352 : memref<1x128xi32, #tpu.memory_space<vmem>> -> memref<128xi32, #tpu.memory_space<vmem>>
        %dma_wait3A_354 = arith.constant 0 : i32
        %dma_wait3A_355 = arith.constant 0 : i32
        %dma_wait3A_356 = tpu.memref_slice %arg16[%dma_wait3A_354, %dma_wait3A_355] : memref<10112x48xf32, #tpu.memory_space<vmem_shared>> -> memref<10112x48xf32, #tpu.memory_space<vmem_shared>>
        tpu.wait_indirect_dma semaphore(%arg30 : memref<!tpu.dma_semaphore, #tpu.memory_space<semaphore_mem>>) src(%arg10 : memref<128x48xf32, #tpu.memory_space<vmem>>) dst(%dma_wait3A_356 : memref<10112x48xf32, #tpu.memory_space<vmem_shared>>)
        %dma_start3A_357 = arith.constant 0 : i32
        %dma_start3A_358 = tpu.memref_slice %arg6[%add3A_246, %dma_start3A_357] : memref<128x128xi32, #tpu.memory_space<vmem>> -> memref<1x128xi32, #tpu.memory_space<vmem>>
        %dma_start3A_359 = tpu.memref_squeeze %dma_start3A_358 : memref<1x128xi32, #tpu.memory_space<vmem>> -> memref<128xi32, #tpu.memory_space<vmem>>
        %dma_start3A_360 = arith.constant 0 : i32
        %dma_start3A_361 = arith.constant 0 : i32
        %dma_start3A_362 = tpu.memref_slice %arg2[%dma_start3A_360, %dma_start3A_361] : memref<10000x48xf32, #tpu.memory_space<hbm>> -> memref<10000x48xf32, #tpu.memory_space<hbm>>
        tpu.enqueue_indirect_dma source(%dma_start3A_362 : memref<10000x48xf32, #tpu.memory_space<hbm>>) target(%arg10 : memref<128x48xf32, #tpu.memory_space<vmem>>) offsets(%dma_start3A_359 : memref<128xi32, #tpu.memory_space<vmem>>) semaphore(%arg22 : memref<!tpu.dma_semaphore, #tpu.memory_space<semaphore_mem>>)
      } else {
      }
      %add3A_251 = arith.constant 3 : i32
      %add3A_252 = arith.addi %mul3A_191, %add3A_251 : i32
      %dma_wait3A_253 = arith.constant 0 : i32
      %dma_wait3A_254 = tpu.memref_slice %arg6[%add3A_252, %dma_wait3A_253] : memref<128x128xi32, #tpu.memory_space<vmem>> -> memref<1x128xi32, #tpu.memory_space<vmem>>
      %dma_wait3A_255 = tpu.memref_squeeze %dma_wait3A_254 : memref<1x128xi32, #tpu.memory_space<vmem>> -> memref<128xi32, #tpu.memory_space<vmem>>
      %dma_wait3A_256 = arith.constant 0 : i32
      %dma_wait3A_257 = arith.constant 0 : i32
      %dma_wait3A_258 = tpu.memref_slice %arg2[%dma_wait3A_256, %dma_wait3A_257] : memref<10000x48xf32, #tpu.memory_space<hbm>> -> memref<10000x48xf32, #tpu.memory_space<hbm>>
      tpu.wait_indirect_dma semaphore(%arg23 : memref<!tpu.dma_semaphore, #tpu.memory_space<semaphore_mem>>) src(%dma_wait3A_258 : memref<10000x48xf32, #tpu.memory_space<hbm>>) dst(%arg11 : memref<128x48xf32, #tpu.memory_space<vmem>>)
      %dma_start3A_259 = arith.constant 0 : i32
      %dma_start3A_260 = tpu.memref_slice %arg7[%add3A_252, %dma_start3A_259] : memref<128x128xi32, #tpu.memory_space<vmem>> -> memref<1x128xi32, #tpu.memory_space<vmem>>
      %dma_start3A_261 = tpu.memref_squeeze %dma_start3A_260 : memref<1x128xi32, #tpu.memory_space<vmem>> -> memref<128xi32, #tpu.memory_space<vmem>>
      %dma_start3A_262 = arith.constant 0 : i32
      %dma_start3A_263 = arith.constant 0 : i32
      %dma_start3A_264 = tpu.memref_slice %arg16[%dma_start3A_262, %dma_start3A_263] : memref<10112x48xf32, #tpu.memory_space<vmem_shared>> -> memref<10112x48xf32, #tpu.memory_space<vmem_shared>>
      tpu.enqueue_indirect_dma source(%arg11 : memref<128x48xf32, #tpu.memory_space<vmem>>) target(%dma_start3A_264 : memref<10112x48xf32, #tpu.memory_space<vmem_shared>>) offsets(%dma_start3A_261 : memref<128xi32, #tpu.memory_space<vmem>>) semaphore(%arg31 : memref<!tpu.dma_semaphore, #tpu.memory_space<semaphore_mem>>) {add = true}
      %add3A_265 = arith.constant 8 : i32
      %add3A_266 = arith.addi %add3A_252, %add3A_265 : i32
      %lt3A_267 = arith.cmpi slt, %add3A_266, %select_n3A : i32
      %convert_element_type3A_268 = arith.extui %lt3A_267 : i1 to i32
      %cond3A_269 = arith.constant 0 : i32
      %cond3A_270 = arith.cmpi ne, %convert_element_type3A_268, %cond3A_269 : i32
      scf.if %cond3A_270 {
        %dma_wait3A_351 = arith.constant 0 : i32
        %dma_wait3A_352 = tpu.memref_slice %arg7[%add3A_252, %dma_wait3A_351] : memref<128x128xi32, #tpu.memory_space<vmem>> -> memref<1x128xi32, #tpu.memory_space<vmem>>
        %dma_wait3A_353 = tpu.memref_squeeze %dma_wait3A_352 : memref<1x128xi32, #tpu.memory_space<vmem>> -> memref<128xi32, #tpu.memory_space<vmem>>
        %dma_wait3A_354 = arith.constant 0 : i32
        %dma_wait3A_355 = arith.constant 0 : i32
        %dma_wait3A_356 = tpu.memref_slice %arg16[%dma_wait3A_354, %dma_wait3A_355] : memref<10112x48xf32, #tpu.memory_space<vmem_shared>> -> memref<10112x48xf32, #tpu.memory_space<vmem_shared>>
        tpu.wait_indirect_dma semaphore(%arg31 : memref<!tpu.dma_semaphore, #tpu.memory_space<semaphore_mem>>) src(%arg11 : memref<128x48xf32, #tpu.memory_space<vmem>>) dst(%dma_wait3A_356 : memref<10112x48xf32, #tpu.memory_space<vmem_shared>>)
        %dma_start3A_357 = arith.constant 0 : i32
        %dma_start3A_358 = tpu.memref_slice %arg6[%add3A_266, %dma_start3A_357] : memref<128x128xi32, #tpu.memory_space<vmem>> -> memref<1x128xi32, #tpu.memory_space<vmem>>
        %dma_start3A_359 = tpu.memref_squeeze %dma_start3A_358 : memref<1x128xi32, #tpu.memory_space<vmem>> -> memref<128xi32, #tpu.memory_space<vmem>>
        %dma_start3A_360 = arith.constant 0 : i32
        %dma_start3A_361 = arith.constant 0 : i32
        %dma_start3A_362 = tpu.memref_slice %arg2[%dma_start3A_360, %dma_start3A_361] : memref<10000x48xf32, #tpu.memory_space<hbm>> -> memref<10000x48xf32, #tpu.memory_space<hbm>>
        tpu.enqueue_indirect_dma source(%dma_start3A_362 : memref<10000x48xf32, #tpu.memory_space<hbm>>) target(%arg11 : memref<128x48xf32, #tpu.memory_space<vmem>>) offsets(%dma_start3A_359 : memref<128xi32, #tpu.memory_space<vmem>>) semaphore(%arg23 : memref<!tpu.dma_semaphore, #tpu.memory_space<semaphore_mem>>)
      } else {
      }
      %add3A_271 = arith.constant 4 : i32
      %add3A_272 = arith.addi %mul3A_191, %add3A_271 : i32
      %dma_wait3A_273 = arith.constant 0 : i32
      %dma_wait3A_274 = tpu.memref_slice %arg6[%add3A_272, %dma_wait3A_273] : memref<128x128xi32, #tpu.memory_space<vmem>> -> memref<1x128xi32, #tpu.memory_space<vmem>>
      %dma_wait3A_275 = tpu.memref_squeeze %dma_wait3A_274 : memref<1x128xi32, #tpu.memory_space<vmem>> -> memref<128xi32, #tpu.memory_space<vmem>>
      %dma_wait3A_276 = arith.constant 0 : i32
      %dma_wait3A_277 = arith.constant 0 : i32
      %dma_wait3A_278 = tpu.memref_slice %arg2[%dma_wait3A_276, %dma_wait3A_277] : memref<10000x48xf32, #tpu.memory_space<hbm>> -> memref<10000x48xf32, #tpu.memory_space<hbm>>
      tpu.wait_indirect_dma semaphore(%arg24 : memref<!tpu.dma_semaphore, #tpu.memory_space<semaphore_mem>>) src(%dma_wait3A_278 : memref<10000x48xf32, #tpu.memory_space<hbm>>) dst(%arg12 : memref<128x48xf32, #tpu.memory_space<vmem>>)
      %dma_start3A_279 = arith.constant 0 : i32
      %dma_start3A_280 = tpu.memref_slice %arg7[%add3A_272, %dma_start3A_279] : memref<128x128xi32, #tpu.memory_space<vmem>> -> memref<1x128xi32, #tpu.memory_space<vmem>>
      %dma_start3A_281 = tpu.memref_squeeze %dma_start3A_280 : memref<1x128xi32, #tpu.memory_space<vmem>> -> memref<128xi32, #tpu.memory_space<vmem>>
      %dma_start3A_282 = arith.constant 0 : i32
      %dma_start3A_283 = arith.constant 0 : i32
      %dma_start3A_284 = tpu.memref_slice %arg16[%dma_start3A_282, %dma_start3A_283] : memref<10112x48xf32, #tpu.memory_space<vmem_shared>> -> memref<10112x48xf32, #tpu.memory_space<vmem_shared>>
      tpu.enqueue_indirect_dma source(%arg12 : memref<128x48xf32, #tpu.memory_space<vmem>>) target(%dma_start3A_284 : memref<10112x48xf32, #tpu.memory_space<vmem_shared>>) offsets(%dma_start3A_281 : memref<128xi32, #tpu.memory_space<vmem>>) semaphore(%arg32 : memref<!tpu.dma_semaphore, #tpu.memory_space<semaphore_mem>>) {add = true}
      %add3A_285 = arith.constant 8 : i32
      %add3A_286 = arith.addi %add3A_272, %add3A_285 : i32
      %lt3A_287 = arith.cmpi slt, %add3A_286, %select_n3A : i32
      %convert_element_type3A_288 = arith.extui %lt3A_287 : i1 to i32
      %cond3A_289 = arith.constant 0 : i32
      %cond3A_290 = arith.cmpi ne, %convert_element_type3A_288, %cond3A_289 : i32
      scf.if %cond3A_290 {
        %dma_wait3A_351 = arith.constant 0 : i32
        %dma_wait3A_352 = tpu.memref_slice %arg7[%add3A_272, %dma_wait3A_351] : memref<128x128xi32, #tpu.memory_space<vmem>> -> memref<1x128xi32, #tpu.memory_space<vmem>>
        %dma_wait3A_353 = tpu.memref_squeeze %dma_wait3A_352 : memref<1x128xi32, #tpu.memory_space<vmem>> -> memref<128xi32, #tpu.memory_space<vmem>>
        %dma_wait3A_354 = arith.constant 0 : i32
        %dma_wait3A_355 = arith.constant 0 : i32
        %dma_wait3A_356 = tpu.memref_slice %arg16[%dma_wait3A_354, %dma_wait3A_355] : memref<10112x48xf32, #tpu.memory_space<vmem_shared>> -> memref<10112x48xf32, #tpu.memory_space<vmem_shared>>
        tpu.wait_indirect_dma semaphore(%arg32 : memref<!tpu.dma_semaphore, #tpu.memory_space<semaphore_mem>>) src(%arg12 : memref<128x48xf32, #tpu.memory_space<vmem>>) dst(%dma_wait3A_356 : memref<10112x48xf32, #tpu.memory_space<vmem_shared>>)
        %dma_start3A_357 = arith.constant 0 : i32
        %dma_start3A_358 = tpu.memref_slice %arg6[%add3A_286, %dma_start3A_357] : memref<128x128xi32, #tpu.memory_space<vmem>> -> memref<1x128xi32, #tpu.memory_space<vmem>>
        %dma_start3A_359 = tpu.memref_squeeze %dma_start3A_358 : memref<1x128xi32, #tpu.memory_space<vmem>> -> memref<128xi32, #tpu.memory_space<vmem>>
        %dma_start3A_360 = arith.constant 0 : i32
        %dma_start3A_361 = arith.constant 0 : i32
        %dma_start3A_362 = tpu.memref_slice %arg2[%dma_start3A_360, %dma_start3A_361] : memref<10000x48xf32, #tpu.memory_space<hbm>> -> memref<10000x48xf32, #tpu.memory_space<hbm>>
        tpu.enqueue_indirect_dma source(%dma_start3A_362 : memref<10000x48xf32, #tpu.memory_space<hbm>>) target(%arg12 : memref<128x48xf32, #tpu.memory_space<vmem>>) offsets(%dma_start3A_359 : memref<128xi32, #tpu.memory_space<vmem>>) semaphore(%arg24 : memref<!tpu.dma_semaphore, #tpu.memory_space<semaphore_mem>>)
      } else {
      }
      %add3A_291 = arith.constant 5 : i32
      %add3A_292 = arith.addi %mul3A_191, %add3A_291 : i32
      %dma_wait3A_293 = arith.constant 0 : i32
      %dma_wait3A_294 = tpu.memref_slice %arg6[%add3A_292, %dma_wait3A_293] : memref<128x128xi32, #tpu.memory_space<vmem>> -> memref<1x128xi32, #tpu.memory_space<vmem>>
      %dma_wait3A_295 = tpu.memref_squeeze %dma_wait3A_294 : memref<1x128xi32, #tpu.memory_space<vmem>> -> memref<128xi32, #tpu.memory_space<vmem>>
      %dma_wait3A_296 = arith.constant 0 : i32
      %dma_wait3A_297 = arith.constant 0 : i32
      %dma_wait3A_298 = tpu.memref_slice %arg2[%dma_wait3A_296, %dma_wait3A_297] : memref<10000x48xf32, #tpu.memory_space<hbm>> -> memref<10000x48xf32, #tpu.memory_space<hbm>>
      tpu.wait_indirect_dma semaphore(%arg25 : memref<!tpu.dma_semaphore, #tpu.memory_space<semaphore_mem>>) src(%dma_wait3A_298 : memref<10000x48xf32, #tpu.memory_space<hbm>>) dst(%arg13 : memref<128x48xf32, #tpu.memory_space<vmem>>)
      %dma_start3A_299 = arith.constant 0 : i32
      %dma_start3A_300 = tpu.memref_slice %arg7[%add3A_292, %dma_start3A_299] : memref<128x128xi32, #tpu.memory_space<vmem>> -> memref<1x128xi32, #tpu.memory_space<vmem>>
      %dma_start3A_301 = tpu.memref_squeeze %dma_start3A_300 : memref<1x128xi32, #tpu.memory_space<vmem>> -> memref<128xi32, #tpu.memory_space<vmem>>
      %dma_start3A_302 = arith.constant 0 : i32
      %dma_start3A_303 = arith.constant 0 : i32
      %dma_start3A_304 = tpu.memref_slice %arg16[%dma_start3A_302, %dma_start3A_303] : memref<10112x48xf32, #tpu.memory_space<vmem_shared>> -> memref<10112x48xf32, #tpu.memory_space<vmem_shared>>
      tpu.enqueue_indirect_dma source(%arg13 : memref<128x48xf32, #tpu.memory_space<vmem>>) target(%dma_start3A_304 : memref<10112x48xf32, #tpu.memory_space<vmem_shared>>) offsets(%dma_start3A_301 : memref<128xi32, #tpu.memory_space<vmem>>) semaphore(%arg33 : memref<!tpu.dma_semaphore, #tpu.memory_space<semaphore_mem>>) {add = true}
      %add3A_305 = arith.constant 8 : i32
      %add3A_306 = arith.addi %add3A_292, %add3A_305 : i32
      %lt3A_307 = arith.cmpi slt, %add3A_306, %select_n3A : i32
      %convert_element_type3A_308 = arith.extui %lt3A_307 : i1 to i32
      %cond3A_309 = arith.constant 0 : i32
      %cond3A_310 = arith.cmpi ne, %convert_element_type3A_308, %cond3A_309 : i32
      scf.if %cond3A_310 {
        %dma_wait3A_351 = arith.constant 0 : i32
        %dma_wait3A_352 = tpu.memref_slice %arg7[%add3A_292, %dma_wait3A_351] : memref<128x128xi32, #tpu.memory_space<vmem>> -> memref<1x128xi32, #tpu.memory_space<vmem>>
        %dma_wait3A_353 = tpu.memref_squeeze %dma_wait3A_352 : memref<1x128xi32, #tpu.memory_space<vmem>> -> memref<128xi32, #tpu.memory_space<vmem>>
        %dma_wait3A_354 = arith.constant 0 : i32
        %dma_wait3A_355 = arith.constant 0 : i32
        %dma_wait3A_356 = tpu.memref_slice %arg16[%dma_wait3A_354, %dma_wait3A_355] : memref<10112x48xf32, #tpu.memory_space<vmem_shared>> -> memref<10112x48xf32, #tpu.memory_space<vmem_shared>>
        tpu.wait_indirect_dma semaphore(%arg33 : memref<!tpu.dma_semaphore, #tpu.memory_space<semaphore_mem>>) src(%arg13 : memref<128x48xf32, #tpu.memory_space<vmem>>) dst(%dma_wait3A_356 : memref<10112x48xf32, #tpu.memory_space<vmem_shared>>)
        %dma_start3A_357 = arith.constant 0 : i32
        %dma_start3A_358 = tpu.memref_slice %arg6[%add3A_306, %dma_start3A_357] : memref<128x128xi32, #tpu.memory_space<vmem>> -> memref<1x128xi32, #tpu.memory_space<vmem>>
        %dma_start3A_359 = tpu.memref_squeeze %dma_start3A_358 : memref<1x128xi32, #tpu.memory_space<vmem>> -> memref<128xi32, #tpu.memory_space<vmem>>
        %dma_start3A_360 = arith.constant 0 : i32
        %dma_start3A_361 = arith.constant 0 : i32
        %dma_start3A_362 = tpu.memref_slice %arg2[%dma_start3A_360, %dma_start3A_361] : memref<10000x48xf32, #tpu.memory_space<hbm>> -> memref<10000x48xf32, #tpu.memory_space<hbm>>
        tpu.enqueue_indirect_dma source(%dma_start3A_362 : memref<10000x48xf32, #tpu.memory_space<hbm>>) target(%arg13 : memref<128x48xf32, #tpu.memory_space<vmem>>) offsets(%dma_start3A_359 : memref<128xi32, #tpu.memory_space<vmem>>) semaphore(%arg25 : memref<!tpu.dma_semaphore, #tpu.memory_space<semaphore_mem>>)
      } else {
      }
      %add3A_311 = arith.constant 6 : i32
      %add3A_312 = arith.addi %mul3A_191, %add3A_311 : i32
      %dma_wait3A_313 = arith.constant 0 : i32
      %dma_wait3A_314 = tpu.memref_slice %arg6[%add3A_312, %dma_wait3A_313] : memref<128x128xi32, #tpu.memory_space<vmem>> -> memref<1x128xi32, #tpu.memory_space<vmem>>
      %dma_wait3A_315 = tpu.memref_squeeze %dma_wait3A_314 : memref<1x128xi32, #tpu.memory_space<vmem>> -> memref<128xi32, #tpu.memory_space<vmem>>
      %dma_wait3A_316 = arith.constant 0 : i32
      %dma_wait3A_317 = arith.constant 0 : i32
      %dma_wait3A_318 = tpu.memref_slice %arg2[%dma_wait3A_316, %dma_wait3A_317] : memref<10000x48xf32, #tpu.memory_space<hbm>> -> memref<10000x48xf32, #tpu.memory_space<hbm>>
      tpu.wait_indirect_dma semaphore(%arg26 : memref<!tpu.dma_semaphore, #tpu.memory_space<semaphore_mem>>) src(%dma_wait3A_318 : memref<10000x48xf32, #tpu.memory_space<hbm>>) dst(%arg14 : memref<128x48xf32, #tpu.memory_space<vmem>>)
      %dma_start3A_319 = arith.constant 0 : i32
      %dma_start3A_320 = tpu.memref_slice %arg7[%add3A_312, %dma_start3A_319] : memref<128x128xi32, #tpu.memory_space<vmem>> -> memref<1x128xi32, #tpu.memory_space<vmem>>
      %dma_start3A_321 = tpu.memref_squeeze %dma_start3A_320 : memref<1x128xi32, #tpu.memory_space<vmem>> -> memref<128xi32, #tpu.memory_space<vmem>>
      %dma_start3A_322 = arith.constant 0 : i32
      %dma_start3A_323 = arith.constant 0 : i32
      %dma_start3A_324 = tpu.memref_slice %arg16[%dma_start3A_322, %dma_start3A_323] : memref<10112x48xf32, #tpu.memory_space<vmem_shared>> -> memref<10112x48xf32, #tpu.memory_space<vmem_shared>>
      tpu.enqueue_indirect_dma source(%arg14 : memref<128x48xf32, #tpu.memory_space<vmem>>) target(%dma_start3A_324 : memref<10112x48xf32, #tpu.memory_space<vmem_shared>>) offsets(%dma_start3A_321 : memref<128xi32, #tpu.memory_space<vmem>>) semaphore(%arg34 : memref<!tpu.dma_semaphore, #tpu.memory_space<semaphore_mem>>) {add = true}
      %add3A_325 = arith.constant 8 : i32
      %add3A_326 = arith.addi %add3A_312, %add3A_325 : i32
      %lt3A_327 = arith.cmpi slt, %add3A_326, %select_n3A : i32
      %convert_element_type3A_328 = arith.extui %lt3A_327 : i1 to i32
      %cond3A_329 = arith.constant 0 : i32
      %cond3A_330 = arith.cmpi ne, %convert_element_type3A_328, %cond3A_329 : i32
      scf.if %cond3A_330 {
        %dma_wait3A_351 = arith.constant 0 : i32
        %dma_wait3A_352 = tpu.memref_slice %arg7[%add3A_312, %dma_wait3A_351] : memref<128x128xi32, #tpu.memory_space<vmem>> -> memref<1x128xi32, #tpu.memory_space<vmem>>
        %dma_wait3A_353 = tpu.memref_squeeze %dma_wait3A_352 : memref<1x128xi32, #tpu.memory_space<vmem>> -> memref<128xi32, #tpu.memory_space<vmem>>
        %dma_wait3A_354 = arith.constant 0 : i32
        %dma_wait3A_355 = arith.constant 0 : i32
        %dma_wait3A_356 = tpu.memref_slice %arg16[%dma_wait3A_354, %dma_wait3A_355] : memref<10112x48xf32, #tpu.memory_space<vmem_shared>> -> memref<10112x48xf32, #tpu.memory_space<vmem_shared>>
        tpu.wait_indirect_dma semaphore(%arg34 : memref<!tpu.dma_semaphore, #tpu.memory_space<semaphore_mem>>) src(%arg14 : memref<128x48xf32, #tpu.memory_space<vmem>>) dst(%dma_wait3A_356 : memref<10112x48xf32, #tpu.memory_space<vmem_shared>>)
        %dma_start3A_357 = arith.constant 0 : i32
        %dma_start3A_358 = tpu.memref_slice %arg6[%add3A_326, %dma_start3A_357] : memref<128x128xi32, #tpu.memory_space<vmem>> -> memref<1x128xi32, #tpu.memory_space<vmem>>
        %dma_start3A_359 = tpu.memref_squeeze %dma_start3A_358 : memref<1x128xi32, #tpu.memory_space<vmem>> -> memref<128xi32, #tpu.memory_space<vmem>>
        %dma_start3A_360 = arith.constant 0 : i32
        %dma_start3A_361 = arith.constant 0 : i32
        %dma_start3A_362 = tpu.memref_slice %arg2[%dma_start3A_360, %dma_start3A_361] : memref<10000x48xf32, #tpu.memory_space<hbm>> -> memref<10000x48xf32, #tpu.memory_space<hbm>>
        tpu.enqueue_indirect_dma source(%dma_start3A_362 : memref<10000x48xf32, #tpu.memory_space<hbm>>) target(%arg14 : memref<128x48xf32, #tpu.memory_space<vmem>>) offsets(%dma_start3A_359 : memref<128xi32, #tpu.memory_space<vmem>>) semaphore(%arg26 : memref<!tpu.dma_semaphore, #tpu.memory_space<semaphore_mem>>)
      } else {
      }
      %add3A_331 = arith.constant 7 : i32
      %add3A_332 = arith.addi %mul3A_191, %add3A_331 : i32
      %dma_wait3A_333 = arith.constant 0 : i32
      %dma_wait3A_334 = tpu.memref_slice %arg6[%add3A_332, %dma_wait3A_333] : memref<128x128xi32, #tpu.memory_space<vmem>> -> memref<1x128xi32, #tpu.memory_space<vmem>>
      %dma_wait3A_335 = tpu.memref_squeeze %dma_wait3A_334 : memref<1x128xi32, #tpu.memory_space<vmem>> -> memref<128xi32, #tpu.memory_space<vmem>>
      %dma_wait3A_336 = arith.constant 0 : i32
      %dma_wait3A_337 = arith.constant 0 : i32
      %dma_wait3A_338 = tpu.memref_slice %arg2[%dma_wait3A_336, %dma_wait3A_337] : memref<10000x48xf32, #tpu.memory_space<hbm>> -> memref<10000x48xf32, #tpu.memory_space<hbm>>
      tpu.wait_indirect_dma semaphore(%arg27 : memref<!tpu.dma_semaphore, #tpu.memory_space<semaphore_mem>>) src(%dma_wait3A_338 : memref<10000x48xf32, #tpu.memory_space<hbm>>) dst(%arg15 : memref<128x48xf32, #tpu.memory_space<vmem>>)
      %dma_start3A_339 = arith.constant 0 : i32
      %dma_start3A_340 = tpu.memref_slice %arg7[%add3A_332, %dma_start3A_339] : memref<128x128xi32, #tpu.memory_space<vmem>> -> memref<1x128xi32, #tpu.memory_space<vmem>>
      %dma_start3A_341 = tpu.memref_squeeze %dma_start3A_340 : memref<1x128xi32, #tpu.memory_space<vmem>> -> memref<128xi32, #tpu.memory_space<vmem>>
      %dma_start3A_342 = arith.constant 0 : i32
      %dma_start3A_343 = arith.constant 0 : i32
      %dma_start3A_344 = tpu.memref_slice %arg16[%dma_start3A_342, %dma_start3A_343] : memref<10112x48xf32, #tpu.memory_space<vmem_shared>> -> memref<10112x48xf32, #tpu.memory_space<vmem_shared>>
      tpu.enqueue_indirect_dma source(%arg15 : memref<128x48xf32, #tpu.memory_space<vmem>>) target(%dma_start3A_344 : memref<10112x48xf32, #tpu.memory_space<vmem_shared>>) offsets(%dma_start3A_341 : memref<128xi32, #tpu.memory_space<vmem>>) semaphore(%arg35 : memref<!tpu.dma_semaphore, #tpu.memory_space<semaphore_mem>>) {add = true}
      %add3A_345 = arith.constant 8 : i32
      %add3A_346 = arith.addi %add3A_332, %add3A_345 : i32
      %lt3A_347 = arith.cmpi slt, %add3A_346, %select_n3A : i32
      %convert_element_type3A_348 = arith.extui %lt3A_347 : i1 to i32
      %cond3A_349 = arith.constant 0 : i32
      %cond3A_350 = arith.cmpi ne, %convert_element_type3A_348, %cond3A_349 : i32
      scf.if %cond3A_350 {
        %dma_wait3A_351 = arith.constant 0 : i32
        %dma_wait3A_352 = tpu.memref_slice %arg7[%add3A_332, %dma_wait3A_351] : memref<128x128xi32, #tpu.memory_space<vmem>> -> memref<1x128xi32, #tpu.memory_space<vmem>>
        %dma_wait3A_353 = tpu.memref_squeeze %dma_wait3A_352 : memref<1x128xi32, #tpu.memory_space<vmem>> -> memref<128xi32, #tpu.memory_space<vmem>>
        %dma_wait3A_354 = arith.constant 0 : i32
        %dma_wait3A_355 = arith.constant 0 : i32
        %dma_wait3A_356 = tpu.memref_slice %arg16[%dma_wait3A_354, %dma_wait3A_355] : memref<10112x48xf32, #tpu.memory_space<vmem_shared>> -> memref<10112x48xf32, #tpu.memory_space<vmem_shared>>
        tpu.wait_indirect_dma semaphore(%arg35 : memref<!tpu.dma_semaphore, #tpu.memory_space<semaphore_mem>>) src(%arg15 : memref<128x48xf32, #tpu.memory_space<vmem>>) dst(%dma_wait3A_356 : memref<10112x48xf32, #tpu.memory_space<vmem_shared>>)
        %dma_start3A_357 = arith.constant 0 : i32
        %dma_start3A_358 = tpu.memref_slice %arg6[%add3A_346, %dma_start3A_357] : memref<128x128xi32, #tpu.memory_space<vmem>> -> memref<1x128xi32, #tpu.memory_space<vmem>>
        %dma_start3A_359 = tpu.memref_squeeze %dma_start3A_358 : memref<1x128xi32, #tpu.memory_space<vmem>> -> memref<128xi32, #tpu.memory_space<vmem>>
        %dma_start3A_360 = arith.constant 0 : i32
        %dma_start3A_361 = arith.constant 0 : i32
        %dma_start3A_362 = tpu.memref_slice %arg2[%dma_start3A_360, %dma_start3A_361] : memref<10000x48xf32, #tpu.memory_space<hbm>> -> memref<10000x48xf32, #tpu.memory_space<hbm>>
        tpu.enqueue_indirect_dma source(%dma_start3A_362 : memref<10000x48xf32, #tpu.memory_space<hbm>>) target(%arg15 : memref<128x48xf32, #tpu.memory_space<vmem>>) offsets(%dma_start3A_359 : memref<128xi32, #tpu.memory_space<vmem>>) semaphore(%arg27 : memref<!tpu.dma_semaphore, #tpu.memory_space<semaphore_mem>>)
      } else {
      }
    }
    %sub3A_108 = arith.constant 8 : i32
    %sub3A_109 = arith.subi %select_n3A, %sub3A_108 : i32
    %add3A_110 = arith.constant 0 : i32
    %add3A_111 = arith.addi %sub3A_109, %add3A_110 : i32
    %dma_wait3A_112 = arith.constant 0 : i32
    %dma_wait3A_113 = tpu.memref_slice %arg7[%add3A_111, %dma_wait3A_112] : memref<128x128xi32, #tpu.memory_space<vmem>> -> memref<1x128xi32, #tpu.memory_space<vmem>>
    %dma_wait3A_114 = tpu.memref_squeeze %dma_wait3A_113 : memref<1x128xi32, #tpu.memory_space<vmem>> -> memref<128xi32, #tpu.memory_space<vmem>>
    %dma_wait3A_115 = arith.constant 0 : i32
    %dma_wait3A_116 = arith.constant 0 : i32
    %dma_wait3A_117 = tpu.memref_slice %arg16[%dma_wait3A_115, %dma_wait3A_116] : memref<10112x48xf32, #tpu.memory_space<vmem_shared>> -> memref<10112x48xf32, #tpu.memory_space<vmem_shared>>
    tpu.wait_indirect_dma semaphore(%arg28 : memref<!tpu.dma_semaphore, #tpu.memory_space<semaphore_mem>>) src(%arg8 : memref<128x48xf32, #tpu.memory_space<vmem>>) dst(%dma_wait3A_117 : memref<10112x48xf32, #tpu.memory_space<vmem_shared>>)
    %sub3A_118 = arith.constant 8 : i32
    %sub3A_119 = arith.subi %select_n3A, %sub3A_118 : i32
    %add3A_120 = arith.constant 1 : i32
    %add3A_121 = arith.addi %sub3A_119, %add3A_120 : i32
    %dma_wait3A_122 = arith.constant 0 : i32
    %dma_wait3A_123 = tpu.memref_slice %arg7[%add3A_121, %dma_wait3A_122] : memref<128x128xi32, #tpu.memory_space<vmem>> -> memref<1x128xi32, #tpu.memory_space<vmem>>
    %dma_wait3A_124 = tpu.memref_squeeze %dma_wait3A_123 : memref<1x128xi32, #tpu.memory_space<vmem>> -> memref<128xi32, #tpu.memory_space<vmem>>
    %dma_wait3A_125 = arith.constant 0 : i32
    %dma_wait3A_126 = arith.constant 0 : i32
    %dma_wait3A_127 = tpu.memref_slice %arg16[%dma_wait3A_125, %dma_wait3A_126] : memref<10112x48xf32, #tpu.memory_space<vmem_shared>> -> memref<10112x48xf32, #tpu.memory_space<vmem_shared>>
    tpu.wait_indirect_dma semaphore(%arg29 : memref<!tpu.dma_semaphore, #tpu.memory_space<semaphore_mem>>) src(%arg9 : memref<128x48xf32, #tpu.memory_space<vmem>>) dst(%dma_wait3A_127 : memref<10112x48xf32, #tpu.memory_space<vmem_shared>>)
    %sub3A_128 = arith.constant 8 : i32
    %sub3A_129 = arith.subi %select_n3A, %sub3A_128 : i32
    %add3A_130 = arith.constant 2 : i32
    %add3A_131 = arith.addi %sub3A_129, %add3A_130 : i32
    %dma_wait3A_132 = arith.constant 0 : i32
    %dma_wait3A_133 = tpu.memref_slice %arg7[%add3A_131, %dma_wait3A_132] : memref<128x128xi32, #tpu.memory_space<vmem>> -> memref<1x128xi32, #tpu.memory_space<vmem>>
    %dma_wait3A_134 = tpu.memref_squeeze %dma_wait3A_133 : memref<1x128xi32, #tpu.memory_space<vmem>> -> memref<128xi32, #tpu.memory_space<vmem>>
    %dma_wait3A_135 = arith.constant 0 : i32
    %dma_wait3A_136 = arith.constant 0 : i32
    %dma_wait3A_137 = tpu.memref_slice %arg16[%dma_wait3A_135, %dma_wait3A_136] : memref<10112x48xf32, #tpu.memory_space<vmem_shared>> -> memref<10112x48xf32, #tpu.memory_space<vmem_shared>>
    tpu.wait_indirect_dma semaphore(%arg30 : memref<!tpu.dma_semaphore, #tpu.memory_space<semaphore_mem>>) src(%arg10 : memref<128x48xf32, #tpu.memory_space<vmem>>) dst(%dma_wait3A_137 : memref<10112x48xf32, #tpu.memory_space<vmem_shared>>)
    %sub3A_138 = arith.constant 8 : i32
    %sub3A_139 = arith.subi %select_n3A, %sub3A_138 : i32
    %add3A_140 = arith.constant 3 : i32
    %add3A_141 = arith.addi %sub3A_139, %add3A_140 : i32
    %dma_wait3A_142 = arith.constant 0 : i32
    %dma_wait3A_143 = tpu.memref_slice %arg7[%add3A_141, %dma_wait3A_142] : memref<128x128xi32, #tpu.memory_space<vmem>> -> memref<1x128xi32, #tpu.memory_space<vmem>>
    %dma_wait3A_144 = tpu.memref_squeeze %dma_wait3A_143 : memref<1x128xi32, #tpu.memory_space<vmem>> -> memref<128xi32, #tpu.memory_space<vmem>>
    %dma_wait3A_145 = arith.constant 0 : i32
    %dma_wait3A_146 = arith.constant 0 : i32
    %dma_wait3A_147 = tpu.memref_slice %arg16[%dma_wait3A_145, %dma_wait3A_146] : memref<10112x48xf32, #tpu.memory_space<vmem_shared>> -> memref<10112x48xf32, #tpu.memory_space<vmem_shared>>
    tpu.wait_indirect_dma semaphore(%arg31 : memref<!tpu.dma_semaphore, #tpu.memory_space<semaphore_mem>>) src(%arg11 : memref<128x48xf32, #tpu.memory_space<vmem>>) dst(%dma_wait3A_147 : memref<10112x48xf32, #tpu.memory_space<vmem_shared>>)
    %sub3A_148 = arith.constant 8 : i32
    %sub3A_149 = arith.subi %select_n3A, %sub3A_148 : i32
    %add3A_150 = arith.constant 4 : i32
    %add3A_151 = arith.addi %sub3A_149, %add3A_150 : i32
    %dma_wait3A_152 = arith.constant 0 : i32
    %dma_wait3A_153 = tpu.memref_slice %arg7[%add3A_151, %dma_wait3A_152] : memref<128x128xi32, #tpu.memory_space<vmem>> -> memref<1x128xi32, #tpu.memory_space<vmem>>
    %dma_wait3A_154 = tpu.memref_squeeze %dma_wait3A_153 : memref<1x128xi32, #tpu.memory_space<vmem>> -> memref<128xi32, #tpu.memory_space<vmem>>
    %dma_wait3A_155 = arith.constant 0 : i32
    %dma_wait3A_156 = arith.constant 0 : i32
    %dma_wait3A_157 = tpu.memref_slice %arg16[%dma_wait3A_155, %dma_wait3A_156] : memref<10112x48xf32, #tpu.memory_space<vmem_shared>> -> memref<10112x48xf32, #tpu.memory_space<vmem_shared>>
    tpu.wait_indirect_dma semaphore(%arg32 : memref<!tpu.dma_semaphore, #tpu.memory_space<semaphore_mem>>) src(%arg12 : memref<128x48xf32, #tpu.memory_space<vmem>>) dst(%dma_wait3A_157 : memref<10112x48xf32, #tpu.memory_space<vmem_shared>>)
    %sub3A_158 = arith.constant 8 : i32
    %sub3A_159 = arith.subi %select_n3A, %sub3A_158 : i32
    %add3A_160 = arith.constant 5 : i32
    %add3A_161 = arith.addi %sub3A_159, %add3A_160 : i32
    %dma_wait3A_162 = arith.constant 0 : i32
    %dma_wait3A_163 = tpu.memref_slice %arg7[%add3A_161, %dma_wait3A_162] : memref<128x128xi32, #tpu.memory_space<vmem>> -> memref<1x128xi32, #tpu.memory_space<vmem>>
    %dma_wait3A_164 = tpu.memref_squeeze %dma_wait3A_163 : memref<1x128xi32, #tpu.memory_space<vmem>> -> memref<128xi32, #tpu.memory_space<vmem>>
    %dma_wait3A_165 = arith.constant 0 : i32
    %dma_wait3A_166 = arith.constant 0 : i32
    %dma_wait3A_167 = tpu.memref_slice %arg16[%dma_wait3A_165, %dma_wait3A_166] : memref<10112x48xf32, #tpu.memory_space<vmem_shared>> -> memref<10112x48xf32, #tpu.memory_space<vmem_shared>>
    tpu.wait_indirect_dma semaphore(%arg33 : memref<!tpu.dma_semaphore, #tpu.memory_space<semaphore_mem>>) src(%arg13 : memref<128x48xf32, #tpu.memory_space<vmem>>) dst(%dma_wait3A_167 : memref<10112x48xf32, #tpu.memory_space<vmem_shared>>)
    %sub3A_168 = arith.constant 8 : i32
    %sub3A_169 = arith.subi %select_n3A, %sub3A_168 : i32
    %add3A_170 = arith.constant 6 : i32
    %add3A_171 = arith.addi %sub3A_169, %add3A_170 : i32
    %dma_wait3A_172 = arith.constant 0 : i32
    %dma_wait3A_173 = tpu.memref_slice %arg7[%add3A_171, %dma_wait3A_172] : memref<128x128xi32, #tpu.memory_space<vmem>> -> memref<1x128xi32, #tpu.memory_space<vmem>>
    %dma_wait3A_174 = tpu.memref_squeeze %dma_wait3A_173 : memref<1x128xi32, #tpu.memory_space<vmem>> -> memref<128xi32, #tpu.memory_space<vmem>>
    %dma_wait3A_175 = arith.constant 0 : i32
    %dma_wait3A_176 = arith.constant 0 : i32
    %dma_wait3A_177 = tpu.memref_slice %arg16[%dma_wait3A_175, %dma_wait3A_176] : memref<10112x48xf32, #tpu.memory_space<vmem_shared>> -> memref<10112x48xf32, #tpu.memory_space<vmem_shared>>
    tpu.wait_indirect_dma semaphore(%arg34 : memref<!tpu.dma_semaphore, #tpu.memory_space<semaphore_mem>>) src(%arg14 : memref<128x48xf32, #tpu.memory_space<vmem>>) dst(%dma_wait3A_177 : memref<10112x48xf32, #tpu.memory_space<vmem_shared>>)
    %sub3A_178 = arith.constant 8 : i32
    %sub3A_179 = arith.subi %select_n3A, %sub3A_178 : i32
    %add3A_180 = arith.constant 7 : i32
    %add3A_181 = arith.addi %sub3A_179, %add3A_180 : i32
    %dma_wait3A_182 = arith.constant 0 : i32
    %dma_wait3A_183 = tpu.memref_slice %arg7[%add3A_181, %dma_wait3A_182] : memref<128x128xi32, #tpu.memory_space<vmem>> -> memref<1x128xi32, #tpu.memory_space<vmem>>
    %dma_wait3A_184 = tpu.memref_squeeze %dma_wait3A_183 : memref<1x128xi32, #tpu.memory_space<vmem>> -> memref<128xi32, #tpu.memory_space<vmem>>
    %dma_wait3A_185 = arith.constant 0 : i32
    %dma_wait3A_186 = arith.constant 0 : i32
    %dma_wait3A_187 = tpu.memref_slice %arg16[%dma_wait3A_185, %dma_wait3A_186] : memref<10112x48xf32, #tpu.memory_space<vmem_shared>> -> memref<10112x48xf32, #tpu.memory_space<vmem_shared>>
    tpu.wait_indirect_dma semaphore(%arg35 : memref<!tpu.dma_semaphore, #tpu.memory_space<semaphore_mem>>) src(%arg15 : memref<128x48xf32, #tpu.memory_space<vmem>>) dst(%dma_wait3A_187 : memref<10112x48xf32, #tpu.memory_space<vmem_shared>>)
    %barrier3A_188 = arith.constant 0 : index
    tpu.barrier barrier_id(%barrier3A_188)
    "tpu.region"() ({
      %run_scoped3A = tpu.sem_alloc : memref<!tpu.dma_semaphore, #tpu.memory_space<semaphore_mem>>
      %dma_start3A_189 = arith.constant 0 : i32
      %dma_start3A_190 = tpu.memref_slice %arg5[%arg0, %mul3A_0, %dma_start3A_189] : memref<2x10112x48xf32, #tpu.memory_space<hbm>> -> memref<1x632x48xf32, #tpu.memory_space<hbm>>
      %dma_start3A_191 = tpu.memref_squeeze %dma_start3A_190 : memref<1x632x48xf32, #tpu.memory_space<hbm>> -> memref<632x48xf32, #tpu.memory_space<hbm>>
      %dma_start3A_192 = arith.constant 0 : i32
      %dma_start3A_193 = tpu.memref_slice %arg16[%mul3A_0, %dma_start3A_192] : memref<10112x48xf32, #tpu.memory_space<vmem_shared>> -> memref<632x48xf32, #tpu.memory_space<vmem_shared>>
      tpu.enqueue_dma source(%dma_start3A_193 : memref<632x48xf32, #tpu.memory_space<vmem_shared>>) target(%dma_start3A_191 : memref<632x48xf32, #tpu.memory_space<hbm>>) target_semaphore(%run_scoped3A : memref<!tpu.dma_semaphore, #tpu.memory_space<semaphore_mem>>)
      %dma_wait3A_194 = arith.constant 0 : i32
      %dma_wait3A_195 = tpu.memref_slice %arg5[%arg0, %mul3A_0, %dma_wait3A_194] : memref<2x10112x48xf32, #tpu.memory_space<hbm>> -> memref<1x632x48xf32, #tpu.memory_space<hbm>>
      %dma_wait3A_196 = tpu.memref_squeeze %dma_wait3A_195 : memref<1x632x48xf32, #tpu.memory_space<hbm>> -> memref<632x48xf32, #tpu.memory_space<hbm>>
      %dma_wait3A_197 = arith.constant 0 : i32
      %dma_wait3A_198 = tpu.memref_slice %arg16[%mul3A_0, %dma_wait3A_197] : memref<10112x48xf32, #tpu.memory_space<vmem_shared>> -> memref<632x48xf32, #tpu.memory_space<vmem_shared>>
      tpu.wait_dma2 semaphore(%run_scoped3A : memref<!tpu.dma_semaphore, #tpu.memory_space<semaphore_mem>>) src(%dma_wait3A_198 : memref<632x48xf32, #tpu.memory_space<vmem_shared>>) dst(%dma_wait3A_196 : memref<632x48xf32, #tpu.memory_space<hbm>>)
      tpu.yield
    }) : () -> ()
    return
  }
}

module attributes {stable_mosaic.version = 14 : i64} {
  func.func @body(%arg0: i32, %arg1: memref<2000x128xf32, #tpu.memory_space<vmem>>, %arg2: memref<128x48xf32, #tpu.memory_space<vmem>>, %arg3: memref<128x48xf32, #tpu.memory_space<vmem>>, %arg4: memref<1x48xf32, #tpu.memory_space<vmem>>, %arg5: memref<2000x48xf32, #tpu.memory_space<vmem>>, %arg6: memref<2000x48xf32, #tpu.memory_space<vmem>>) attributes {dimension_semantics = [#tpu.dimension_semantics<arbitrary>], iteration_bounds = array<i64: 5>, scalar_prefetch = 0 : i64, scratch_operands = 0 : i64, tpu.core_type = #tpu.core_type<tc>, window_params = [{transform_indices = @transform_0, window_bounds = array<i64: 2000, 128>}, {pipeline_mode = #tpu.pipeline_mode<synchronous>, transform_indices = @transform_1, window_bounds = array<i64: 128, 48>}, {pipeline_mode = #tpu.pipeline_mode<synchronous>, transform_indices = @transform_2, window_bounds = array<i64: 128, 48>}, {pipeline_mode = #tpu.pipeline_mode<synchronous>, transform_indices = @transform_3, window_bounds = array<i64: 1, 48>}, {transform_indices = @transform_4, window_bounds = array<i64: 2000, 48>}, {transform_indices = @transform_5, window_bounds = array<i64: 2000, 48>}]} {
    %get3A = arith.constant 0 : index
    %get3A_0 = arith.constant 0 : index
    %get3A_1 = vector.load %arg1[%get3A, %get3A_0] : memref<2000x128xf32, #tpu.memory_space<vmem>>, vector<2000x128xf32>
    %get3A_2 = arith.constant 0 : index
    %get3A_3 = arith.constant 0 : index
    %get3A_4 = vector.load %arg2[%get3A_2, %get3A_3] : memref<128x48xf32, #tpu.memory_space<vmem>>, vector<128x48xf32>
    %dot_general3A = arith.constant dense<0.000000e+00> : vector<2000x48xf32>
    %dot_general3A_5 = tpu.matmul %get3A_1, %get3A_4, %dot_general3A {dimension_numbers = #tpu.dot_dimension_numbers<[1], [0], [0], [1], [0, 0, 1, 1], [], []>, transpose_lhs_hint = false} : vector<2000x128xf32>, vector<128x48xf32>, vector<2000x48xf32> -> vector<2000x48xf32>
    %swap3A = arith.constant 0 : index
    %swap3A_6 = arith.constant 0 : index
    %swap3A_7 = vector.load %arg5[%swap3A, %swap3A_6] : memref<2000x48xf32, #tpu.memory_space<vmem>>, vector<2000x48xf32>
    tpu.vector_store %arg5[%swap3A, %swap3A_6], %dot_general3A_5 {strides = array<i32>} : memref<2000x48xf32, #tpu.memory_space<vmem>>, vector<2000x48xf32>,
    %get3A_8 = arith.constant 0 : index
    %get3A_9 = arith.constant 0 : index
    %get3A_10 = vector.load %arg3[%get3A_8, %get3A_9] : memref<128x48xf32, #tpu.memory_space<vmem>>, vector<128x48xf32>
    %dot_general3A_11 = arith.constant dense<0.000000e+00> : vector<2000x48xf32>
    %dot_general3A_12 = tpu.matmul %get3A_1, %get3A_10, %dot_general3A_11 {dimension_numbers = #tpu.dot_dimension_numbers<[1], [0], [0], [1], [0, 0, 1, 1], [], []>, transpose_lhs_hint = false} : vector<2000x128xf32>, vector<128x48xf32>, vector<2000x48xf32> -> vector<2000x48xf32>
    %get3A_13 = arith.constant 0 : index
    %get3A_14 = arith.constant 0 : index
    %get3A_15 = vector.load %arg4[%get3A_13, %get3A_14] : memref<1x48xf32, #tpu.memory_space<vmem>>, vector<1x48xf32>
    %add3A = vector.broadcast %get3A_15 : vector<1x48xf32> to vector<2000x48xf32>
    %add3A_16 = arith.addf %dot_general3A_12, %add3A : vector<2000x48xf32>
    %swap3A_17 = arith.constant 0 : index
    %swap3A_18 = arith.constant 0 : index
    %swap3A_19 = vector.load %arg6[%swap3A_17, %swap3A_18] : memref<2000x48xf32, #tpu.memory_space<vmem>>, vector<2000x48xf32>
    tpu.vector_store %arg6[%swap3A_17, %swap3A_18], %add3A_16 {strides = array<i32>} : memref<2000x48xf32, #tpu.memory_space<vmem>>, vector<2000x48xf32>,
    return
  }
  func.func @transform_0(%arg0: i32) -> (i32, i32) {
    %c0_i32 = arith.constant 0 : i32
    %c0_i32_0 = arith.constant 0 : i32
    return %arg0, %c0_i32 : i32, i32
  }
  func.func @transform_1(%arg0: i32) -> (i32, i32) {
    %c0_i32 = arith.constant 0 : i32
    %c0_i32_0 = arith.constant 0 : i32
    %c0_i32_1 = arith.constant 0 : i32
    return %c0_i32, %c0_i32_0 : i32, i32
  }
  func.func @transform_2(%arg0: i32) -> (i32, i32) {
    %c0_i32 = arith.constant 0 : i32
    %c0_i32_0 = arith.constant 0 : i32
    %c0_i32_1 = arith.constant 0 : i32
    return %c0_i32, %c0_i32_0 : i32, i32
  }
  func.func @transform_3(%arg0: i32) -> (i32, i32) {
    %c0_i32 = arith.constant 0 : i32
    %c0_i32_0 = arith.constant 0 : i32
    %c0_i32_1 = arith.constant 0 : i32
    return %c0_i32, %c0_i32_0 : i32, i32
  }
  func.func @transform_4(%arg0: i32) -> (i32, i32) {
    %c0_i32 = arith.constant 0 : i32
    %c0_i32_0 = arith.constant 0 : i32
    return %arg0, %c0_i32 : i32, i32
  }
  func.func @transform_5(%arg0: i32) -> (i32, i32) {
    %c0_i32 = arith.constant 0 : i32
    %c0_i32_0 = arith.constant 0 : i32
    return %arg0, %c0_i32 : i32, i32
  }
}

module attributes {stable_mosaic.version = 14 : i64} {
  func.func @body(%arg0: i32, %arg1: memref<1x2000x48xf32, #tpu.memory_space<vmem>>, %arg2: memref<1x2000x48xf32, #tpu.memory_space<vmem>>, %arg3: memref<2000x48xf32, #tpu.memory_space<vmem>>, %arg4: memref<1x48xf32, #tpu.memory_space<vmem>>, %arg5: memref<48x48xf32, #tpu.memory_space<vmem>>, %arg6: memref<48x48xf32, #tpu.memory_space<vmem>>, %arg7: memref<1x48xf32, #tpu.memory_space<vmem>>, %arg8: memref<2000x48xf32, #tpu.memory_space<vmem>>, %arg9: memref<2000x48xf32, #tpu.memory_space<vmem>>) attributes {dimension_semantics = [#tpu.dimension_semantics<arbitrary>], iteration_bounds = array<i64: 5>, scalar_prefetch = 0 : i64, scratch_operands = 0 : i64, tpu.core_type = #tpu.core_type<tc>, window_params = [{transform_indices = @transform_0, window_bounds = array<i64: 1, 2000, 48>}, {transform_indices = @transform_1, window_bounds = array<i64: 1, 2000, 48>}, {transform_indices = @transform_2, window_bounds = array<i64: 2000, 48>}, {pipeline_mode = #tpu.pipeline_mode<synchronous>, transform_indices = @transform_3, window_bounds = array<i64: 1, 48>}, {pipeline_mode = #tpu.pipeline_mode<synchronous>, transform_indices = @transform_4, window_bounds = array<i64: 48, 48>}, {pipeline_mode = #tpu.pipeline_mode<synchronous>, transform_indices = @transform_5, window_bounds = array<i64: 48, 48>}, {pipeline_mode = #tpu.pipeline_mode<synchronous>, transform_indices = @transform_6, window_bounds = array<i64: 1, 48>}, {transform_indices = @transform_7, window_bounds = array<i64: 2000, 48>}, {transform_indices = @transform_8, window_bounds = array<i64: 2000, 48>}]} {
    %get3A = arith.constant 0 : index
    %get3A_0 = arith.constant 0 : index
    %get3A_1 = arith.constant 0 : index
    %get3A_2 = vector.load %arg1[%get3A, %get3A_0, %get3A_1] : memref<1x2000x48xf32, #tpu.memory_space<vmem>>, vector<1x2000x48xf32>
    %get3A_3 = vector.shape_cast %get3A_2 : vector<1x2000x48xf32> to vector<2000x48xf32>
    %get3A_4 = arith.constant 0 : index
    %get3A_5 = arith.constant 0 : index
    %get3A_6 = arith.constant 0 : index
    %get3A_7 = vector.load %arg2[%get3A_4, %get3A_5, %get3A_6] : memref<1x2000x48xf32, #tpu.memory_space<vmem>>, vector<1x2000x48xf32>
    %get3A_8 = vector.shape_cast %get3A_7 : vector<1x2000x48xf32> to vector<2000x48xf32>
    %add3A = arith.addf %get3A_3, %get3A_8 : vector<2000x48xf32>
    %get3A_9 = arith.constant 0 : index
    %get3A_10 = arith.constant 0 : index
    %get3A_11 = vector.load %arg3[%get3A_9, %get3A_10] : memref<2000x48xf32, #tpu.memory_space<vmem>>, vector<2000x48xf32>
    %add3A_12 = arith.addf %add3A, %get3A_11 : vector<2000x48xf32>
    %ge3A = arith.constant 0.000000e+00 : f32
    %ge3A_13 = vector.broadcast %ge3A : f32 to vector<2000x48xf32>
    %ge3A_14 = arith.cmpf oge, %add3A_12, %ge3A_13 : vector<2000x48xf32>
    %get3A_15 = arith.constant 0 : index
    %get3A_16 = arith.constant 0 : index
    %get3A_17 = vector.load %arg4[%get3A_15, %get3A_16] : memref<1x48xf32, #tpu.memory_space<vmem>>, vector<1x48xf32>
    %mul3A = vector.broadcast %get3A_17 : vector<1x48xf32> to vector<2000x48xf32>
    %mul3A_18 = arith.mulf %mul3A, %add3A_12 : vector<2000x48xf32>
    %select_n3A = arith.select %ge3A_14, %add3A_12, %mul3A_18 : vector<2000x48xi1>, vector<2000x48xf32>
    %get3A_19 = arith.constant 0 : index
    %get3A_20 = arith.constant 0 : index
    %get3A_21 = vector.load %arg5[%get3A_19, %get3A_20] : memref<48x48xf32, #tpu.memory_space<vmem>>, vector<48x48xf32>
    %dot_general3A = arith.constant dense<0.000000e+00> : vector<2000x48xf32>
    %dot_general3A_22 = tpu.matmul %select_n3A, %get3A_21, %dot_general3A {dimension_numbers = #tpu.dot_dimension_numbers<[1], [0], [0], [1], [0, 0, 1, 1], [], []>, transpose_lhs_hint = false} : vector<2000x48xf32>, vector<48x48xf32>, vector<2000x48xf32> -> vector<2000x48xf32>
    %swap3A = arith.constant 0 : index
    %swap3A_23 = arith.constant 0 : index
    %swap3A_24 = vector.load %arg8[%swap3A, %swap3A_23] : memref<2000x48xf32, #tpu.memory_space<vmem>>, vector<2000x48xf32>
    tpu.vector_store %arg8[%swap3A, %swap3A_23], %dot_general3A_22 {strides = array<i32>} : memref<2000x48xf32, #tpu.memory_space<vmem>>, vector<2000x48xf32>,
    %get3A_25 = arith.constant 0 : index
    %get3A_26 = arith.constant 0 : index
    %get3A_27 = vector.load %arg6[%get3A_25, %get3A_26] : memref<48x48xf32, #tpu.memory_space<vmem>>, vector<48x48xf32>
    %dot_general3A_28 = arith.constant dense<0.000000e+00> : vector<2000x48xf32>
    %dot_general3A_29 = tpu.matmul %select_n3A, %get3A_27, %dot_general3A_28 {dimension_numbers = #tpu.dot_dimension_numbers<[1], [0], [0], [1], [0, 0, 1, 1], [], []>, transpose_lhs_hint = false} : vector<2000x48xf32>, vector<48x48xf32>, vector<2000x48xf32> -> vector<2000x48xf32>
    %get3A_30 = arith.constant 0 : index
    %get3A_31 = arith.constant 0 : index
    %get3A_32 = vector.load %arg7[%get3A_30, %get3A_31] : memref<1x48xf32, #tpu.memory_space<vmem>>, vector<1x48xf32>
    %add3A_33 = vector.broadcast %get3A_32 : vector<1x48xf32> to vector<2000x48xf32>
    %add3A_34 = arith.addf %dot_general3A_29, %add3A_33 : vector<2000x48xf32>
    %swap3A_35 = arith.constant 0 : index
    %swap3A_36 = arith.constant 0 : index
    %swap3A_37 = vector.load %arg9[%swap3A_35, %swap3A_36] : memref<2000x48xf32, #tpu.memory_space<vmem>>, vector<2000x48xf32>
    tpu.vector_store %arg9[%swap3A_35, %swap3A_36], %add3A_34 {strides = array<i32>} : memref<2000x48xf32, #tpu.memory_space<vmem>>, vector<2000x48xf32>,
    return
  }
  func.func @transform_0(%arg0: i32) -> (i32, i32, i32) {
    %c0_i32 = arith.constant 0 : i32
    %c0_i32_0 = arith.constant 0 : i32
    %c0_i32_1 = arith.constant 0 : i32
    return %c0_i32, %arg0, %c0_i32_0 : i32, i32, i32
  }
  func.func @transform_1(%arg0: i32) -> (i32, i32, i32) {
    %c1_i32 = arith.constant 1 : i32
    %c0_i32 = arith.constant 0 : i32
    %c0_i32_0 = arith.constant 0 : i32
    return %c1_i32, %arg0, %c0_i32 : i32, i32, i32
  }
  func.func @transform_2(%arg0: i32) -> (i32, i32) {
    %c0_i32 = arith.constant 0 : i32
    %c0_i32_0 = arith.constant 0 : i32
    return %arg0, %c0_i32 : i32, i32
  }
  func.func @transform_3(%arg0: i32) -> (i32, i32) {
    %c0_i32 = arith.constant 0 : i32
    %c0_i32_0 = arith.constant 0 : i32
    %c0_i32_1 = arith.constant 0 : i32
    return %c0_i32, %c0_i32_0 : i32, i32
  }
  func.func @transform_4(%arg0: i32) -> (i32, i32) {
    %c0_i32 = arith.constant 0 : i32
    %c0_i32_0 = arith.constant 0 : i32
    %c0_i32_1 = arith.constant 0 : i32
    return %c0_i32, %c0_i32_0 : i32, i32
  }
  func.func @transform_5(%arg0: i32) -> (i32, i32) {
    %c0_i32 = arith.constant 0 : i32
    %c0_i32_0 = arith.constant 0 : i32
    %c0_i32_1 = arith.constant 0 : i32
    return %c0_i32, %c0_i32_0 : i32, i32
  }
  func.func @transform_6(%arg0: i32) -> (i32, i32) {
    %c0_i32 = arith.constant 0 : i32
    %c0_i32_0 = arith.constant 0 : i32
    %c0_i32_1 = arith.constant 0 : i32
    return %c0_i32, %c0_i32_0 : i32, i32
  }
  func.func @transform_7(%arg0: i32) -> (i32, i32) {
    %c0_i32 = arith.constant 0 : i32
    %c0_i32_0 = arith.constant 0 : i32
    return %arg0, %c0_i32 : i32, i32
  }
  func.func @transform_8(%arg0: i32) -> (i32, i32) {
    %c0_i32 = arith.constant 0 : i32
    %c0_i32_0 = arith.constant 0 : i32
    return %arg0, %c0_i32 : i32, i32
  }
}

module attributes {stable_mosaic.version = 14 : i64} {
  func.func @body(%arg0: i32, %arg1: memref<1x2000x48xf32, #tpu.memory_space<vmem>>, %arg2: memref<1x2000x48xf32, #tpu.memory_space<vmem>>, %arg3: memref<2000x48xf32, #tpu.memory_space<vmem>>, %arg4: memref<1x48xf32, #tpu.memory_space<vmem>>, %arg5: memref<1x1x2000xi32, #tpu.memory_space<vmem>>, %arg6: memref<48x1xf32, #tpu.memory_space<vmem>>, %arg7: memref<1x1xf32, #tpu.memory_space<vmem>>, %arg8: memref<64x1xf32, #tpu.memory_space<vmem>>, %arg9: memref<64x48xf32, #tpu.memory_space<vmem>>, %arg10: memref<64x1xf32, #tpu.memory_space<vmem>>) attributes {dimension_semantics = [#tpu.dimension_semantics<arbitrary>], iteration_bounds = array<i64: 5>, scalar_prefetch = 0 : i64, scratch_operands = 2 : i64, tpu.core_type = #tpu.core_type<tc>, window_params = [{transform_indices = @transform_0, window_bounds = array<i64: 1, 2000, 48>}, {transform_indices = @transform_1, window_bounds = array<i64: 1, 2000, 48>}, {transform_indices = @transform_2, window_bounds = array<i64: 2000, 48>}, {pipeline_mode = #tpu.pipeline_mode<synchronous>, transform_indices = @transform_3, window_bounds = array<i64: 1, 48>}, {transform_indices = @transform_4, window_bounds = array<i64: 1, 1, 2000>}, {pipeline_mode = #tpu.pipeline_mode<synchronous>, transform_indices = @transform_5, window_bounds = array<i64: 48, 1>}, {pipeline_mode = #tpu.pipeline_mode<synchronous>, transform_indices = @transform_6, window_bounds = array<i64: 1, 1>}, {pipeline_mode = #tpu.pipeline_mode<synchronous>, transform_indices = @transform_7, window_bounds = array<i64: 64, 1>}]} {
    %get3A = arith.constant 0 : index
    %get3A_0 = arith.constant 0 : index
    %get3A_1 = arith.constant 0 : index
    %get3A_2 = vector.load %arg1[%get3A, %get3A_0, %get3A_1] : memref<1x2000x48xf32, #tpu.memory_space<vmem>>, vector<1x2000x48xf32>
    %get3A_3 = vector.shape_cast %get3A_2 : vector<1x2000x48xf32> to vector<2000x48xf32>
    %get3A_4 = arith.constant 0 : index
    %get3A_5 = arith.constant 0 : index
    %get3A_6 = arith.constant 0 : index
    %get3A_7 = vector.load %arg2[%get3A_4, %get3A_5, %get3A_6] : memref<1x2000x48xf32, #tpu.memory_space<vmem>>, vector<1x2000x48xf32>
    %get3A_8 = vector.shape_cast %get3A_7 : vector<1x2000x48xf32> to vector<2000x48xf32>
    %add3A = arith.addf %get3A_3, %get3A_8 : vector<2000x48xf32>
    %get3A_9 = arith.constant 0 : index
    %get3A_10 = arith.constant 0 : index
    %get3A_11 = vector.load %arg3[%get3A_9, %get3A_10] : memref<2000x48xf32, #tpu.memory_space<vmem>>, vector<2000x48xf32>
    %add3A_12 = arith.addf %add3A, %get3A_11 : vector<2000x48xf32>
    %ge3A = arith.constant 0.000000e+00 : f32
    %ge3A_13 = vector.broadcast %ge3A : f32 to vector<2000x48xf32>
    %ge3A_14 = arith.cmpf oge, %add3A_12, %ge3A_13 : vector<2000x48xf32>
    %get3A_15 = arith.constant 0 : index
    %get3A_16 = arith.constant 0 : index
    %get3A_17 = vector.load %arg4[%get3A_15, %get3A_16] : memref<1x48xf32, #tpu.memory_space<vmem>>, vector<1x48xf32>
    %mul3A = vector.broadcast %get3A_17 : vector<1x48xf32> to vector<2000x48xf32>
    %mul3A_18 = arith.mulf %mul3A, %add3A_12 : vector<2000x48xf32>
    %select_n3A = arith.select %ge3A_14, %add3A_12, %mul3A_18 : vector<2000x48xi1>, vector<2000x48xf32>
    %get3A_19 = arith.constant 0 : index
    %get3A_20 = arith.constant 0 : index
    %get3A_21 = arith.constant 0 : index
    %get3A_22 = vector.load %arg5[%get3A_19, %get3A_20, %get3A_21] : memref<1x1x2000xi32, #tpu.memory_space<vmem>>, vector<1x1x2000xi32>
    %get3A_23 = vector.shape_cast %get3A_22 : vector<1x1x2000xi32> to vector<1x2000xi32>
    %iota3A = tpu.iota {dimensions = array<i32: 0>} : vector<64x2000xi32>
    %eq3A = vector.broadcast %get3A_23 : vector<1x2000xi32> to vector<64x2000xi32>
    %eq3A_24 = arith.cmpi eq, %iota3A, %eq3A : vector<64x2000xi32>
    %convert_element_type3A = arith.extui %eq3A_24 : vector<64x2000xi1> to vector<64x2000xi32>
    %convert_element_type3A_25 = arith.sitofp %convert_element_type3A : vector<64x2000xi32> to vector<64x2000xf32>
    %dot_general3A = arith.constant dense<0.000000e+00> : vector<64x48xf32>
    %dot_general3A_26 = tpu.matmul %convert_element_type3A_25, %select_n3A, %dot_general3A {dimension_numbers = #tpu.dot_dimension_numbers<[1], [0], [0], [1], [0, 0, 1, 1], [], []>, transpose_lhs_hint = false} : vector<64x2000xf32>, vector<2000x48xf32>, vector<64x48xf32> -> vector<64x48xf32>
    %reduce_sum3A = arith.constant dense<0.000000e+00> : vector<64xf32>
    %reduce_sum3A_27 = vector.multi_reduction <add>, %convert_element_type3A_25, %reduce_sum3A [1] : vector<64x2000xf32> to vector<64xf32>
    %broadcast_in_dim3A = vector.shape_cast %reduce_sum3A_27 : vector<64xf32> to vector<64x1xf32>
    %eq3A_28 = arith.constant 0 : i32
    %eq3A_29 = arith.cmpi eq, %arg0, %eq3A_28 : i32
    %convert_element_type3A_30 = arith.extui %eq3A_29 : i1 to i32
    %cond3A = arith.constant 0 : i32
    %cond3A_31 = arith.cmpi ne, %convert_element_type3A_30, %cond3A : i32
    scf.if %cond3A_31 {
      %broadcast_in_dim3A_50 = arith.constant 0.000000e+00 : f32
      %broadcast_in_dim3A_51 = vector.broadcast %broadcast_in_dim3A_50 : f32 to vector<64x48xf32>
      %swap3A_52 = arith.constant 0 : index
      %swap3A_53 = arith.constant 0 : index
      %swap3A_54 = vector.load %arg9[%swap3A_52, %swap3A_53] : memref<64x48xf32, #tpu.memory_space<vmem>>, vector<64x48xf32>
      tpu.vector_store %arg9[%swap3A_52, %swap3A_53], %broadcast_in_dim3A_51 {strides = array<i32>} : memref<64x48xf32, #tpu.memory_space<vmem>>, vector<64x48xf32>,
      %broadcast_in_dim3A_55 = arith.constant 0.000000e+00 : f32
      %broadcast_in_dim3A_56 = vector.broadcast %broadcast_in_dim3A_55 : f32 to vector<64x1xf32>
      %swap3A_57 = arith.constant 0 : index
      %swap3A_58 = arith.constant 0 : index
      %swap3A_59 = vector.load %arg10[%swap3A_57, %swap3A_58] : memref<64x1xf32, #tpu.memory_space<vmem>>, vector<64x1xf32>
      tpu.vector_store %arg10[%swap3A_57, %swap3A_58], %broadcast_in_dim3A_56 {strides = array<i32>} : memref<64x1xf32, #tpu.memory_space<vmem>>, vector<64x1xf32>,
    } else {
    }
    %get3A_32 = arith.constant 0 : index
    %get3A_33 = arith.constant 0 : index
    %get3A_34 = vector.load %arg9[%get3A_32, %get3A_33] : memref<64x48xf32, #tpu.memory_space<vmem>>, vector<64x48xf32>
    %add3A_35 = arith.addf %get3A_34, %dot_general3A_26 : vector<64x48xf32>
    %swap3A = arith.constant 0 : index
    %swap3A_36 = arith.constant 0 : index
    %swap3A_37 = vector.load %arg9[%swap3A, %swap3A_36] : memref<64x48xf32, #tpu.memory_space<vmem>>, vector<64x48xf32>
    tpu.vector_store %arg9[%swap3A, %swap3A_36], %add3A_35 {strides = array<i32>} : memref<64x48xf32, #tpu.memory_space<vmem>>, vector<64x48xf32>,
    %get3A_38 = arith.constant 0 : index
    %get3A_39 = arith.constant 0 : index
    %get3A_40 = vector.load %arg10[%get3A_38, %get3A_39] : memref<64x1xf32, #tpu.memory_space<vmem>>, vector<64x1xf32>
    %add3A_41 = arith.addf %get3A_40, %broadcast_in_dim3A : vector<64x1xf32>
    %swap3A_42 = arith.constant 0 : index
    %swap3A_43 = arith.constant 0 : index
    %swap3A_44 = vector.load %arg10[%swap3A_42, %swap3A_43] : memref<64x1xf32, #tpu.memory_space<vmem>>, vector<64x1xf32>
    tpu.vector_store %arg10[%swap3A_42, %swap3A_43], %add3A_41 {strides = array<i32>} : memref<64x1xf32, #tpu.memory_space<vmem>>, vector<64x1xf32>,
    %eq3A_45 = arith.constant 4 : i32
    %eq3A_46 = arith.cmpi eq, %arg0, %eq3A_45 : i32
    %convert_element_type3A_47 = arith.extui %eq3A_46 : i1 to i32
    %cond3A_48 = arith.constant 0 : i32
    %cond3A_49 = arith.cmpi ne, %convert_element_type3A_47, %cond3A_48 : i32
    scf.if %cond3A_49 {
      %get3A_50 = arith.constant 0 : index
      %get3A_51 = arith.constant 0 : index
      %get3A_52 = vector.load %arg9[%get3A_50, %get3A_51] : memref<64x48xf32, #tpu.memory_space<vmem>>, vector<64x48xf32>
      %get3A_53 = arith.constant 0 : index
      %get3A_54 = arith.constant 0 : index
      %get3A_55 = vector.load %arg10[%get3A_53, %get3A_54] : memref<64x1xf32, #tpu.memory_space<vmem>>, vector<64x1xf32>
      %max3A = arith.constant 1.000000e+00 : f32
      %max3A_56 = vector.broadcast %max3A : f32 to vector<64x1xf32>
      %max3A_57 = arith.maximumf %get3A_55, %max3A_56 : vector<64x1xf32>
      %div3A = vector.broadcast %max3A_57 : vector<64x1xf32> to vector<64x48xf32>
      %div3A_58 = arith.divf %get3A_52, %div3A : vector<64x48xf32>
      %get3A_59 = arith.constant 0 : index
      %get3A_60 = arith.constant 0 : index
      %get3A_61 = vector.load %arg6[%get3A_59, %get3A_60] : memref<48x1xf32, #tpu.memory_space<vmem>>, vector<48x1xf32>
      %dot_general3A_62 = arith.constant dense<0.000000e+00> : vector<64x1xf32>
      %dot_general3A_63 = tpu.matmul %div3A_58, %get3A_61, %dot_general3A_62 {dimension_numbers = #tpu.dot_dimension_numbers<[1], [0], [0], [1], [0, 0, 1, 1], [], []>, transpose_lhs_hint = false} : vector<64x48xf32>, vector<48x1xf32>, vector<64x1xf32> -> vector<64x1xf32>
      %get3A_64 = arith.constant 0 : index
      %get3A_65 = arith.constant 0 : index
      %get3A_66 = vector.load %arg7[%get3A_64, %get3A_65] : memref<1x1xf32, #tpu.memory_space<vmem>>, vector<1x1xf32>
      %add3A_67 = vector.broadcast %get3A_66 : vector<1x1xf32> to vector<64x1xf32>
      %add3A_68 = arith.addf %dot_general3A_63, %add3A_67 : vector<64x1xf32>
      %swap3A_69 = arith.constant 0 : index
      %swap3A_70 = arith.constant 0 : index
      %swap3A_71 = vector.load %arg8[%swap3A_69, %swap3A_70] : memref<64x1xf32, #tpu.memory_space<vmem>>, vector<64x1xf32>
      tpu.vector_store %arg8[%swap3A_69, %swap3A_70], %add3A_68 {strides = array<i32>} : memref<64x1xf32, #tpu.memory_space<vmem>>, vector<64x1xf32>,
    } else {
    }
    return
  }
  func.func @transform_0(%arg0: i32) -> (i32, i32, i32) {
    %c0_i32 = arith.constant 0 : i32
    %c0_i32_0 = arith.constant 0 : i32
    %c0_i32_1 = arith.constant 0 : i32
    return %c0_i32, %arg0, %c0_i32_0 : i32, i32, i32
  }
  func.func @transform_1(%arg0: i32) -> (i32, i32, i32) {
    %c1_i32 = arith.constant 1 : i32
    %c0_i32 = arith.constant 0 : i32
    %c0_i32_0 = arith.constant 0 : i32
    return %c1_i32, %arg0, %c0_i32 : i32, i32, i32
  }
  func.func @transform_2(%arg0: i32) -> (i32, i32) {
    %c0_i32 = arith.constant 0 : i32
    %c0_i32_0 = arith.constant 0 : i32
    return %arg0, %c0_i32 : i32, i32
  }
  func.func @transform_3(%arg0: i32) -> (i32, i32) {
    %c0_i32 = arith.constant 0 : i32
    %c0_i32_0 = arith.constant 0 : i32
    %c0_i32_1 = arith.constant 0 : i32
    return %c0_i32, %c0_i32_0 : i32, i32
  }
  func.func @transform_4(%arg0: i32) -> (i32, i32, i32) {
    %c0_i32 = arith.constant 0 : i32
    %c0_i32_0 = arith.constant 0 : i32
    %c0_i32_1 = arith.constant 0 : i32
    return %arg0, %c0_i32, %c0_i32_0 : i32, i32, i32
  }
  func.func @transform_5(%arg0: i32) -> (i32, i32) {
    %c0_i32 = arith.constant 0 : i32
    %c0_i32_0 = arith.constant 0 : i32
    %c0_i32_1 = arith.constant 0 : i32
    return %c0_i32, %c0_i32_0 : i32, i32
  }
  func.func @transform_6(%arg0: i32) -> (i32, i32) {
    %c0_i32 = arith.constant 0 : i32
    %c0_i32_0 = arith.constant 0 : i32
    %c0_i32_1 = arith.constant 0 : i32
    return %c0_i32, %c0_i32_0 : i32, i32
  }
  func.func @transform_7(%arg0: i32) -> (i32, i32) {
    %c0_i32 = arith.constant 0 : i32
    %c0_i32_0 = arith.constant 0 : i32
    %c0_i32_1 = arith.constant 0 : i32
    return %c0_i32, %c0_i32_0 : i32, i32
  }
}

</mosaic_0001>

<sc_bundles>
// kernel: kernel.10.cloned.1.call-start
scs
__scs_entry_jumppad:
0x0: {  	(pc) =	sbr.rel $0x88, $3  }
0x1: {  	(tag) =	ssettag $0x0;
	lr =	simm.s32 $0x1  }
0x2: {  	[smem:$0x3F94] =	sst lr;
	_ =	strace $0xD0000000  }
0x3: {  	_ = 	snop  }
0x4: {  	_ = 	snop  }
0x5: {  	_ = 	snop  }
0x6: {  	_ = 	snop  }
0x7: {  	_ = 	snop  }
__scs_overlays_trampoline_lowered:
0x8: {  	[smem:$0x3FA3] =	sst s0  }
0x9: {  	[smem:$0x3FA4] =	sst s1  }
0xa: {  	[smem:$0x3FA5] =	sst s2  }
0xb: {  	[smem:$0x3FA6] =	sst s3  }
0xc: {  	[smem:$0x3FA7] =	sst s4  }
0xd: {  	[smem:$0x3FA8] =	sst s5  }
0xe: {  	[smem:$0x3FA9] =	sst s6  }
0xf: {  	[smem:$0x3FAA] =	sst s7  }
0x10: {  	[smem:$0x3FAB] =	sst s8  }
0x11: {  	[smem:$0x3FAC] =	sst s9;
	s0 =	simm.s32 @!p0 $0x0  }
0x12: {  	s1 =	sld [smem:$0x3F92];
	s0 =	simm.s32 @p0 $0x1  }
0x13: {  	[smem:$0x3FAD] =	sst s0;
	s0 =	simm.s32 @!p1 $0x0  }
0x14: {  	s2 =	sld [smem:$0x3F91];
	s0 =	simm.s32 @p1 $0x1  }
0x15: {  	[smem:$0x3FAE] =	sst s0;
	s0 =	simm.s32 @!p2 $0x0  }
0x16: {  	s3 =	sld [smem:$0x3FDB];
	s0 =	simm.s32 @p2 $0x1  }
0x17: {  	s4 =	simm.s32 $0x1BF5;
	[smem:$0x3FB0] =	sst s0  }
0x18: {  	s0 =	sld [smem:$0x3F93];
	_ =	swait.ge [sflag:s4], $0x0  }
0x19: {  	s7 =	sld [smem:$0x3F94]  }
0x1a: {  	s8 =	sadd.s32 $0xFFFFE003, lr  }
0x1b: {  	s9 =	sadd.s32 $0xFFFFFEF7, lr;
	s5 =	simm.s32 $0xFFFFFFFF;
	p2 =	slt.u32 s8, $0xFFFFF086  }
0x1c: {  	p1 =	slt.u32 s9, $0xF7A;
	s5 =	simm.s32 @!p2 $0x0  }
0x1d: {  	s5 =	simm.s32 @p1 $0x1;
	p0 =	seq.s32 s7, s2  }
0x1e: {  	s7 =	smul.u32 @!p0 $0xF7A, s2;
	p2 =	seq.s32 @!p0 s5, $0x0  }
0x1f: {  	s9 =	smul.u32 $0xF7A, s1;
	s8 =	simm.s32 @!p0 $0x1BF5;
	p2 =	por !p2, p0  }
0x20: {  	[sflag:s8] =	ssyncset.s32 @!p0 $0xFFFFF086;
	s6 =	sadd.s32 @!p0 s3, s7;
	s7 =	simm.s32 @!p0 $0x108  }
0x21: {  	s3 =	sadd.s32 s3, s9;
	s6 =	sadd.s32 @!p0 $0x88, s6;
	s7 =	simm.s32 @p2 $0x1082  }
0x22: {  	[simem:s7], [sflag:s8] =	dma.local @!p0 [hbm:s6], $0xF7A  }
0x23: {  	s9 =	sor.u32 $0xD0000000, s2;
	s6 =	simm.s32 $0x108;
	_ =	swait.ge @!p0 [sflag:s8], $0x0  }
0x24: {  	s3 =	sadd.s32 $0x88, s3;
	s6 =	simm.s32 @!p1 $0x1082;
	[sflag:s4] =	ssyncset.s32 $0xFFFFF086  }
0x25: {  	[simem:s6], [sflag:s4] =	dma.local [hbm:s3], $0xF7A  }
0x26: {  	[smem:$0x3F94] =	sst s1;
	(tag) =	ssettag s2;
	_ =	strace s9  }
0x27: {  	s1 =	sld [smem:$0x3FA4]  }
0x28: {  	s2 =	sld [smem:$0x3FA5]  }
0x29: {  	s4 =	sld [smem:$0x3FA7]  }
0x2a: {  	p0 =	seq.s32 s5, $0x0;
	s5 =	sld [smem:$0x3FA8]  }
0x2b: {  	s6 =	sld [smem:$0x3FA9]  }
0x2c: {  	s7 =	sld [smem:$0x3FAA]  }
0x2d: {  	s3 =	simm.s32 $0x108;
	s8 =	sld [smem:$0x3FAB]  }
0x2e: {  	s3 =	simm.s32 @!p0 $0x1082;
	s9 =	sld [smem:$0x3FAC]  }
0x2f: {  	lr =	sadd.s32 s0, s3;
	s0 =	sld [smem:$0x3FA3]  }
0x30: {  	s3 =	sld [smem:$0x3FA6]  }
0x31: {  	[smem:$0x3FAF] =	sst s10  }
0x32: {  	s10 =	sld [smem:$0x3FAD];
	_ =	sdelay $0x3  }
0x33: {  	p0 =	seq.s32 s10, $0x1;
	s10 =	sld [smem:$0x3FAF];
	_ =	sdelay $0x3  }
0x34: {  	[smem:$0x3FAF] =	sst s10  }
0x35: {  	s10 =	sld [smem:$0x3FAE];
	_ =	sdelay $0x3  }
0x36: {  	p1 =	seq.s32 s10, $0x1;
	s10 =	sld [smem:$0x3FAF];
	_ =	sdelay $0x3  }
0x37: {  	[smem:$0x3FAF] =	sst s10  }
0x38: {  	s10 =	sld [smem:$0x3FB0]  }
0x39: {  	_ = 	snop;
	(pc) =	sbr.ind lr, $3  }
0x3a: {  	_ = 	snop  }
0x3b: {  	_ = 	snop  }
0x3c: {  	p2 =	seq.s32 s10, $0x1;
	s10 =	sld [smem:$0x3FAF]  }
0x3d: {  	_ =	shalt  }
0x3e: {  	_ =	shalt  }
0x3f: {  	_ =	shalt  }
0x40: {  	_ =	shalt  }
0x41: {  	_ =	shalt  }
0x42: {  	_ =	shalt  }
0x43: {  	_ =	shalt  }
0x44: {  	_ =	shalt  }
0x45: {  	_ =	shalt  }
0x46: {  	_ =	shalt  }
0x47: {  	_ =	shalt  }
0x48: {  	_ =	shalt  }
0x49: {  	_ =	shalt  }
0x4a: {  	_ =	shalt  }
0x4b: {  	_ =	shalt  }
0x4c: {  	_ =	shalt  }
0x4d: {  	_ =	shalt  }
0x4e: {  	_ =	shalt  }
0x4f: {  	_ =	shalt  }
0x50: {  	_ =	shalt  }
0x51: {  	_ =	shalt  }
0x52: {  	_ =	shalt  }
0x53: {  	_ =	shalt  }
0x54: {  	_ =	shalt  }
0x55: {  	_ =	shalt  }
0x56: {  	_ =	shalt  }
0x57: {  	_ =	shalt  }
0x58: {  	_ =	shalt  }
0x59: {  	_ =	shalt  }
0x5a: {  	_ =	shalt  }
0x5b: {  	_ =	shalt  }
0x5c: {  	_ =	shalt  }
0x5d: {  	_ =	shalt  }
0x5e: {  	_ =	shalt  }
0x5f: {  	_ =	shalt  }
0x60: {  	_ =	shalt  }
0x61: {  	_ =	shalt  }
0x62: {  	_ =	shalt  }
0x63: {  	_ =	shalt  }
0x64: {  	_ =	shalt  }
0x65: {  	_ =	shalt  }
0x66: {  	_ =	shalt  }
0x67: {  	_ =	shalt  }
0x68: {  	_ =	shalt  }
0x69: {  	_ =	shalt  }
0x6a: {  	_ =	shalt  }
0x6b: {  	_ =	shalt  }
0x6c: {  	_ =	shalt  }
0x6d: {  	_ =	shalt  }
0x6e: {  	_ =	shalt  }
0x6f: {  	_ =	shalt  }
0x70: {  	_ =	shalt  }
0x71: {  	_ =	shalt  }
0x72: {  	_ =	shalt  }
0x73: {  	_ =	shalt  }
0x74: {  	_ =	shalt  }
0x75: {  	_ =	shalt  }
0x76: {  	_ =	shalt  }
0x77: {  	_ =	shalt  }
0x78: {  	_ =	shalt  }
0x79: {  	_ =	shalt  }
0x7a: {  	_ =	shalt  }
0x7b: {  	_ =	shalt  }
0x7c: {  	_ =	shalt  }
0x7d: {  	_ =	shalt  }
0x7e: {  	_ =	shalt  }
0x7f: {  	_ =	shalt  }
0x80: {  	_ =	shalt  }
0x81: {  	_ =	shalt  }
0x82: {  	_ =	shalt  }
0x83: {  	_ =	shalt  }
0x84: {  	_ =	shalt  }
0x85: {  	_ =	shalt  }
0x86: {  	_ =	shalt  }
0x87: {  	_ =	shalt  }
.Lfunc_end0:
.L_simem_size_0:
called_computation.1_lowered:
.L_overlay_start_0:
0x88: {  	s2 =	sld [smem:$0x3FD9]  }
0x89: {  	s3 =	sld [smem:$0x3FFE];
	_ =	sdelay $0x1  }
0x8a: {  	s1 =	srdreg.scid  }
0x8b: {  	s0 =	sand.u32 $0x1, s1  }
0x8c: {  	s16 =	sshll.u32 s0, $0xA;
	s2 =	sadd.s32 s3, s2  }
0x8d: {  	s2 =	sadd.s32 s2, s16  }
0x8e: {  	[smem:$0x3FBB] =	sst s2  }
0x8f: {  	_ = 	snop  }
0x90: {  	(tm) =	ssettm $0x1  }
0x91: {  	s17 =	sld [smem:$0x3FFB];
	_ =	sdelay $0x3  }
0x92: {  	_ =	strace s17  }
0x93: {  	s2 =	sld [smem:$0x3FFC];
	_ =	sdelay $0x3  }
0x94: {  	_ =	strace s2  }
0x95: {  	s2 =	sld [smem:$0x3FFD];
	_ =	sdelay $0x3  }
0x96: {  	_ =	strace s2  }
0x97: {  	_ =	strace $0x8FFFFFFF  }
0x98: {  	s18 =	sld [smem:$0x3FDB];
	_ =	sdelay $0x1  }
0x99: {  	s19 =	simm.s32 $_scs_section_size  }
0x9a: {  	s4 =	simm.s32 $_size__tile_overlayer_lowered;
	s5 =	simm.s32 $_tile_overlayer_lowered  }
0x9b: {  	s22 =	simm.s32 $0x1BFF;
	s21 =	sshll.u32 s5, $0x1;
	s2 =	sadd.s32 s19, s18  }
0x9c: {  	s6 =	simm.s32 $0x0;
	s20 =	sshll.u32 s4, $0x1;
	s4 =	sadd.s32 s21, s2  }
0x9d: {  	[timem:s6], [sflag:s22] =	dma.local [hbm:s4], s20  }
0x9e: {  	_ =	swait.ge [sflag:s22], s20  }
0x9f: {  	s3 =	ssub.s32 $0x0, s20;
	[sflag:s22] =	ssyncset.done $0x0  }
0xa0: {  	[sflag:s22] =	ssyncadd.s32 s3;
	_ =	sdelay $0x1  }
0xa1: {  	s23 =	simm.s32 $0x1B8B  }
0xa2: {  	_ =	swait.ge [sflag:s23], $0x1  }
0xa3: {  	[sflag:s23] =	ssyncset.done $0x0  }
0xa4: {  	s25 =	simm.s32 $0x1B8E;
	s24 =	sld [smem:$0x3FFE];
	[sflag:s23] =	ssyncadd.s32 $0xFFFFFFFF  }
0xa5: {  	s26 =	simm.s32 $execute0_lowered;
	[smem:$0x3FD2] =	sst s25  }
0xa6: {  	s4 =	sshll.u32 s26, $0x1;
	_ =	strace $0x80000049;
	[dreg:$0x1] =	wrdreg $0xFFFFFFFF  }
0xa7: {  	s28 =	simm.s32 $_size_execute0_lowered;
	s2 =	sadd.s32 s2, s4;
	[dreg:$0x0] =	wrdreg $0x0  }
0xa8: {  	s4 =	sshll.u32 s28, $0x1;
	[dreg:$0x2] =	wrdreg s2  }
0xa9: {  	[dreg:$0x3] =	wrdreg s4  }
0xaa: {  	[dreg:$0x4] =	wrdreg $0xC0  }
0xab: {  	_ =	task [dreg:s6], $0x5FFFF  }
0xac: {  	[dreg:$0x1] =	wrdreg $0xFFFFFFFF  }
0xad: {  	[dreg:$0x0] =	wrdreg $0x60  }
0xae: {  	[dreg:$0x2] =	wrdreg s24  }
0xaf: {  	[dreg:$0x3] =	wrdreg $0x140000  }
0xb0: {  	[dreg:$0x4] =	wrdreg $0x9  }
0xb1: {  	_ =	task.clear_ibuf [dreg:s6], $0x5FFFF;
	_ =	strace $0x90000049  }
0xb2: {  	s29 =	simm.s32 $0x9;
	_ =	strace $0x8000004B  }
0xb3: {  	_ =	swait.ge [sflag:s29], $0x1  }
0xb4: {  	[sflag:s29] =	ssyncadd.s32 $0xFFFFFFFF  }
0xb5: {  	_ =	strace $0x9000004B  }
0xb6: {  	_ =	sfence  }
0xb7: {  	s30 =	sld [smem:$0x0];
	_ =	sdelay $0x2  }
0xb8: {  	s31 =	sshll.u32 s1, $0xD;
	s1 =	sshrl.u32 s1, $0x2  }
0xb9: {  	s3 =	sand.u32 $0x4000, s31;
	s1 =	sadd.s32 s1, s30  }
0xba: {  	s0 =	sor.u32 s3, s0;
	s1 =	sshll.u32 s1, $0x11  }
0xbb: {  	s0 =	sor.u32 s1, s0  }
0xbc: {  	s0 =	sadd.s32 $0x8F2B, s0  }
0xbd: {  	[sflag:s0] =	ssyncadd.remote.s32 $0x1  }
0xbe: {  	_ =	sfence.sel $0xFFFF  }
0xbf: {  	[dreg:$0x0] =	wrdreg $0xFFFFFFFF;
	(pc) =	sbr.abs _section_cstart, $3  }
0xc0: {  	[dreg:$0x1] =	wrdreg $0xFFFFFFFF  }
0xc1: {  	_ =	task.clear_ibuf [dreg:s6], $0x2FFFF;
	_ =	strace $0x9FFFFFFF  }
0xc2: {  	(tm) =	ssettm $0x7FFFFFFF  }
0xc3: {  	_ =	shalt  }
tec
execute0_lowered:
.L_overlay_start_1:
0x0: {  	(tag) =	ssettag $0x1  }
0x1: {  	s0 =	rddreg [dreg:$0x0]  }
0x2: {  	s2 =	rddreg [dreg:$0x1];
	s11 =	stileid.u32  }
0x3: {  	s1 =	srdreg.scid;
	s4 =	simm.s32 $0x0;
	s18 =	simm.s32 $0x8000  }
0x4: {  	s19 =	simm.s32 $0x9800;
	s28 =	simm.s32 $0xF800;
	s30 =	simm.s32 $0x11000  }
0x5: {  	s20 =	simm.s32 $0x5;
	s29 =	simm.s32 $0x9;
	s31 =	simm.s32 $0xA  }
0x6: {  	s3 =	smul.u32 $0x7680, s11;
	s1 =	sand.u32 $0x1, s1;
	[smem:$0x7FF] =	sst s4  }
0x7: {  	s4 =	sadd.s32 $0x1E00, s0;
	s7 =	sadd.s32 $0x10A00, s0;
	s12 =	sshll.u32 s11, $0x6  }
0x8: {  	s22 =	sshll.u32 s11, $0x9;
	s11 =	sshll.u32 s11, $0xB;
	s5 =	smul.u32 $0x76800, s1  }
0x9: {  	_ =	strace $0x8000004A;
	s6 =	ssub.s32 $0x2, s1;
	p0 =	seq.s32 s1, $0x0  }
0xa: {  	[dreg:$0x3] =	wrdreg s12;
	s21 =	sor.u32 $0x1C01, s12;
	s8 =	sshrl.u32 s3, $0x3  }
0xb: {  	s9 =	sshrl.u32 s6, $0x1;
	[dreg:$0x5] =	wrdreg s21;
	s21 =	simm.s32 $0xB000  }
0xc: {  	s5 =	sadd.s32 s3, s5;
	s8 =	sadd.s32 s8, s0;
	s9 =	ssub.s32 s6, s9  }
0xd: {  	s6 =	simm.s32 $0x80;
	s3 =	sadd.s32 s3, s2;
	s5 =	sshrl.u32 s5, $0x3  }
0xe: {  	s6 =	simm.s32 @!p0 $0x20;
	s8 =	sadd.s32 $0x24A00, s8;
	s26 =	smax.u32 s9, $0x1  }
0xf: {  	p0 =	sne.s32 s1, $0x0;
	s17 =	sshrl.u32 s3, $0x3;
	s3 =	simm.s32 $0x4  }
0x10: {  	s1 =	simm.s32 $0x0;
	s10 =	sadd.s32 s5, s0;
	[dreg:$0x4] =	wrdreg s8  }
0x11: {  	s8 =	sor.u32 $0x8000, s22;
	s24 =	sshrl.u32 s6, $0x3;
	[dreg:$0xc] =	wrdreg s26  }
0x12: {  	s0 =	sadd.s32 $0x1AA00, s0;
	s23 =	sadd.s32 s7, s8;
	[dreg:$0xa] =	wrdreg s24  }
0x13: {  	s5 =	simm.s32 $0x80;
	s8 =	sadd.s32 s8, s0;
	[dreg:$0x6] =	wrdreg s23  }
0x14: {  	s22 =	simm.s32 $0x6;
	s7 =	sadd.s32 s7, s11;
	[dreg:$0x7] =	wrdreg s8  }
0x15: {  	s26 =	simm.s32 $0x8;
	s0 =	sadd.s32 s11, s0;
	[dreg:$0x8] =	wrdreg s7  }
0x16: {  	s25 =	sadd.s32 $0x33800, s10;
	s24 =	simm.s32 $0x7;
	[dreg:$0x9] =	wrdreg s0  }
0x17: {  	[dreg:$0xb] =	wrdreg s25;
	s23 =	simm.s32 $0xC800;
	s25 =	simm.s32 $0xE000  }
0x18: {  	s0 =	simm.s32 $0x12800;
	s8 =	simm.s32 $0xB;
	s7 =	simm.s32 $0x14  }
.LBB2_1:
0x19: {  	s9 =	rddreg [dreg:$0x4]  }
0x1a: {  	s10 =	rddreg [dreg:$0x5]  }
0x1b: {  	[spmem:s17], [sflag:s10] =	dma.local [hbm:s9], $0xED0  }
0x1c: {  	s9 =	simm.s32 @p0 $0x0;
	s10 =	rddreg [dreg:$0x6]  }
0x1d: {  	[tilespmem:s9], [sflag:$0x2] =	stream.linear.gather @p0 [hbm4b:s10+s9], $0x1000, $0x38;
	[tilespmem:$0x1B680] =	vst v63  }
0x1e: {  	s11 =	rddreg [dreg:$0x7];
	s10 =	simm.s32 @p0 $0x4000  }
0x1f: {  	[tilespmem:s10], [sflag:$0x3] =	stream.linear.gather @p0 [hbm4b:s11+s9], $0x1000, $0x38;
	[tilespmem:$0x1B680] =	vst v63  }
0x20: {  	s9 =	simm.s32 @p0 $0x2  }
0x21: {  	_ =	swait.ge @p0 [sflag:s9], $0x1000  }
0x22: {  	[sflag:s9] =	ssyncset.done @p0 $0x0  }
0x23: {  	[sflag:s9] =	ssyncadd.s32 @p0 $0xFFFFF000;
	s9 =	simm.s32 @p0 $0x3  }
0x24: {  	_ =	swait.ge @p0 [sflag:s9], $0x1000  }
0x25: {  	[sflag:s9] =	ssyncset.done @p0 $0x0  }
0x26: {  	s10 =	rddreg [dreg:$0x8];
	[sflag:s9] =	ssyncadd.s32 @p0 $0xFFFFF000;
	s9 =	simm.s32 @!p0 $0x0  }
0x27: {  	[tilespmem:s9], [sflag:$0x2] =	stream.linear.gather @!p0 [hbm4b:s10+s9], $0x4000, $0x38;
	[tilespmem:$0x1B680] =	vst v63  }
0x28: {  	s11 =	rddreg [dreg:$0x9];
	s10 =	simm.s32 @!p0 $0x4000  }
0x29: {  	[tilespmem:s10], [sflag:$0x3] =	stream.linear.gather @!p0 [hbm4b:s11+s9], $0x4000, $0x38;
	[tilespmem:$0x1B680] =	vst v63  }
0x2a: {  	s9 =	simm.s32 @!p0 $0x2  }
0x2b: {  	_ =	swait.ge @!p0 [sflag:s9], $0x4000  }
0x2c: {  	[sflag:s9] =	ssyncset.done @!p0 $0x0  }
0x2d: {  	[sflag:s9] =	ssyncadd.s32 @!p0 $0xFFFFC000;
	s9 =	simm.s32 @!p0 $0x3  }
0x2e: {  	_ =	swait.ge @!p0 [sflag:s9], $0x4000  }
0x2f: {  	[sflag:s9] =	ssyncset.done @!p0 $0x0  }
0x30: {  	s13 =	simm.s32 $0x0;
	[sflag:s9] =	ssyncadd.s32 @!p0 $0xFFFFC000  }
0x31: {  	[tilespmem:s18], [sflag:$0x4] =	stream.indirect.gather [hbm4b:s4+s5], $0x30, s13, s5, $0xb8;
	[tilespmem:$0x1B680] =	vst v63  }
0x32: {  	_ = 	snop  }
0x33: {  	[tilespmem:s19], [sflag:$0x5] =	stream.indirect.gather [hbm4b:s4+s5], $0x30, s5, s5, $0xb8;
	[tilespmem:$0x1B680] =	vst v63  }
0x34: {  	s14 =	simm.s32 $0x100  }
0x35: {  	[tilespmem:s21], [sflag:$0x6] =	stream.indirect.gather [hbm4b:s4+s5], $0x30, s14, s5, $0xb8;
	[tilespmem:$0x1B680] =	vst v63  }
0x36: {  	s15 =	simm.s32 $0x180  }
0x37: {  	[tilespmem:s23], [sflag:$0x7] =	stream.indirect.gather [hbm4b:s4+s5], $0x30, s15, s5, $0xb8;
	[tilespmem:$0x1B680] =	vst v63  }
0x38: {  	s16 =	simm.s32 $0x200  }
0x39: {  	[tilespmem:s25], [sflag:$0x8] =	stream.indirect.gather [hbm4b:s4+s5], $0x30, s16, s5, $0xb8;
	[tilespmem:$0x1B680] =	vst v63  }
0x3a: {  	s10 =	simm.s32 $0x280  }
0x3b: {  	[tilespmem:s28], [sflag:$0x9] =	stream.indirect.gather [hbm4b:s4+s5], $0x30, s10, s5, $0xb8;
	[tilespmem:$0x1B680] =	vst v63  }
0x3c: {  	s11 =	simm.s32 $0x300  }
0x3d: {  	[tilespmem:s30], [sflag:$0xA] =	stream.indirect.gather [hbm4b:s4+s5], $0x30, s11, s5, $0xb8;
	[tilespmem:$0x1B680] =	vst v63  }
0x3e: {  	s12 =	simm.s32 $0x380;
	s13 =	simm.s32 $0x1  }
0x3f: {  	[tilespmem:s0], [sflag:$0xB] =	stream.indirect.gather [hbm4b:s4+s5], $0x30, s12, s5, $0xb8;
	[tilespmem:$0x1B680] =	vst v63  }
0x40: {  	_ =	swait.ge [sflag:s13], $0xED0  }
0x41: {  	[sflag:s13] =	ssyncset.done $0x0  }
0x42: {  	[sflag:s13] =	ssyncadd.s32 $0xFFFFF130  }
0x43: {  	[bflag:$0x0] =	sbarrier.arrive $0xFFFF  }
0x44: {  	_ =	swait.ge [sflag:s3], $0x1800  }
0x45: {  	p1 =	sle.u32 s6, $0x8;
	[sflag:s3] =	ssyncset.done $0x0  }
0x46: {  	s9 =	simm.s32 @!p1 $0xC;
	s14 =	simm.s32 $0x4000;
	[sflag:s3] =	ssyncadd.s32 $0xFFFFE800  }
0x47: {  	[spmem:s2] =	stream.indirect.scatter.add.f32 [tilespmem:s18], [sflag:$0xC], $0x30, s14, s5, $0xb8;
	[tilespmem:$0x1B680] =	vst v63  }
0x48: {  	_ =	swait.ge @!p1 [sflag:s9], $0x1800  }
0x49: {  	s10 =	simm.s32 @!p1 $0x400;
	[sflag:s9] =	ssyncset.done @!p1 $0x0  }
0x4a: {  	s11 =	simm.s32 @!p1 $0x80;
	s12 =	simm.s32 @!p1 $0x8000;
	[sflag:s9] =	ssyncadd.s32 @!p1 $0xFFFFE800  }
0x4b: {  	[tilespmem:s12], [sflag:$0x4] =	stream.indirect.gather @!p1 [hbm4b:s4+s11], $0x30, s10, s11, $0xb8;
	[tilespmem:$0x1B680] =	vst v63  }
0x4c: {  	_ =	swait.ge [sflag:s20], $0x1800  }
0x4d: {  	p1 =	sle.u32 s6, $0x9;
	[sflag:s20] =	ssyncset.done $0x0  }
0x4e: {  	s15 =	simm.s32 $0x4080;
	s10 =	simm.s32 @!p1 $0xD;
	[sflag:s20] =	ssyncadd.s32 $0xFFFFE800  }
0x4f: {  	[spmem:s2] =	stream.indirect.scatter.add.f32 [tilespmem:s19], [sflag:$0xD], $0x30, s15, s5, $0xb8;
	[tilespmem:$0x1B680] =	vst v63  }
0x50: {  	_ =	swait.ge @!p1 [sflag:s10], $0x1800  }
0x51: {  	s9 =	simm.s32 @!p1 $0x480;
	[sflag:s10] =	ssyncset.done @!p1 $0x0  }
0x52: {  	s11 =	simm.s32 @!p1 $0x80;
	s12 =	simm.s32 @!p1 $0x9800;
	[sflag:s10] =	ssyncadd.s32 @!p1 $0xFFFFE800  }
0x53: {  	[tilespmem:s12], [sflag:$0x5] =	stream.indirect.gather @!p1 [hbm4b:s4+s11], $0x30, s9, s11, $0xb8;
	[tilespmem:$0x1B680] =	vst v63  }
0x54: {  	_ =	swait.ge [sflag:s22], $0x1800  }
0x55: {  	p1 =	sle.u32 s6, $0xA;
	[sflag:s22] =	ssyncset.done $0x0  }
0x56: {  	s16 =	simm.s32 $0x4100;
	s10 =	simm.s32 @!p1 $0xE;
	[sflag:s22] =	ssyncadd.s32 $0xFFFFE800  }
0x57: {  	[spmem:s2] =	stream.indirect.scatter.add.f32 [tilespmem:s21], [sflag:$0xE], $0x30, s16, s5, $0xb8;
	[tilespmem:$0x1B680] =	vst v63  }
0x58: {  	_ =	swait.ge @!p1 [sflag:s10], $0x1800  }
0x59: {  	s9 =	simm.s32 @!p1 $0x500;
	[sflag:s10] =	ssyncset.done @!p1 $0x0  }
0x5a: {  	s11 =	simm.s32 @!p1 $0x80;
	s12 =	simm.s32 @!p1 $0xB000;
	[sflag:s10] =	ssyncadd.s32 @!p1 $0xFFFFE800  }
0x5b: {  	[tilespmem:s12], [sflag:$0x6] =	stream.indirect.gather @!p1 [hbm4b:s4+s11], $0x30, s9, s11, $0xb8;
	[tilespmem:$0x1B680] =	vst v63  }
0x5c: {  	_ =	swait.ge [sflag:s24], $0x1800  }
0x5d: {  	p1 =	sle.u32 s6, $0xB;
	[sflag:s24] =	ssyncset.done $0x0  }
0x5e: {  	s11 =	simm.s32 $0x4180;
	s10 =	simm.s32 @!p1 $0xF;
	[sflag:s24] =	ssyncadd.s32 $0xFFFFE800  }
0x5f: {  	[spmem:s2] =	stream.indirect.scatter.add.f32 [tilespmem:s23], [sflag:$0xF], $0x30, s11, s5, $0xb8;
	[tilespmem:$0x1B680] =	vst v63  }
0x60: {  	_ =	swait.ge @!p1 [sflag:s10], $0x1800  }
0x61: {  	s9 =	simm.s32 @!p1 $0x580;
	[sflag:s10] =	ssyncset.done @!p1 $0x0  }
0x62: {  	s12 =	simm.s32 @!p1 $0xC800;
	s11 =	simm.s32 @!p1 $0x80;
	[sflag:s10] =	ssyncadd.s32 @!p1 $0xFFFFE800  }
0x63: {  	[tilespmem:s12], [sflag:$0x7] =	stream.indirect.gather @!p1 [hbm4b:s4+s11], $0x30, s9, s11, $0xb8;
	[tilespmem:$0x1B680] =	vst v63  }
0x64: {  	_ =	swait.ge [sflag:s26], $0x1800  }
0x65: {  	p1 =	sle.u32 s6, $0xC;
	[sflag:s26] =	ssyncset.done $0x0  }
0x66: {  	s12 =	simm.s32 $0x4200;
	s10 =	simm.s32 @!p1 $0x10;
	[sflag:s26] =	ssyncadd.s32 $0xFFFFE800  }
0x67: {  	[spmem:s2] =	stream.indirect.scatter.add.f32 [tilespmem:s25], [sflag:$0x10], $0x30, s12, s5, $0xb8;
	[tilespmem:$0x1B680] =	vst v63  }
0x68: {  	_ =	swait.ge @!p1 [sflag:s10], $0x1800  }
0x69: {  	s9 =	simm.s32 @!p1 $0x600;
	[sflag:s10] =	ssyncset.done @!p1 $0x0  }
0x6a: {  	s11 =	simm.s32 @!p1 $0x80;
	s12 =	simm.s32 @!p1 $0xE000;
	[sflag:s10] =	ssyncadd.s32 @!p1 $0xFFFFE800  }
0x6b: {  	[tilespmem:s12], [sflag:$0x8] =	stream.indirect.gather @!p1 [hbm4b:s4+s11], $0x30, s9, s11, $0xb8;
	[tilespmem:$0x1B680] =	vst v63  }
0x6c: {  	_ =	swait.ge [sflag:s29], $0x1800  }
0x6d: {  	p1 =	sle.u32 s6, $0xD;
	[sflag:s29] =	ssyncset.done $0x0  }
0x6e: {  	s13 =	simm.s32 $0x4280;
	s10 =	simm.s32 @!p1 $0x11;
	[sflag:s29] =	ssyncadd.s32 $0xFFFFE800  }
0x6f: {  	[spmem:s2] =	stream.indirect.scatter.add.f32 [tilespmem:s28], [sflag:$0x11], $0x30, s13, s5, $0xb8;
	[tilespmem:$0x1B680] =	vst v63  }
0x70: {  	_ =	swait.ge @!p1 [sflag:s10], $0x1800  }
0x71: {  	s9 =	simm.s32 @!p1 $0x680;
	[sflag:s10] =	ssyncset.done @!p1 $0x0  }
0x72: {  	s11 =	simm.s32 @!p1 $0x80;
	s12 =	simm.s32 @!p1 $0xF800;
	[sflag:s10] =	ssyncadd.s32 @!p1 $0xFFFFE800  }
0x73: {  	[tilespmem:s12], [sflag:$0x9] =	stream.indirect.gather @!p1 [hbm4b:s4+s11], $0x30, s9, s11, $0xb8;
	[tilespmem:$0x1B680] =	vst v63  }
0x74: {  	_ =	swait.ge [sflag:s31], $0x1800  }
0x75: {  	p1 =	sle.u32 s6, $0xE;
	[sflag:s31] =	ssyncset.done $0x0  }
0x76: {  	s14 =	simm.s32 $0x4300;
	s10 =	simm.s32 @!p1 $0x12;
	[sflag:s31] =	ssyncadd.s32 $0xFFFFE800  }
0x77: {  	[spmem:s2] =	stream.indirect.scatter.add.f32 [tilespmem:s30], [sflag:$0x12], $0x30, s14, s5, $0xb8;
	[tilespmem:$0x1B680] =	vst v63  }
0x78: {  	_ =	swait.ge @!p1 [sflag:s10], $0x1800  }
0x79: {  	s9 =	simm.s32 @!p1 $0x700;
	[sflag:s10] =	ssyncset.done @!p1 $0x0  }
0x7a: {  	s11 =	simm.s32 @!p1 $0x80;
	s12 =	simm.s32 @!p1 $0x11000;
	[sflag:s10] =	ssyncadd.s32 @!p1 $0xFFFFE800  }
0x7b: {  	[tilespmem:s12], [sflag:$0xA] =	stream.indirect.gather @!p1 [hbm4b:s4+s11], $0x30, s9, s11, $0xb8;
	[tilespmem:$0x1B680] =	vst v63  }
0x7c: {  	_ =	swait.ge [sflag:s8], $0x1800  }
0x7d: {  	s15 =	rddreg [dreg:$0xa]  }
0x7e: {  	s9 =	sadd.s32 $0xFFFFFFFF, s15  }
0x7f: {  	p2 =	sle.u32 s6, $0xF;
	p1 =	sne.s32 s9, $0x0  }
.Ltmp0:
0x80: {  	s16 =	simm.s32 $0x4380;
	[sflag:s8] =	ssyncset.done $0x0;
	(pc) =	sbr.rel @!p1 .LBB2_3-.Ltmp0, $4  }
0x81: {  	s13 =	simm.s32 @!p2 $0x780;
	s12 =	simm.s32 @!p2 $0x13;
	[sflag:s8] =	ssyncadd.s32 $0xFFFFE800  }
0x82: {  	[spmem:s2] =	stream.indirect.scatter.add.f32 [tilespmem:s0], [sflag:$0x13], $0x30, s16, s5, $0xb8;
	[tilespmem:$0x1B680] =	vst v63  }
0x83: {  	s14 =	simm.s32 @!p2 $0x80;
	s10 =	simm.s32 $0x10;
	_ =	swait.ge @!p2 [sflag:s12], $0x1800  }
0x84: {  	s11 =	simm.s32 $0x0;
	s15 =	simm.s32 @!p2 $0x12800;
	[sflag:s12] =	ssyncset.done @!p2 $0x0  }
.LBB2_2:
0x85: {  	s9 =	sadd.s32 $0xFFFFFFFF, s9;
	[sflag:s12] =	ssyncadd.s32 @!p2 $0xFFFFE800;
	s11 =	sadd.s32 $0x1000, s11  }
0x86: {  	[tilespmem:s15], [sflag:$0xB] =	stream.indirect.gather @!p2 [hbm4b:s4+s14], $0x30, s13, s14, $0xb8;
	[tilespmem:$0x1B680] =	vst v63  }
0x87: {  	p1 =	sne.s32 s9, $0x0;
	_ =	swait.ge [sflag:s3], $0x1800  }
0x88: {  	s12 =	sshra.s32 s11, $0x2;
	[sflag:s3] =	ssyncset.done $0x0  }
0x89: {  	p2 =	sge.u32 s10, s6;
	s13 =	sadd.s32 $0x4000, s12;
	[sflag:s3] =	ssyncadd.s32 $0xFFFFE800  }
0x8a: {  	[spmem:s2] =	stream.indirect.scatter.add.f32 [tilespmem:s18], [sflag:$0xC], $0x30, s13, s5, $0xb8;
	[tilespmem:$0x1B680] =	vst v63  }
0x8b: {  	s14 =	sshra.s32 @!p2 s11, $0x2;
	s13 =	simm.s32 @!p2 $0xC  }
0x8c: {  	s14 =	sadd.s32 @!p2 $0x400, s14;
	_ =	swait.ge @!p2 [sflag:s13], $0x1800  }
0x8d: {  	s15 =	simm.s32 @!p2 $0x80;
	s16 =	simm.s32 @!p2 $0x8000;
	[sflag:s13] =	ssyncset.done @!p2 $0x0  }
0x8e: {  	[sflag:s13] =	ssyncadd.s32 @!p2 $0xFFFFE800  }
0x8f: {  	[tilespmem:s16], [sflag:$0x4] =	stream.indirect.gather @!p2 [hbm4b:s4+s15], $0x30, s14, s15, $0xb8;
	[tilespmem:$0x1B680] =	vst v63  }
0x90: {  	s13 =	sadd.s32 $0x1, s10;
	_ =	swait.ge [sflag:s20], $0x1800  }
0x91: {  	s14 =	sadd.s32 $0x4080, s12;
	p2 =	sge.u32 s13, s6;
	[sflag:s20] =	ssyncset.done $0x0  }
0x92: {  	s13 =	simm.s32 @!p2 $0xD;
	s15 =	sshra.s32 @!p2 s11, $0x2;
	[sflag:s20] =	ssyncadd.s32 $0xFFFFE800  }
0x93: {  	[spmem:s2] =	stream.indirect.scatter.add.f32 [tilespmem:s19], [sflag:$0xD], $0x30, s14, s5, $0xb8;
	[tilespmem:$0x1B680] =	vst v63  }
0x94: {  	s14 =	sadd.s32 @!p2 $0x480, s15;
	_ =	swait.ge @!p2 [sflag:s13], $0x1800  }
0x95: {  	s16 =	simm.s32 @!p2 $0x9800;
	s15 =	simm.s32 @!p2 $0x80;
	[sflag:s13] =	ssyncset.done @!p2 $0x0  }
0x96: {  	[sflag:s13] =	ssyncadd.s32 @!p2 $0xFFFFE800  }
0x97: {  	[tilespmem:s16], [sflag:$0x5] =	stream.indirect.gather @!p2 [hbm4b:s4+s15], $0x30, s14, s15, $0xb8;
	[tilespmem:$0x1B680] =	vst v63  }
0x98: {  	s13 =	sadd.s32 $0x2, s10;
	_ =	swait.ge [sflag:s22], $0x1800  }
0x99: {  	s14 =	sadd.s32 $0x4100, s12;
	p2 =	sge.u32 s13, s6;
	[sflag:s22] =	ssyncset.done $0x0  }
0x9a: {  	s13 =	simm.s32 @!p2 $0xE;
	s15 =	sshra.s32 @!p2 s11, $0x2;
	[sflag:s22] =	ssyncadd.s32 $0xFFFFE800  }
0x9b: {  	[spmem:s2] =	stream.indirect.scatter.add.f32 [tilespmem:s21], [sflag:$0xE], $0x30, s14, s5, $0xb8;
	[tilespmem:$0x1B680] =	vst v63  }
0x9c: {  	s14 =	sadd.s32 @!p2 $0x500, s15;
	_ =	swait.ge @!p2 [sflag:s13], $0x1800  }
0x9d: {  	s16 =	simm.s32 @!p2 $0xB000;
	s15 =	simm.s32 @!p2 $0x80;
	[sflag:s13] =	ssyncset.done @!p2 $0x0  }
0x9e: {  	[sflag:s13] =	ssyncadd.s32 @!p2 $0xFFFFE800  }
0x9f: {  	[tilespmem:s16], [sflag:$0x6] =	stream.indirect.gather @!p2 [hbm4b:s4+s15], $0x30, s14, s15, $0xb8;
	[tilespmem:$0x1B680] =	vst v63  }
0xa0: {  	s13 =	sadd.s32 $0x3, s10;
	_ =	swait.ge [sflag:s24], $0x1800  }
0xa1: {  	s14 =	sadd.s32 $0x4180, s12;
	p2 =	sge.u32 s13, s6;
	[sflag:s24] =	ssyncset.done $0x0  }
0xa2: {  	s13 =	simm.s32 @!p2 $0xF;
	s15 =	sshra.s32 @!p2 s11, $0x2;
	[sflag:s24] =	ssyncadd.s32 $0xFFFFE800  }
0xa3: {  	[spmem:s2] =	stream.indirect.scatter.add.f32 [tilespmem:s23], [sflag:$0xF], $0x30, s14, s5, $0xb8;
	[tilespmem:$0x1B680] =	vst v63  }
0xa4: {  	s14 =	sadd.s32 @!p2 $0x580, s15;
	_ =	swait.ge @!p2 [sflag:s13], $0x1800  }
0xa5: {  	s16 =	simm.s32 @!p2 $0xC800;
	s15 =	simm.s32 @!p2 $0x80;
	[sflag:s13] =	ssyncset.done @!p2 $0x0  }
0xa6: {  	[sflag:s13] =	ssyncadd.s32 @!p2 $0xFFFFE800  }
0xa7: {  	[tilespmem:s16], [sflag:$0x7] =	stream.indirect.gather @!p2 [hbm4b:s4+s15], $0x30, s14, s15, $0xb8;
	[tilespmem:$0x1B680] =	vst v63  }
0xa8: {  	s13 =	sadd.s32 $0x4, s10;
	_ =	swait.ge [sflag:s26], $0x1800  }
0xa9: {  	s14 =	sadd.s32 $0x4200, s12;
	p2 =	sge.u32 s13, s6;
	[sflag:s26] =	ssyncset.done $0x0  }
0xaa: {  	s13 =	simm.s32 @!p2 $0x10;
	s15 =	sshra.s32 @!p2 s11, $0x2;
	[sflag:s26] =	ssyncadd.s32 $0xFFFFE800  }
0xab: {  	[spmem:s2] =	stream.indirect.scatter.add.f32 [tilespmem:s25], [sflag:$0x10], $0x30, s14, s5, $0xb8;
	[tilespmem:$0x1B680] =	vst v63  }
0xac: {  	s14 =	sadd.s32 @!p2 $0x600, s15;
	_ =	swait.ge @!p2 [sflag:s13], $0x1800  }
0xad: {  	s16 =	simm.s32 @!p2 $0xE000;
	s15 =	simm.s32 @!p2 $0x80;
	[sflag:s13] =	ssyncset.done @!p2 $0x0  }
0xae: {  	[sflag:s13] =	ssyncadd.s32 @!p2 $0xFFFFE800  }
0xaf: {  	[tilespmem:s16], [sflag:$0x8] =	stream.indirect.gather @!p2 [hbm4b:s4+s15], $0x30, s14, s15, $0xb8;
	[tilespmem:$0x1B680] =	vst v63  }
0xb0: {  	s13 =	sadd.s32 $0x5, s10;
	_ =	swait.ge [sflag:s29], $0x1800  }
0xb1: {  	s14 =	sadd.s32 $0x4280, s12;
	p2 =	sge.u32 s13, s6;
	[sflag:s29] =	ssyncset.done $0x0  }
0xb2: {  	s13 =	simm.s32 @!p2 $0x11;
	s15 =	sshra.s32 @!p2 s11, $0x2;
	[sflag:s29] =	ssyncadd.s32 $0xFFFFE800  }
0xb3: {  	[spmem:s2] =	stream.indirect.scatter.add.f32 [tilespmem:s28], [sflag:$0x11], $0x30, s14, s5, $0xb8;
	[tilespmem:$0x1B680] =	vst v63  }
0xb4: {  	s14 =	sadd.s32 @!p2 $0x680, s15;
	_ =	swait.ge @!p2 [sflag:s13], $0x1800  }
0xb5: {  	s16 =	simm.s32 @!p2 $0xF800;
	s15 =	simm.s32 @!p2 $0x80;
	[sflag:s13] =	ssyncset.done @!p2 $0x0  }
0xb6: {  	[sflag:s13] =	ssyncadd.s32 @!p2 $0xFFFFE800  }
0xb7: {  	[tilespmem:s16], [sflag:$0x9] =	stream.indirect.gather @!p2 [hbm4b:s4+s15], $0x30, s14, s15, $0xb8;
	[tilespmem:$0x1B680] =	vst v63  }
0xb8: {  	s13 =	sadd.s32 $0x6, s10;
	_ =	swait.ge [sflag:s31], $0x1800  }
0xb9: {  	s14 =	sadd.s32 $0x4300, s12;
	p2 =	sge.u32 s13, s6;
	[sflag:s31] =	ssyncset.done $0x0  }
0xba: {  	s13 =	simm.s32 @!p2 $0x12;
	s15 =	sshra.s32 @!p2 s11, $0x2;
	[sflag:s31] =	ssyncadd.s32 $0xFFFFE800  }
0xbb: {  	[spmem:s2] =	stream.indirect.scatter.add.f32 [tilespmem:s30], [sflag:$0x12], $0x30, s14, s5, $0xb8;
	[tilespmem:$0x1B680] =	vst v63  }
0xbc: {  	s14 =	sadd.s32 @!p2 $0x700, s15;
	_ =	swait.ge @!p2 [sflag:s13], $0x1800  }
0xbd: {  	s16 =	simm.s32 @!p2 $0x11000;
	s15 =	simm.s32 @!p2 $0x80;
	[sflag:s13] =	ssyncset.done @!p2 $0x0  }
0xbe: {  	[sflag:s13] =	ssyncadd.s32 @!p2 $0xFFFFE800  }
0xbf: {  	[tilespmem:s16], [sflag:$0xA] =	stream.indirect.gather @!p2 [hbm4b:s4+s15], $0x30, s14, s15, $0xb8;
	[tilespmem:$0x1B680] =	vst v63  }
0xc0: {  	s13 =	sadd.s32 $0x7, s10;
	s14 =	sadd.s32 $0x4380, s12;
	_ =	swait.ge [sflag:s8], $0x1800  }
.Ltmp1:
0xc1: {  	p2 =	sge.u32 s13, s6;
	[sflag:s8] =	ssyncset.done $0x0;
	(pc) =	sbr.rel @p1 .LBB2_2-.Ltmp1, $4  }
0xc2: {  	s12 =	simm.s32 @!p2 $0x13;
	s13 =	sshra.s32 @!p2 s11, $0x2;
	[sflag:s8] =	ssyncadd.s32 $0xFFFFE800  }
0xc3: {  	[spmem:s2] =	stream.indirect.scatter.add.f32 [tilespmem:s0], [sflag:$0x13], $0x30, s14, s5, $0xb8;
	[tilespmem:$0x1B680] =	vst v63  }
0xc4: {  	s10 =	sadd.s32 $0x8, s10;
	s13 =	sadd.s32 @!p2 $0x780, s13;
	_ =	swait.ge @!p2 [sflag:s12], $0x1800  }
0xc5: {  	s15 =	simm.s32 @!p2 $0x12800;
	s14 =	simm.s32 @!p2 $0x80;
	[sflag:s12] =	ssyncset.done @!p2 $0x0  }
.LBB2_3:
0xc6: {  	[sflag:s12] =	ssyncadd.s32 @!p2 $0xFFFFE800;
	s9 =	simm.s32 $0xC  }
0xc7: {  	[tilespmem:s15], [sflag:$0xB] =	stream.indirect.gather @!p2 [hbm4b:s4+s14], $0x30, s13, s14, $0xb8;
	[tilespmem:$0x1B680] =	vst v63  }
0xc8: {  	_ =	swait.ge [sflag:s9], $0x1800  }
0xc9: {  	[sflag:s9] =	ssyncset.done $0x0  }
0xca: {  	s15 =	simm.s32 $0xD;
	[sflag:s9] =	ssyncadd.s32 $0xFFFFE800  }
0xcb: {  	_ =	swait.ge [sflag:s15], $0x1800  }
0xcc: {  	[sflag:s15] =	ssyncset.done $0x0  }
0xcd: {  	s16 =	simm.s32 $0xE;
	[sflag:s15] =	ssyncadd.s32 $0xFFFFE800  }
0xce: {  	_ =	swait.ge [sflag:s16], $0x1800  }
0xcf: {  	[sflag:s16] =	ssyncset.done $0x0  }
0xd0: {  	s10 =	simm.s32 $0xF;
	[sflag:s16] =	ssyncadd.s32 $0xFFFFE800  }
0xd1: {  	_ =	swait.ge [sflag:s10], $0x1800  }
0xd2: {  	[sflag:s10] =	ssyncset.done $0x0  }
0xd3: {  	s11 =	simm.s32 $0x10;
	[sflag:s10] =	ssyncadd.s32 $0xFFFFE800  }
0xd4: {  	_ =	swait.ge [sflag:s11], $0x1800  }
0xd5: {  	[sflag:s11] =	ssyncset.done $0x0  }
0xd6: {  	s12 =	simm.s32 $0x11;
	[sflag:s11] =	ssyncadd.s32 $0xFFFFE800  }
0xd7: {  	_ =	swait.ge [sflag:s12], $0x1800  }
0xd8: {  	[sflag:s12] =	ssyncset.done $0x0  }
0xd9: {  	s13 =	simm.s32 $0x12;
	[sflag:s12] =	ssyncadd.s32 $0xFFFFE800  }
0xda: {  	_ =	swait.ge [sflag:s13], $0x1800  }
0xdb: {  	[sflag:s13] =	ssyncset.done $0x0  }
0xdc: {  	s14 =	simm.s32 $0x13;
	[sflag:s13] =	ssyncadd.s32 $0xFFFFE800  }
0xdd: {  	_ =	swait.ge [sflag:s14], $0x1800  }
0xde: {  	[sflag:s14] =	ssyncset.done $0x0  }
0xdf: {  	[sflag:s14] =	ssyncadd.s32 $0xFFFFE800  }
0xe0: {  	[bflag:$0x0] =	sbarrier.arrive $0xFFFF  }
0xe1: {  	s15 =	rddreg [dreg:$0x3]  }
0xe2: {  	s10 =	rddreg [dreg:$0xb];
	s9 =	sor.u32 $0x1C14, s15  }
0xe3: {  	[hbm:s10], [sflag:s9] =	dma.local [spmem:s17], $0xED0  }
0xe4: {  	_ =	swait.ge [sflag:s7], $0xED0  }
0xe5: {  	s1 =	sadd.s32 $0x1, s1;
	s16 =	rddreg [dreg:$0xc]  }
0xe6: {  	p1 =	sne.s32 s1, s16  }
.Ltmp2:
0xe7: {  	_ = 	snop;
	(pc) =	sbr.rel @p1 .LBB2_1-.Ltmp2, $3  }
0xe8: {  	_ =	sdelay $0x1  }
0xe9: {  	[sflag:s7] =	ssyncset.done $0x0  }
0xea: {  	[sflag:s7] =	ssyncadd.s32 $0xFFFFF130  }
0xeb: {  	_ =	sfence.sel $0x180000  }
0xec: {  	[bflag:$0x0] =	sbarrier.arrive $0xFFFF  }
0xed: {  	_ =	strace $0x9000004A  }
0xee: {  	s0 =	stileid.u32;
	[bflag:$0x2] =	sbarrier.arrive $0xFFFF  }
0xef: {  	p0 =	sne.s32 s0, $0x0;
	s0 =	rddreg [dreg:$0x2]  }
0xf0: {  	s0 =	sadd.s32 @!p0 $0x100000, s0  }
0xf1: {  	[sflag:s0] =	ssyncadd.tile.s32 @!p0 $0x1;
	_ =	shalt  }
.Lfunc_end2:
_tile_overlayer_lowered:
.L_overlay_start_2:
0xf2: {  	(tag) =	ssettag $0x2  }
0xf3: {  	s0 =	rddreg [dreg:$0x0];
	s2 =	stileid.u32  }
0xf4: {  	s1 =	rddreg [dreg:$0x1];
	p0 =	sne.s32 s2, $0x0  }
0xf5: {  	s3 =	rddreg [dreg:$0x2];
	[bflag:$0x3] =	sbarrier.arrive $0xFFFF;
	s2 =	simm.s32 @!p0 $0x1C14  }
0xf6: {  	[timem:s3], [sflag:s2] =	dma.local @!p0 [hbm:s0], s1  }
0xf7: {  	s0 =	simm.s32 @!p0 $0x14  }
0xf8: {  	_ =	swait.ge @!p0 [sflag:s0], s1  }
0xf9: {  	s1 =	ssub.s32 @!p0 $0x0, s1;
	[sflag:s0] =	ssyncset.done @!p0 $0x0  }
0xfa: {  	[sflag:s0] =	ssyncadd.s32 @!p0 s1  }
0xfb: {  	[bflag:$0x3] =	sbarrier.arrive $0xFFFF  }
0xfc: {  	_ =	shalt  }

// kernel: kernel.7.cloned.1.call-start
scs
__scs_entry_jumppad:
0x0: {  	(pc) =	sbr.rel $0x88, $3  }
0x1: {  	(tag) =	ssettag $0x0;
	lr =	simm.s32 $0x1  }
0x2: {  	[smem:$0x3F94] =	sst lr;
	_ =	strace $0xD0000000  }
0x3: {  	_ = 	snop  }
0x4: {  	_ = 	snop  }
0x5: {  	_ = 	snop  }
0x6: {  	_ = 	snop  }
0x7: {  	_ = 	snop  }
__scs_overlays_trampoline_lowered:
0x8: {  	[smem:$0x3FA3] =	sst s0  }
0x9: {  	[smem:$0x3FA4] =	sst s1  }
0xa: {  	[smem:$0x3FA5] =	sst s2  }
0xb: {  	[smem:$0x3FA6] =	sst s3  }
0xc: {  	[smem:$0x3FA7] =	sst s4  }
0xd: {  	[smem:$0x3FA8] =	sst s5  }
0xe: {  	[smem:$0x3FA9] =	sst s6  }
0xf: {  	[smem:$0x3FAA] =	sst s7  }
0x10: {  	[smem:$0x3FAB] =	sst s8  }
0x11: {  	[smem:$0x3FAC] =	sst s9;
	s0 =	simm.s32 @!p0 $0x0  }
0x12: {  	s1 =	sld [smem:$0x3F92];
	s0 =	simm.s32 @p0 $0x1  }
0x13: {  	[smem:$0x3FAD] =	sst s0;
	s0 =	simm.s32 @!p1 $0x0  }
0x14: {  	s2 =	sld [smem:$0x3F91];
	s0 =	simm.s32 @p1 $0x1  }
0x15: {  	[smem:$0x3FAE] =	sst s0;
	s0 =	simm.s32 @!p2 $0x0  }
0x16: {  	s3 =	sld [smem:$0x3FDB];
	s0 =	simm.s32 @p2 $0x1  }
0x17: {  	s4 =	simm.s32 $0x1BF5;
	[smem:$0x3FB0] =	sst s0  }
0x18: {  	s0 =	sld [smem:$0x3F93];
	_ =	swait.ge [sflag:s4], $0x0  }
0x19: {  	s7 =	sld [smem:$0x3F94]  }
0x1a: {  	s8 =	sadd.s32 $0xFFFFE003, lr  }
0x1b: {  	s9 =	sadd.s32 $0xFFFFFEF7, lr;
	s5 =	simm.s32 $0xFFFFFFFF;
	p2 =	slt.u32 s8, $0xFFFFF086  }
0x1c: {  	p1 =	slt.u32 s9, $0xF7A;
	s5 =	simm.s32 @!p2 $0x0  }
0x1d: {  	s5 =	simm.s32 @p1 $0x1;
	p0 =	seq.s32 s7, s2  }
0x1e: {  	s7 =	smul.u32 @!p0 $0xF7A, s2;
	p2 =	seq.s32 @!p0 s5, $0x0  }
0x1f: {  	s9 =	smul.u32 $0xF7A, s1;
	s8 =	simm.s32 @!p0 $0x1BF5;
	p2 =	por !p2, p0  }
0x20: {  	[sflag:s8] =	ssyncset.s32 @!p0 $0xFFFFF086;
	s6 =	sadd.s32 @!p0 s3, s7;
	s7 =	simm.s32 @!p0 $0x108  }
0x21: {  	s3 =	sadd.s32 s3, s9;
	s6 =	sadd.s32 @!p0 $0x88, s6;
	s7 =	simm.s32 @p2 $0x1082  }
0x22: {  	[simem:s7], [sflag:s8] =	dma.local @!p0 [hbm:s6], $0xF7A  }
0x23: {  	s9 =	sor.u32 $0xD0000000, s2;
	s6 =	simm.s32 $0x108;
	_ =	swait.ge @!p0 [sflag:s8], $0x0  }
0x24: {  	s3 =	sadd.s32 $0x88, s3;
	s6 =	simm.s32 @!p1 $0x1082;
	[sflag:s4] =	ssyncset.s32 $0xFFFFF086  }
0x25: {  	[simem:s6], [sflag:s4] =	dma.local [hbm:s3], $0xF7A  }
0x26: {  	[smem:$0x3F94] =	sst s1;
	(tag) =	ssettag s2;
	_ =	strace s9  }
0x27: {  	s1 =	sld [smem:$0x3FA4]  }
0x28: {  	s2 =	sld [smem:$0x3FA5]  }
0x29: {  	s4 =	sld [smem:$0x3FA7]  }
0x2a: {  	p0 =	seq.s32 s5, $0x0;
	s5 =	sld [smem:$0x3FA8]  }
0x2b: {  	s6 =	sld [smem:$0x3FA9]  }
0x2c: {  	s7 =	sld [smem:$0x3FAA]  }
0x2d: {  	s3 =	simm.s32 $0x108;
	s8 =	sld [smem:$0x3FAB]  }
0x2e: {  	s3 =	simm.s32 @!p0 $0x1082;
	s9 =	sld [smem:$0x3FAC]  }
0x2f: {  	lr =	sadd.s32 s0, s3;
	s0 =	sld [smem:$0x3FA3]  }
0x30: {  	s3 =	sld [smem:$0x3FA6]  }
0x31: {  	[smem:$0x3FAF] =	sst s10  }
0x32: {  	s10 =	sld [smem:$0x3FAD];
	_ =	sdelay $0x3  }
0x33: {  	p0 =	seq.s32 s10, $0x1;
	s10 =	sld [smem:$0x3FAF];
	_ =	sdelay $0x3  }
0x34: {  	[smem:$0x3FAF] =	sst s10  }
0x35: {  	s10 =	sld [smem:$0x3FAE];
	_ =	sdelay $0x3  }
0x36: {  	p1 =	seq.s32 s10, $0x1;
	s10 =	sld [smem:$0x3FAF];
	_ =	sdelay $0x3  }
0x37: {  	[smem:$0x3FAF] =	sst s10  }
0x38: {  	s10 =	sld [smem:$0x3FB0]  }
0x39: {  	_ = 	snop;
	(pc) =	sbr.ind lr, $3  }
0x3a: {  	_ = 	snop  }
0x3b: {  	_ = 	snop  }
0x3c: {  	p2 =	seq.s32 s10, $0x1;
	s10 =	sld [smem:$0x3FAF]  }
0x3d: {  	_ =	shalt  }
0x3e: {  	_ =	shalt  }
0x3f: {  	_ =	shalt  }
0x40: {  	_ =	shalt  }
0x41: {  	_ =	shalt  }
0x42: {  	_ =	shalt  }
0x43: {  	_ =	shalt  }
0x44: {  	_ =	shalt  }
0x45: {  	_ =	shalt  }
0x46: {  	_ =	shalt  }
0x47: {  	_ =	shalt  }
0x48: {  	_ =	shalt  }
0x49: {  	_ =	shalt  }
0x4a: {  	_ =	shalt  }
0x4b: {  	_ =	shalt  }
0x4c: {  	_ =	shalt  }
0x4d: {  	_ =	shalt  }
0x4e: {  	_ =	shalt  }
0x4f: {  	_ =	shalt  }
0x50: {  	_ =	shalt  }
0x51: {  	_ =	shalt  }
0x52: {  	_ =	shalt  }
0x53: {  	_ =	shalt  }
0x54: {  	_ =	shalt  }
0x55: {  	_ =	shalt  }
0x56: {  	_ =	shalt  }
0x57: {  	_ =	shalt  }
0x58: {  	_ =	shalt  }
0x59: {  	_ =	shalt  }
0x5a: {  	_ =	shalt  }
0x5b: {  	_ =	shalt  }
0x5c: {  	_ =	shalt  }
0x5d: {  	_ =	shalt  }
0x5e: {  	_ =	shalt  }
0x5f: {  	_ =	shalt  }
0x60: {  	_ =	shalt  }
0x61: {  	_ =	shalt  }
0x62: {  	_ =	shalt  }
0x63: {  	_ =	shalt  }
0x64: {  	_ =	shalt  }
0x65: {  	_ =	shalt  }
0x66: {  	_ =	shalt  }
0x67: {  	_ =	shalt  }
0x68: {  	_ =	shalt  }
0x69: {  	_ =	shalt  }
0x6a: {  	_ =	shalt  }
0x6b: {  	_ =	shalt  }
0x6c: {  	_ =	shalt  }
0x6d: {  	_ =	shalt  }
0x6e: {  	_ =	shalt  }
0x6f: {  	_ =	shalt  }
0x70: {  	_ =	shalt  }
0x71: {  	_ =	shalt  }
0x72: {  	_ =	shalt  }
0x73: {  	_ =	shalt  }
0x74: {  	_ =	shalt  }
0x75: {  	_ =	shalt  }
0x76: {  	_ =	shalt  }
0x77: {  	_ =	shalt  }
0x78: {  	_ =	shalt  }
0x79: {  	_ =	shalt  }
0x7a: {  	_ =	shalt  }
0x7b: {  	_ =	shalt  }
0x7c: {  	_ =	shalt  }
0x7d: {  	_ =	shalt  }
0x7e: {  	_ =	shalt  }
0x7f: {  	_ =	shalt  }
0x80: {  	_ =	shalt  }
0x81: {  	_ =	shalt  }
0x82: {  	_ =	shalt  }
0x83: {  	_ =	shalt  }
0x84: {  	_ =	shalt  }
0x85: {  	_ =	shalt  }
0x86: {  	_ =	shalt  }
0x87: {  	_ =	shalt  }
.Lfunc_end0:
.L_simem_size_0:
called_computation_lowered:
.L_overlay_start_0:
0x88: {  	s2 =	sld [smem:$0x3FD9]  }
0x89: {  	s3 =	sld [smem:$0x3FFE];
	_ =	sdelay $0x1  }
0x8a: {  	s1 =	srdreg.scid  }
0x8b: {  	s0 =	sand.u32 $0x1, s1  }
0x8c: {  	s16 =	sshll.u32 s0, $0xA;
	s2 =	sadd.s32 s3, s2  }
0x8d: {  	s2 =	sadd.s32 s2, s16  }
0x8e: {  	[smem:$0x3FBB] =	sst s2  }
0x8f: {  	_ = 	snop  }
0x90: {  	(tm) =	ssettm $0x1  }
0x91: {  	s17 =	sld [smem:$0x3FFB];
	_ =	sdelay $0x3  }
0x92: {  	_ =	strace s17  }
0x93: {  	s2 =	sld [smem:$0x3FFC];
	_ =	sdelay $0x3  }
0x94: {  	_ =	strace s2  }
0x95: {  	s2 =	sld [smem:$0x3FFD];
	_ =	sdelay $0x3  }
0x96: {  	_ =	strace s2  }
0x97: {  	_ =	strace $0x8FFFFFFF  }
0x98: {  	s18 =	sld [smem:$0x3FDB];
	_ =	sdelay $0x1  }
0x99: {  	s19 =	simm.s32 $_scs_section_size  }
0x9a: {  	s4 =	simm.s32 $_size__tile_overlayer_lowered;
	s5 =	simm.s32 $_tile_overlayer_lowered  }
0x9b: {  	s22 =	simm.s32 $0x1BFF;
	s21 =	sshll.u32 s5, $0x1;
	s2 =	sadd.s32 s19, s18  }
0x9c: {  	s6 =	simm.s32 $0x0;
	s20 =	sshll.u32 s4, $0x1;
	s4 =	sadd.s32 s21, s2  }
0x9d: {  	[timem:s6], [sflag:s22] =	dma.local [hbm:s4], s20  }
0x9e: {  	_ =	swait.ge [sflag:s22], s20  }
0x9f: {  	s3 =	ssub.s32 $0x0, s20;
	[sflag:s22] =	ssyncset.done $0x0  }
0xa0: {  	[sflag:s22] =	ssyncadd.s32 s3;
	_ =	sdelay $0x1  }
0xa1: {  	s23 =	simm.s32 $0x1B8B  }
0xa2: {  	_ =	swait.ge [sflag:s23], $0x1  }
0xa3: {  	[sflag:s23] =	ssyncset.done $0x0  }
0xa4: {  	s25 =	simm.s32 $0x1B8E;
	s24 =	sld [smem:$0x3FFE];
	[sflag:s23] =	ssyncadd.s32 $0xFFFFFFFF  }
0xa5: {  	s26 =	simm.s32 $execute0_lowered;
	[smem:$0x3FD2] =	sst s25  }
0xa6: {  	s4 =	sshll.u32 s26, $0x1;
	_ =	strace $0x80000046;
	[dreg:$0x1] =	wrdreg $0xFFFFFFFF  }
0xa7: {  	s28 =	simm.s32 $_size_execute0_lowered;
	s2 =	sadd.s32 s2, s4;
	[dreg:$0x0] =	wrdreg $0x0  }
0xa8: {  	s4 =	sshll.u32 s28, $0x1;
	[dreg:$0x2] =	wrdreg s2  }
0xa9: {  	[dreg:$0x3] =	wrdreg s4  }
0xaa: {  	[dreg:$0x4] =	wrdreg $0xC0  }
0xab: {  	_ =	task [dreg:s6], $0x5FFFF  }
0xac: {  	[dreg:$0x1] =	wrdreg $0xFFFFFFFF  }
0xad: {  	[dreg:$0x0] =	wrdreg $0x60  }
0xae: {  	[dreg:$0x2] =	wrdreg s24  }
0xaf: {  	[dreg:$0x3] =	wrdreg $0x140000  }
0xb0: {  	[dreg:$0x4] =	wrdreg $0x9  }
0xb1: {  	_ =	task.clear_ibuf [dreg:s6], $0x5FFFF;
	_ =	strace $0x90000046  }
0xb2: {  	s29 =	simm.s32 $0x9;
	_ =	strace $0x80000048  }
0xb3: {  	_ =	swait.ge [sflag:s29], $0x1  }
0xb4: {  	[sflag:s29] =	ssyncadd.s32 $0xFFFFFFFF  }
0xb5: {  	_ =	strace $0x90000048  }
0xb6: {  	_ =	sfence  }
0xb7: {  	s30 =	sld [smem:$0x0];
	_ =	sdelay $0x2  }
0xb8: {  	s31 =	sshll.u32 s1, $0xD;
	s1 =	sshrl.u32 s1, $0x2  }
0xb9: {  	s3 =	sand.u32 $0x4000, s31;
	s1 =	sadd.s32 s1, s30  }
0xba: {  	s0 =	sor.u32 s3, s0;
	s1 =	sshll.u32 s1, $0x11  }
0xbb: {  	s0 =	sor.u32 s1, s0  }
0xbc: {  	s0 =	sadd.s32 $0x8F2B, s0  }
0xbd: {  	[sflag:s0] =	ssyncadd.remote.s32 $0x1  }
0xbe: {  	_ =	sfence.sel $0xFFFF  }
0xbf: {  	[dreg:$0x0] =	wrdreg $0xFFFFFFFF;
	(pc) =	sbr.abs _section_cstart, $3  }
0xc0: {  	[dreg:$0x1] =	wrdreg $0xFFFFFFFF  }
0xc1: {  	_ =	task.clear_ibuf [dreg:s6], $0x2FFFF;
	_ =	strace $0x9FFFFFFF  }
0xc2: {  	(tm) =	ssettm $0x7FFFFFFF  }
0xc3: {  	_ =	shalt  }
tec
execute0_lowered:
.L_overlay_start_1:
0x0: {  	(tag) =	ssettag $0x1  }
0x1: {  	s0 =	rddreg [dreg:$0x0]  }
0x2: {  	s2 =	rddreg [dreg:$0x1];
	s11 =	stileid.u32  }
0x3: {  	s1 =	srdreg.scid;
	s4 =	simm.s32 $0x0;
	s18 =	simm.s32 $0x8000  }
0x4: {  	s19 =	simm.s32 $0x9800;
	s28 =	simm.s32 $0xF800;
	s30 =	simm.s32 $0x11000  }
0x5: {  	s20 =	simm.s32 $0x5;
	s29 =	simm.s32 $0x9;
	s31 =	simm.s32 $0xA  }
0x6: {  	s3 =	smul.u32 $0x7680, s11;
	s1 =	sand.u32 $0x1, s1;
	[smem:$0x7FF] =	sst s4  }
0x7: {  	s4 =	sadd.s32 $0x1E00, s0;
	s7 =	sadd.s32 $0x10A00, s0;
	s12 =	sshll.u32 s11, $0x6  }
0x8: {  	s22 =	sshll.u32 s11, $0x9;
	s11 =	sshll.u32 s11, $0xB;
	s5 =	smul.u32 $0x76800, s1  }
0x9: {  	_ =	strace $0x80000047;
	s6 =	ssub.s32 $0x2, s1;
	p0 =	seq.s32 s1, $0x0  }
0xa: {  	[dreg:$0x3] =	wrdreg s12;
	s21 =	sor.u32 $0x1C01, s12;
	s8 =	sshrl.u32 s3, $0x3  }
0xb: {  	s9 =	sshrl.u32 s6, $0x1;
	[dreg:$0x5] =	wrdreg s21;
	s21 =	simm.s32 $0xB000  }
0xc: {  	s5 =	sadd.s32 s3, s5;
	s8 =	sadd.s32 s8, s0;
	s9 =	ssub.s32 s6, s9  }
0xd: {  	s6 =	simm.s32 $0x80;
	s3 =	sadd.s32 s3, s2;
	s5 =	sshrl.u32 s5, $0x3  }
0xe: {  	s6 =	simm.s32 @!p0 $0x20;
	s8 =	sadd.s32 $0x24A00, s8;
	s26 =	smax.u32 s9, $0x1  }
0xf: {  	p0 =	sne.s32 s1, $0x0;
	s17 =	sshrl.u32 s3, $0x3;
	s3 =	simm.s32 $0x4  }
0x10: {  	s1 =	simm.s32 $0x0;
	s10 =	sadd.s32 s5, s0;
	[dreg:$0x4] =	wrdreg s8  }
0x11: {  	s8 =	sor.u32 $0x8000, s22;
	s24 =	sshrl.u32 s6, $0x3;
	[dreg:$0xc] =	wrdreg s26  }
0x12: {  	s0 =	sadd.s32 $0x1AA00, s0;
	s23 =	sadd.s32 s7, s8;
	[dreg:$0xa] =	wrdreg s24  }
0x13: {  	s5 =	simm.s32 $0x80;
	s8 =	sadd.s32 s8, s0;
	[dreg:$0x6] =	wrdreg s23  }
0x14: {  	s22 =	simm.s32 $0x6;
	s7 =	sadd.s32 s7, s11;
	[dreg:$0x7] =	wrdreg s8  }
0x15: {  	s26 =	simm.s32 $0x8;
	s0 =	sadd.s32 s11, s0;
	[dreg:$0x8] =	wrdreg s7  }
0x16: {  	s25 =	sadd.s32 $0x33800, s10;
	s24 =	simm.s32 $0x7;
	[dreg:$0x9] =	wrdreg s0  }
0x17: {  	[dreg:$0xb] =	wrdreg s25;
	s23 =	simm.s32 $0xC800;
	s25 =	simm.s32 $0xE000  }
0x18: {  	s0 =	simm.s32 $0x12800;
	s8 =	simm.s32 $0xB;
	s7 =	simm.s32 $0x14  }
.LBB2_1:
0x19: {  	s9 =	rddreg [dreg:$0x4]  }
0x1a: {  	s10 =	rddreg [dreg:$0x5]  }
0x1b: {  	[spmem:s17], [sflag:s10] =	dma.local [hbm:s9], $0xED0  }
0x1c: {  	s9 =	simm.s32 @p0 $0x0;
	s10 =	rddreg [dreg:$0x6]  }
0x1d: {  	[tilespmem:s9], [sflag:$0x2] =	stream.linear.gather @p0 [hbm4b:s10+s9], $0x1000, $0x38;
	[tilespmem:$0x1B680] =	vst v63  }
0x1e: {  	s11 =	rddreg [dreg:$0x7];
	s10 =	simm.s32 @p0 $0x4000  }
0x1f: {  	[tilespmem:s10], [sflag:$0x3] =	stream.linear.gather @p0 [hbm4b:s11+s9], $0x1000, $0x38;
	[tilespmem:$0x1B680] =	vst v63  }
0x20: {  	s9 =	simm.s32 @p0 $0x2  }
0x21: {  	_ =	swait.ge @p0 [sflag:s9], $0x1000  }
0x22: {  	[sflag:s9] =	ssyncset.done @p0 $0x0  }
0x23: {  	[sflag:s9] =	ssyncadd.s32 @p0 $0xFFFFF000;
	s9 =	simm.s32 @p0 $0x3  }
0x24: {  	_ =	swait.ge @p0 [sflag:s9], $0x1000  }
0x25: {  	[sflag:s9] =	ssyncset.done @p0 $0x0  }
0x26: {  	s10 =	rddreg [dreg:$0x8];
	[sflag:s9] =	ssyncadd.s32 @p0 $0xFFFFF000;
	s9 =	simm.s32 @!p0 $0x0  }
0x27: {  	[tilespmem:s9], [sflag:$0x2] =	stream.linear.gather @!p0 [hbm4b:s10+s9], $0x4000, $0x38;
	[tilespmem:$0x1B680] =	vst v63  }
0x28: {  	s11 =	rddreg [dreg:$0x9];
	s10 =	simm.s32 @!p0 $0x4000  }
0x29: {  	[tilespmem:s10], [sflag:$0x3] =	stream.linear.gather @!p0 [hbm4b:s11+s9], $0x4000, $0x38;
	[tilespmem:$0x1B680] =	vst v63  }
0x2a: {  	s9 =	simm.s32 @!p0 $0x2  }
0x2b: {  	_ =	swait.ge @!p0 [sflag:s9], $0x4000  }
0x2c: {  	[sflag:s9] =	ssyncset.done @!p0 $0x0  }
0x2d: {  	[sflag:s9] =	ssyncadd.s32 @!p0 $0xFFFFC000;
	s9 =	simm.s32 @!p0 $0x3  }
0x2e: {  	_ =	swait.ge @!p0 [sflag:s9], $0x4000  }
0x2f: {  	[sflag:s9] =	ssyncset.done @!p0 $0x0  }
0x30: {  	s13 =	simm.s32 $0x0;
	[sflag:s9] =	ssyncadd.s32 @!p0 $0xFFFFC000  }
0x31: {  	[tilespmem:s18], [sflag:$0x4] =	stream.indirect.gather [hbm4b:s4+s5], $0x30, s13, s5, $0xb8;
	[tilespmem:$0x1B680] =	vst v63  }
0x32: {  	_ = 	snop  }
0x33: {  	[tilespmem:s19], [sflag:$0x5] =	stream.indirect.gather [hbm4b:s4+s5], $0x30, s5, s5, $0xb8;
	[tilespmem:$0x1B680] =	vst v63  }
0x34: {  	s14 =	simm.s32 $0x100  }
0x35: {  	[tilespmem:s21], [sflag:$0x6] =	stream.indirect.gather [hbm4b:s4+s5], $0x30, s14, s5, $0xb8;
	[tilespmem:$0x1B680] =	vst v63  }
0x36: {  	s15 =	simm.s32 $0x180  }
0x37: {  	[tilespmem:s23], [sflag:$0x7] =	stream.indirect.gather [hbm4b:s4+s5], $0x30, s15, s5, $0xb8;
	[tilespmem:$0x1B680] =	vst v63  }
0x38: {  	s16 =	simm.s32 $0x200  }
0x39: {  	[tilespmem:s25], [sflag:$0x8] =	stream.indirect.gather [hbm4b:s4+s5], $0x30, s16, s5, $0xb8;
	[tilespmem:$0x1B680] =	vst v63  }
0x3a: {  	s10 =	simm.s32 $0x280  }
0x3b: {  	[tilespmem:s28], [sflag:$0x9] =	stream.indirect.gather [hbm4b:s4+s5], $0x30, s10, s5, $0xb8;
	[tilespmem:$0x1B680] =	vst v63  }
0x3c: {  	s11 =	simm.s32 $0x300  }
0x3d: {  	[tilespmem:s30], [sflag:$0xA] =	stream.indirect.gather [hbm4b:s4+s5], $0x30, s11, s5, $0xb8;
	[tilespmem:$0x1B680] =	vst v63  }
0x3e: {  	s12 =	simm.s32 $0x380;
	s13 =	simm.s32 $0x1  }
0x3f: {  	[tilespmem:s0], [sflag:$0xB] =	stream.indirect.gather [hbm4b:s4+s5], $0x30, s12, s5, $0xb8;
	[tilespmem:$0x1B680] =	vst v63  }
0x40: {  	_ =	swait.ge [sflag:s13], $0xED0  }
0x41: {  	[sflag:s13] =	ssyncset.done $0x0  }
0x42: {  	[sflag:s13] =	ssyncadd.s32 $0xFFFFF130  }
0x43: {  	[bflag:$0x0] =	sbarrier.arrive $0xFFFF  }
0x44: {  	_ =	swait.ge [sflag:s3], $0x1800  }
0x45: {  	p1 =	sle.u32 s6, $0x8;
	[sflag:s3] =	ssyncset.done $0x0  }
0x46: {  	s9 =	simm.s32 @!p1 $0xC;
	s14 =	simm.s32 $0x4000;
	[sflag:s3] =	ssyncadd.s32 $0xFFFFE800  }
0x47: {  	[spmem:s2] =	stream.indirect.scatter.add.f32 [tilespmem:s18], [sflag:$0xC], $0x30, s14, s5, $0xb8;
	[tilespmem:$0x1B680] =	vst v63  }
0x48: {  	_ =	swait.ge @!p1 [sflag:s9], $0x1800  }
0x49: {  	s10 =	simm.s32 @!p1 $0x400;
	[sflag:s9] =	ssyncset.done @!p1 $0x0  }
0x4a: {  	s11 =	simm.s32 @!p1 $0x80;
	s12 =	simm.s32 @!p1 $0x8000;
	[sflag:s9] =	ssyncadd.s32 @!p1 $0xFFFFE800  }
0x4b: {  	[tilespmem:s12], [sflag:$0x4] =	stream.indirect.gather @!p1 [hbm4b:s4+s11], $0x30, s10, s11, $0xb8;
	[tilespmem:$0x1B680] =	vst v63  }
0x4c: {  	_ =	swait.ge [sflag:s20], $0x1800  }
0x4d: {  	p1 =	sle.u32 s6, $0x9;
	[sflag:s20] =	ssyncset.done $0x0  }
0x4e: {  	s15 =	simm.s32 $0x4080;
	s10 =	simm.s32 @!p1 $0xD;
	[sflag:s20] =	ssyncadd.s32 $0xFFFFE800  }
0x4f: {  	[spmem:s2] =	stream.indirect.scatter.add.f32 [tilespmem:s19], [sflag:$0xD], $0x30, s15, s5, $0xb8;
	[tilespmem:$0x1B680] =	vst v63  }
0x50: {  	_ =	swait.ge @!p1 [sflag:s10], $0x1800  }
0x51: {  	s9 =	simm.s32 @!p1 $0x480;
	[sflag:s10] =	ssyncset.done @!p1 $0x0  }
0x52: {  	s11 =	simm.s32 @!p1 $0x80;
	s12 =	simm.s32 @!p1 $0x9800;
	[sflag:s10] =	ssyncadd.s32 @!p1 $0xFFFFE800  }
0x53: {  	[tilespmem:s12], [sflag:$0x5] =	stream.indirect.gather @!p1 [hbm4b:s4+s11], $0x30, s9, s11, $0xb8;
	[tilespmem:$0x1B680] =	vst v63  }
0x54: {  	_ =	swait.ge [sflag:s22], $0x1800  }
0x55: {  	p1 =	sle.u32 s6, $0xA;
	[sflag:s22] =	ssyncset.done $0x0  }
0x56: {  	s16 =	simm.s32 $0x4100;
	s10 =	simm.s32 @!p1 $0xE;
	[sflag:s22] =	ssyncadd.s32 $0xFFFFE800  }
0x57: {  	[spmem:s2] =	stream.indirect.scatter.add.f32 [tilespmem:s21], [sflag:$0xE], $0x30, s16, s5, $0xb8;
	[tilespmem:$0x1B680] =	vst v63  }
0x58: {  	_ =	swait.ge @!p1 [sflag:s10], $0x1800  }
0x59: {  	s9 =	simm.s32 @!p1 $0x500;
	[sflag:s10] =	ssyncset.done @!p1 $0x0  }
0x5a: {  	s11 =	simm.s32 @!p1 $0x80;
	s12 =	simm.s32 @!p1 $0xB000;
	[sflag:s10] =	ssyncadd.s32 @!p1 $0xFFFFE800  }
0x5b: {  	[tilespmem:s12], [sflag:$0x6] =	stream.indirect.gather @!p1 [hbm4b:s4+s11], $0x30, s9, s11, $0xb8;
	[tilespmem:$0x1B680] =	vst v63  }
0x5c: {  	_ =	swait.ge [sflag:s24], $0x1800  }
0x5d: {  	p1 =	sle.u32 s6, $0xB;
	[sflag:s24] =	ssyncset.done $0x0  }
0x5e: {  	s11 =	simm.s32 $0x4180;
	s10 =	simm.s32 @!p1 $0xF;
	[sflag:s24] =	ssyncadd.s32 $0xFFFFE800  }
0x5f: {  	[spmem:s2] =	stream.indirect.scatter.add.f32 [tilespmem:s23], [sflag:$0xF], $0x30, s11, s5, $0xb8;
	[tilespmem:$0x1B680] =	vst v63  }
0x60: {  	_ =	swait.ge @!p1 [sflag:s10], $0x1800  }
0x61: {  	s9 =	simm.s32 @!p1 $0x580;
	[sflag:s10] =	ssyncset.done @!p1 $0x0  }
0x62: {  	s12 =	simm.s32 @!p1 $0xC800;
	s11 =	simm.s32 @!p1 $0x80;
	[sflag:s10] =	ssyncadd.s32 @!p1 $0xFFFFE800  }
0x63: {  	[tilespmem:s12], [sflag:$0x7] =	stream.indirect.gather @!p1 [hbm4b:s4+s11], $0x30, s9, s11, $0xb8;
	[tilespmem:$0x1B680] =	vst v63  }
0x64: {  	_ =	swait.ge [sflag:s26], $0x1800  }
0x65: {  	p1 =	sle.u32 s6, $0xC;
	[sflag:s26] =	ssyncset.done $0x0  }
0x66: {  	s12 =	simm.s32 $0x4200;
	s10 =	simm.s32 @!p1 $0x10;
	[sflag:s26] =	ssyncadd.s32 $0xFFFFE800  }
0x67: {  	[spmem:s2] =	stream.indirect.scatter.add.f32 [tilespmem:s25], [sflag:$0x10], $0x30, s12, s5, $0xb8;
	[tilespmem:$0x1B680] =	vst v63  }
0x68: {  	_ =	swait.ge @!p1 [sflag:s10], $0x1800  }
0x69: {  	s9 =	simm.s32 @!p1 $0x600;
	[sflag:s10] =	ssyncset.done @!p1 $0x0  }
0x6a: {  	s11 =	simm.s32 @!p1 $0x80;
	s12 =	simm.s32 @!p1 $0xE000;
	[sflag:s10] =	ssyncadd.s32 @!p1 $0xFFFFE800  }
0x6b: {  	[tilespmem:s12], [sflag:$0x8] =	stream.indirect.gather @!p1 [hbm4b:s4+s11], $0x30, s9, s11, $0xb8;
	[tilespmem:$0x1B680] =	vst v63  }
0x6c: {  	_ =	swait.ge [sflag:s29], $0x1800  }
0x6d: {  	p1 =	sle.u32 s6, $0xD;
	[sflag:s29] =	ssyncset.done $0x0  }
0x6e: {  	s13 =	simm.s32 $0x4280;
	s10 =	simm.s32 @!p1 $0x11;
	[sflag:s29] =	ssyncadd.s32 $0xFFFFE800  }
0x6f: {  	[spmem:s2] =	stream.indirect.scatter.add.f32 [tilespmem:s28], [sflag:$0x11], $0x30, s13, s5, $0xb8;
	[tilespmem:$0x1B680] =	vst v63  }
0x70: {  	_ =	swait.ge @!p1 [sflag:s10], $0x1800  }
0x71: {  	s9 =	simm.s32 @!p1 $0x680;
	[sflag:s10] =	ssyncset.done @!p1 $0x0  }
0x72: {  	s11 =	simm.s32 @!p1 $0x80;
	s12 =	simm.s32 @!p1 $0xF800;
	[sflag:s10] =	ssyncadd.s32 @!p1 $0xFFFFE800  }
0x73: {  	[tilespmem:s12], [sflag:$0x9] =	stream.indirect.gather @!p1 [hbm4b:s4+s11], $0x30, s9, s11, $0xb8;
	[tilespmem:$0x1B680] =	vst v63  }
0x74: {  	_ =	swait.ge [sflag:s31], $0x1800  }
0x75: {  	p1 =	sle.u32 s6, $0xE;
	[sflag:s31] =	ssyncset.done $0x0  }
0x76: {  	s14 =	simm.s32 $0x4300;
	s10 =	simm.s32 @!p1 $0x12;
	[sflag:s31] =	ssyncadd.s32 $0xFFFFE800  }
0x77: {  	[spmem:s2] =	stream.indirect.scatter.add.f32 [tilespmem:s30], [sflag:$0x12], $0x30, s14, s5, $0xb8;
	[tilespmem:$0x1B680] =	vst v63  }
0x78: {  	_ =	swait.ge @!p1 [sflag:s10], $0x1800  }
0x79: {  	s9 =	simm.s32 @!p1 $0x700;
	[sflag:s10] =	ssyncset.done @!p1 $0x0  }
0x7a: {  	s11 =	simm.s32 @!p1 $0x80;
	s12 =	simm.s32 @!p1 $0x11000;
	[sflag:s10] =	ssyncadd.s32 @!p1 $0xFFFFE800  }
0x7b: {  	[tilespmem:s12], [sflag:$0xA] =	stream.indirect.gather @!p1 [hbm4b:s4+s11], $0x30, s9, s11, $0xb8;
	[tilespmem:$0x1B680] =	vst v63  }
0x7c: {  	_ =	swait.ge [sflag:s8], $0x1800  }
0x7d: {  	s15 =	rddreg [dreg:$0xa]  }
0x7e: {  	s9 =	sadd.s32 $0xFFFFFFFF, s15  }
0x7f: {  	p2 =	sle.u32 s6, $0xF;
	p1 =	sne.s32 s9, $0x0  }
.Ltmp0:
0x80: {  	s16 =	simm.s32 $0x4380;
	[sflag:s8] =	ssyncset.done $0x0;
	(pc) =	sbr.rel @!p1 .LBB2_3-.Ltmp0, $4  }
0x81: {  	s13 =	simm.s32 @!p2 $0x780;
	s12 =	simm.s32 @!p2 $0x13;
	[sflag:s8] =	ssyncadd.s32 $0xFFFFE800  }
0x82: {  	[spmem:s2] =	stream.indirect.scatter.add.f32 [tilespmem:s0], [sflag:$0x13], $0x30, s16, s5, $0xb8;
	[tilespmem:$0x1B680] =	vst v63  }
0x83: {  	s14 =	simm.s32 @!p2 $0x80;
	s10 =	simm.s32 $0x10;
	_ =	swait.ge @!p2 [sflag:s12], $0x1800  }
0x84: {  	s11 =	simm.s32 $0x0;
	s15 =	simm.s32 @!p2 $0x12800;
	[sflag:s12] =	ssyncset.done @!p2 $0x0  }
.LBB2_2:
0x85: {  	s9 =	sadd.s32 $0xFFFFFFFF, s9;
	[sflag:s12] =	ssyncadd.s32 @!p2 $0xFFFFE800;
	s11 =	sadd.s32 $0x1000, s11  }
0x86: {  	[tilespmem:s15], [sflag:$0xB] =	stream.indirect.gather @!p2 [hbm4b:s4+s14], $0x30, s13, s14, $0xb8;
	[tilespmem:$0x1B680] =	vst v63  }
0x87: {  	p1 =	sne.s32 s9, $0x0;
	_ =	swait.ge [sflag:s3], $0x1800  }
0x88: {  	s12 =	sshra.s32 s11, $0x2;
	[sflag:s3] =	ssyncset.done $0x0  }
0x89: {  	p2 =	sge.u32 s10, s6;
	s13 =	sadd.s32 $0x4000, s12;
	[sflag:s3] =	ssyncadd.s32 $0xFFFFE800  }
0x8a: {  	[spmem:s2] =	stream.indirect.scatter.add.f32 [tilespmem:s18], [sflag:$0xC], $0x30, s13, s5, $0xb8;
	[tilespmem:$0x1B680] =	vst v63  }
0x8b: {  	s14 =	sshra.s32 @!p2 s11, $0x2;
	s13 =	simm.s32 @!p2 $0xC  }
0x8c: {  	s14 =	sadd.s32 @!p2 $0x400, s14;
	_ =	swait.ge @!p2 [sflag:s13], $0x1800  }
0x8d: {  	s15 =	simm.s32 @!p2 $0x80;
	s16 =	simm.s32 @!p2 $0x8000;
	[sflag:s13] =	ssyncset.done @!p2 $0x0  }
0x8e: {  	[sflag:s13] =	ssyncadd.s32 @!p2 $0xFFFFE800  }
0x8f: {  	[tilespmem:s16], [sflag:$0x4] =	stream.indirect.gather @!p2 [hbm4b:s4+s15], $0x30, s14, s15, $0xb8;
	[tilespmem:$0x1B680] =	vst v63  }
0x90: {  	s13 =	sadd.s32 $0x1, s10;
	_ =	swait.ge [sflag:s20], $0x1800  }
0x91: {  	s14 =	sadd.s32 $0x4080, s12;
	p2 =	sge.u32 s13, s6;
	[sflag:s20] =	ssyncset.done $0x0  }
0x92: {  	s13 =	simm.s32 @!p2 $0xD;
	s15 =	sshra.s32 @!p2 s11, $0x2;
	[sflag:s20] =	ssyncadd.s32 $0xFFFFE800  }
0x93: {  	[spmem:s2] =	stream.indirect.scatter.add.f32 [tilespmem:s19], [sflag:$0xD], $0x30, s14, s5, $0xb8;
	[tilespmem:$0x1B680] =	vst v63  }
0x94: {  	s14 =	sadd.s32 @!p2 $0x480, s15;
	_ =	swait.ge @!p2 [sflag:s13], $0x1800  }
0x95: {  	s16 =	simm.s32 @!p2 $0x9800;
	s15 =	simm.s32 @!p2 $0x80;
	[sflag:s13] =	ssyncset.done @!p2 $0x0  }
0x96: {  	[sflag:s13] =	ssyncadd.s32 @!p2 $0xFFFFE800  }
0x97: {  	[tilespmem:s16], [sflag:$0x5] =	stream.indirect.gather @!p2 [hbm4b:s4+s15], $0x30, s14, s15, $0xb8;
	[tilespmem:$0x1B680] =	vst v63  }
0x98: {  	s13 =	sadd.s32 $0x2, s10;
	_ =	swait.ge [sflag:s22], $0x1800  }
0x99: {  	s14 =	sadd.s32 $0x4100, s12;
	p2 =	sge.u32 s13, s6;
	[sflag:s22] =	ssyncset.done $0x0  }
0x9a: {  	s13 =	simm.s32 @!p2 $0xE;
	s15 =	sshra.s32 @!p2 s11, $0x2;
	[sflag:s22] =	ssyncadd.s32 $0xFFFFE800  }
0x9b: {  	[spmem:s2] =	stream.indirect.scatter.add.f32 [tilespmem:s21], [sflag:$0xE], $0x30, s14, s5, $0xb8;
	[tilespmem:$0x1B680] =	vst v63  }
0x9c: {  	s14 =	sadd.s32 @!p2 $0x500, s15;
	_ =	swait.ge @!p2 [sflag:s13], $0x1800  }
0x9d: {  	s16 =	simm.s32 @!p2 $0xB000;
	s15 =	simm.s32 @!p2 $0x80;
	[sflag:s13] =	ssyncset.done @!p2 $0x0  }
0x9e: {  	[sflag:s13] =	ssyncadd.s32 @!p2 $0xFFFFE800  }
0x9f: {  	[tilespmem:s16], [sflag:$0x6] =	stream.indirect.gather @!p2 [hbm4b:s4+s15], $0x30, s14, s15, $0xb8;
	[tilespmem:$0x1B680] =	vst v63  }
0xa0: {  	s13 =	sadd.s32 $0x3, s10;
	_ =	swait.ge [sflag:s24], $0x1800  }
0xa1: {  	s14 =	sadd.s32 $0x4180, s12;
	p2 =	sge.u32 s13, s6;
	[sflag:s24] =	ssyncset.done $0x0  }
0xa2: {  	s13 =	simm.s32 @!p2 $0xF;
	s15 =	sshra.s32 @!p2 s11, $0x2;
	[sflag:s24] =	ssyncadd.s32 $0xFFFFE800  }
0xa3: {  	[spmem:s2] =	stream.indirect.scatter.add.f32 [tilespmem:s23], [sflag:$0xF], $0x30, s14, s5, $0xb8;
	[tilespmem:$0x1B680] =	vst v63  }
0xa4: {  	s14 =	sadd.s32 @!p2 $0x580, s15;
	_ =	swait.ge @!p2 [sflag:s13], $0x1800  }
0xa5: {  	s16 =	simm.s32 @!p2 $0xC800;
	s15 =	simm.s32 @!p2 $0x80;
	[sflag:s13] =	ssyncset.done @!p2 $0x0  }
0xa6: {  	[sflag:s13] =	ssyncadd.s32 @!p2 $0xFFFFE800  }
0xa7: {  	[tilespmem:s16], [sflag:$0x7] =	stream.indirect.gather @!p2 [hbm4b:s4+s15], $0x30, s14, s15, $0xb8;
	[tilespmem:$0x1B680] =	vst v63  }
0xa8: {  	s13 =	sadd.s32 $0x4, s10;
	_ =	swait.ge [sflag:s26], $0x1800  }
0xa9: {  	s14 =	sadd.s32 $0x4200, s12;
	p2 =	sge.u32 s13, s6;
	[sflag:s26] =	ssyncset.done $0x0  }
0xaa: {  	s13 =	simm.s32 @!p2 $0x10;
	s15 =	sshra.s32 @!p2 s11, $0x2;
	[sflag:s26] =	ssyncadd.s32 $0xFFFFE800  }
0xab: {  	[spmem:s2] =	stream.indirect.scatter.add.f32 [tilespmem:s25], [sflag:$0x10], $0x30, s14, s5, $0xb8;
	[tilespmem:$0x1B680] =	vst v63  }
0xac: {  	s14 =	sadd.s32 @!p2 $0x600, s15;
	_ =	swait.ge @!p2 [sflag:s13], $0x1800  }
0xad: {  	s16 =	simm.s32 @!p2 $0xE000;
	s15 =	simm.s32 @!p2 $0x80;
	[sflag:s13] =	ssyncset.done @!p2 $0x0  }
0xae: {  	[sflag:s13] =	ssyncadd.s32 @!p2 $0xFFFFE800  }
0xaf: {  	[tilespmem:s16], [sflag:$0x8] =	stream.indirect.gather @!p2 [hbm4b:s4+s15], $0x30, s14, s15, $0xb8;
	[tilespmem:$0x1B680] =	vst v63  }
0xb0: {  	s13 =	sadd.s32 $0x5, s10;
	_ =	swait.ge [sflag:s29], $0x1800  }
0xb1: {  	s14 =	sadd.s32 $0x4280, s12;
	p2 =	sge.u32 s13, s6;
	[sflag:s29] =	ssyncset.done $0x0  }
0xb2: {  	s13 =	simm.s32 @!p2 $0x11;
	s15 =	sshra.s32 @!p2 s11, $0x2;
	[sflag:s29] =	ssyncadd.s32 $0xFFFFE800  }
0xb3: {  	[spmem:s2] =	stream.indirect.scatter.add.f32 [tilespmem:s28], [sflag:$0x11], $0x30, s14, s5, $0xb8;
	[tilespmem:$0x1B680] =	vst v63  }
0xb4: {  	s14 =	sadd.s32 @!p2 $0x680, s15;
	_ =	swait.ge @!p2 [sflag:s13], $0x1800  }
0xb5: {  	s16 =	simm.s32 @!p2 $0xF800;
	s15 =	simm.s32 @!p2 $0x80;
	[sflag:s13] =	ssyncset.done @!p2 $0x0  }
0xb6: {  	[sflag:s13] =	ssyncadd.s32 @!p2 $0xFFFFE800  }
0xb7: {  	[tilespmem:s16], [sflag:$0x9] =	stream.indirect.gather @!p2 [hbm4b:s4+s15], $0x30, s14, s15, $0xb8;
	[tilespmem:$0x1B680] =	vst v63  }
0xb8: {  	s13 =	sadd.s32 $0x6, s10;
	_ =	swait.ge [sflag:s31], $0x1800  }
0xb9: {  	s14 =	sadd.s32 $0x4300, s12;
	p2 =	sge.u32 s13, s6;
	[sflag:s31] =	ssyncset.done $0x0  }
0xba: {  	s13 =	simm.s32 @!p2 $0x12;
	s15 =	sshra.s32 @!p2 s11, $0x2;
	[sflag:s31] =	ssyncadd.s32 $0xFFFFE800  }
0xbb: {  	[spmem:s2] =	stream.indirect.scatter.add.f32 [tilespmem:s30], [sflag:$0x12], $0x30, s14, s5, $0xb8;
	[tilespmem:$0x1B680] =	vst v63  }
0xbc: {  	s14 =	sadd.s32 @!p2 $0x700, s15;
	_ =	swait.ge @!p2 [sflag:s13], $0x1800  }
0xbd: {  	s16 =	simm.s32 @!p2 $0x11000;
	s15 =	simm.s32 @!p2 $0x80;
	[sflag:s13] =	ssyncset.done @!p2 $0x0  }
0xbe: {  	[sflag:s13] =	ssyncadd.s32 @!p2 $0xFFFFE800  }
0xbf: {  	[tilespmem:s16], [sflag:$0xA] =	stream.indirect.gather @!p2 [hbm4b:s4+s15], $0x30, s14, s15, $0xb8;
	[tilespmem:$0x1B680] =	vst v63  }
0xc0: {  	s13 =	sadd.s32 $0x7, s10;
	s14 =	sadd.s32 $0x4380, s12;
	_ =	swait.ge [sflag:s8], $0x1800  }
.Ltmp1:
0xc1: {  	p2 =	sge.u32 s13, s6;
	[sflag:s8] =	ssyncset.done $0x0;
	(pc) =	sbr.rel @p1 .LBB2_2-.Ltmp1, $4  }
0xc2: {  	s12 =	simm.s32 @!p2 $0x13;
	s13 =	sshra.s32 @!p2 s11, $0x2;
	[sflag:s8] =	ssyncadd.s32 $0xFFFFE800  }
0xc3: {  	[spmem:s2] =	stream.indirect.scatter.add.f32 [tilespmem:s0], [sflag:$0x13], $0x30, s14, s5, $0xb8;
	[tilespmem:$0x1B680] =	vst v63  }
0xc4: {  	s10 =	sadd.s32 $0x8, s10;
	s13 =	sadd.s32 @!p2 $0x780, s13;
	_ =	swait.ge @!p2 [sflag:s12], $0x1800  }
0xc5: {  	s15 =	simm.s32 @!p2 $0x12800;
	s14 =	simm.s32 @!p2 $0x80;
	[sflag:s12] =	ssyncset.done @!p2 $0x0  }
.LBB2_3:
0xc6: {  	[sflag:s12] =	ssyncadd.s32 @!p2 $0xFFFFE800;
	s9 =	simm.s32 $0xC  }
0xc7: {  	[tilespmem:s15], [sflag:$0xB] =	stream.indirect.gather @!p2 [hbm4b:s4+s14], $0x30, s13, s14, $0xb8;
	[tilespmem:$0x1B680] =	vst v63  }
0xc8: {  	_ =	swait.ge [sflag:s9], $0x1800  }
0xc9: {  	[sflag:s9] =	ssyncset.done $0x0  }
0xca: {  	s15 =	simm.s32 $0xD;
	[sflag:s9] =	ssyncadd.s32 $0xFFFFE800  }
0xcb: {  	_ =	swait.ge [sflag:s15], $0x1800  }
0xcc: {  	[sflag:s15] =	ssyncset.done $0x0  }
0xcd: {  	s16 =	simm.s32 $0xE;
	[sflag:s15] =	ssyncadd.s32 $0xFFFFE800  }
0xce: {  	_ =	swait.ge [sflag:s16], $0x1800  }
0xcf: {  	[sflag:s16] =	ssyncset.done $0x0  }
0xd0: {  	s10 =	simm.s32 $0xF;
	[sflag:s16] =	ssyncadd.s32 $0xFFFFE800  }
0xd1: {  	_ =	swait.ge [sflag:s10], $0x1800  }
0xd2: {  	[sflag:s10] =	ssyncset.done $0x0  }
0xd3: {  	s11 =	simm.s32 $0x10;
	[sflag:s10] =	ssyncadd.s32 $0xFFFFE800  }
0xd4: {  	_ =	swait.ge [sflag:s11], $0x1800  }
0xd5: {  	[sflag:s11] =	ssyncset.done $0x0  }
0xd6: {  	s12 =	simm.s32 $0x11;
	[sflag:s11] =	ssyncadd.s32 $0xFFFFE800  }
0xd7: {  	_ =	swait.ge [sflag:s12], $0x1800  }
0xd8: {  	[sflag:s12] =	ssyncset.done $0x0  }
0xd9: {  	s13 =	simm.s32 $0x12;
	[sflag:s12] =	ssyncadd.s32 $0xFFFFE800  }
0xda: {  	_ =	swait.ge [sflag:s13], $0x1800  }
0xdb: {  	[sflag:s13] =	ssyncset.done $0x0  }
0xdc: {  	s14 =	simm.s32 $0x13;
	[sflag:s13] =	ssyncadd.s32 $0xFFFFE800  }
0xdd: {  	_ =	swait.ge [sflag:s14], $0x1800  }
0xde: {  	[sflag:s14] =	ssyncset.done $0x0  }
0xdf: {  	[sflag:s14] =	ssyncadd.s32 $0xFFFFE800  }
0xe0: {  	[bflag:$0x0] =	sbarrier.arrive $0xFFFF  }
0xe1: {  	s15 =	rddreg [dreg:$0x3]  }
0xe2: {  	s10 =	rddreg [dreg:$0xb];
	s9 =	sor.u32 $0x1C14, s15  }
0xe3: {  	[hbm:s10], [sflag:s9] =	dma.local [spmem:s17], $0xED0  }
0xe4: {  	_ =	swait.ge [sflag:s7], $0xED0  }
0xe5: {  	s1 =	sadd.s32 $0x1, s1;
	s16 =	rddreg [dreg:$0xc]  }
0xe6: {  	p1 =	sne.s32 s1, s16  }
.Ltmp2:
0xe7: {  	_ = 	snop;
	(pc) =	sbr.rel @p1 .LBB2_1-.Ltmp2, $3  }
0xe8: {  	_ =	sdelay $0x1  }
0xe9: {  	[sflag:s7] =	ssyncset.done $0x0  }
0xea: {  	[sflag:s7] =	ssyncadd.s32 $0xFFFFF130  }
0xeb: {  	_ =	sfence.sel $0x180000  }
0xec: {  	[bflag:$0x0] =	sbarrier.arrive $0xFFFF  }
0xed: {  	_ =	strace $0x90000047  }
0xee: {  	s0 =	stileid.u32;
	[bflag:$0x2] =	sbarrier.arrive $0xFFFF  }
0xef: {  	p0 =	sne.s32 s0, $0x0;
	s0 =	rddreg [dreg:$0x2]  }
0xf0: {  	s0 =	sadd.s32 @!p0 $0x100000, s0  }
0xf1: {  	[sflag:s0] =	ssyncadd.tile.s32 @!p0 $0x1;
	_ =	shalt  }
.Lfunc_end2:
_tile_overlayer_lowered:
.L_overlay_start_2:
0xf2: {  	(tag) =	ssettag $0x2  }
0xf3: {  	s0 =	rddreg [dreg:$0x0];
	s2 =	stileid.u32  }
0xf4: {  	s1 =	rddreg [dreg:$0x1];
	p0 =	sne.s32 s2, $0x0  }
0xf5: {  	s3 =	rddreg [dreg:$0x2];
	[bflag:$0x3] =	sbarrier.arrive $0xFFFF;
	s2 =	simm.s32 @!p0 $0x1C14  }
0xf6: {  	[timem:s3], [sflag:s2] =	dma.local @!p0 [hbm:s0], s1  }
0xf7: {  	s0 =	simm.s32 @!p0 $0x14  }
0xf8: {  	_ =	swait.ge @!p0 [sflag:s0], s1  }
0xf9: {  	s1 =	ssub.s32 @!p0 $0x0, s1;
	[sflag:s0] =	ssyncset.done @!p0 $0x0  }
0xfa: {  	[sflag:s0] =	ssyncadd.s32 @!p0 s1  }
0xfb: {  	[bflag:$0x3] =	sbarrier.arrive $0xFFFF  }
0xfc: {  	_ =	shalt  }

</sc_bundles>
